<compile_context>
chip_gen: v7x
topology: tpu7x:2x2x1
jax: 0.10.2.dev20260603
libtpu: 0.0.44.dev20260713+nightly
codegen_flags: <defaults>
</compile_context>

<pallas_src>
import jax
import jax.numpy as jnp
from jax import lax
from jax.experimental import pallas as pl
from jax.experimental.pallas import tpu as pltpu
from jax.experimental.pallas import tpu_sc as plsc

_NUM_EMBED = 384
_N = 200000
_B = 128
_NBLK_FULL = _N // _B
_NC, _NS, _L = 2, 16, 16
_NW = _NC * _NS
_T = 49
_NBLK = _NW * _T


def _body(fused_hbm, idx_hbm, out_hbm, shared, idxw,
          ix0, iy0, iz0, ix1, iy1, iz1,
          bx0, by0, bz0, bx1, by1, bz1,
          sem_i, sem_gx0, sem_gy0, sem_gz0, sem_gx1, sem_gy1, sem_gz1,
          sem_w0, sem_w1):
  cid = lax.axis_index("c")
  sid = lax.axis_index("s")
  wid = sid * _NC + cid

  ix = (ix0, ix1)
  iy = (iy0, iy1)
  iz = (iz0, iz1)
  bx = (bx0, bx1)
  by = (by0, by1)
  bz = (bz0, bz1)
  sem_gx = (sem_gx0, sem_gx1)
  sem_gy = (sem_gy0, sem_gy1)
  sem_gz = (sem_gz0, sem_gz1)
  sem_w = (sem_w0, sem_w1)

  ci = pltpu.async_copy(idx_hbm.at[wid], idxw, sem_i)

  @pl.when(sid == 0)
  def _stage():
    pltpu.sync_copy(fused_hbm, shared)

  plsc.subcore_barrier()
  ci.wait()

  def out_base(t):
    b = wid * _T + t
    base = jnp.minimum(b, _NBLK_FULL) * _B
    base = base - jnp.where(b == _NBLK_FULL, _B // 2, 0)
    return jnp.where(b > _NBLK_FULL, 0, base)

  def start_block(t, s):
    for g in range(_B // _L):
      sl = pl.ds(g * _L, _L)
      w = idxw[t, sl]
      d = lax.shift_right_logical(w, 24)
      px = w & 0xFF
      py = lax.shift_right_logical(w, 8) & 0xFF
      pz = lax.shift_right_logical(w, 16) & 0xFF
      ix[s][sl] = px * 4 + d
      iy[s][sl] = py * 4 + d + 512
      iz[s][sl] = pz * 4 + d + 1024
    pltpu.make_async_copy(shared.at[ix[s]], bx[s], sem_gx[s]).start()
    pltpu.make_async_copy(shared.at[iy[s]], by[s], sem_gy[s]).start()
    pltpu.make_async_copy(shared.at[iz[s]], bz[s], sem_gz[s]).start()

  def wait_gather_x(s):
    pltpu.make_async_copy(shared.at[ix[s]], bx[s], sem_gx[s]).wait()

  def wait_gather_y(s):
    pltpu.make_async_copy(shared.at[iy[s]], by[s], sem_gy[s]).wait()

  def wait_gather_z(s):
    pltpu.make_async_copy(shared.at[iz[s]], bz[s], sem_gz[s]).wait()

  def write_descs(t, s):
    base = out_base(t)
    return (
        pltpu.make_async_copy(
            bx[s], out_hbm.at[pl.ds(base, _B), pl.ds(0, 128)], sem_w[s]),
        pltpu.make_async_copy(
            by[s], out_hbm.at[pl.ds(base, _B), pl.ds(128, 128)], sem_w[s]),
        pltpu.make_async_copy(
            bz[s], out_hbm.at[pl.ds(base, _B), pl.ds(256, 128)], sem_w[s]),
    )

  def finish_block(t, s):
    wx, wy, wz = write_descs(t, s)
    wait_gather_x(s)
    wx.start()
    wait_gather_y(s)
    wy.start()
    wait_gather_z(s)
    wz.start()

  def wait_writes(t, s):
    for c in write_descs(t, s):
      c.wait()

  start_block(0, 0)
  start_block(1, 1)
  finish_block(0, 0)
  finish_block(1, 1)

  def loop_body(i, carry):
    t0 = 2 * i
    wait_writes(t0 - 2, 0)
    start_block(t0, 0)
    finish_block(t0, 0)
    wait_writes(t0 - 1, 1)
    start_block(t0 + 1, 1)
    finish_block(t0 + 1, 1)
    return carry

  lax.fori_loop(1, (_T - 1) // 2, loop_body, 0)

  t_last = _T - 1
  wait_writes(t_last - 2, 0)
  start_block(t_last, 0)
  finish_block(t_last, 0)
  wait_writes(t_last - 1, 1)
  wait_writes(t_last, 0)


@jax.jit
def _run(fused, idx_packed):
  mesh = plsc.VectorSubcoreMesh(core_axis_name="c", subcore_axis_name="s")
  return pl.kernel(
      _body,
      out_type=jax.ShapeDtypeStruct((_N, _NUM_EMBED), jnp.float32),
      mesh=mesh,
      scratch_types=[
          pltpu.VMEM_SHARED((3 * 512, 128), jnp.float32),
          pltpu.VMEM((_T, _B), jnp.int32),
          pltpu.VMEM((_B,), jnp.int32),
          pltpu.VMEM((_B,), jnp.int32),
          pltpu.VMEM((_B,), jnp.int32),
          pltpu.VMEM((_B,), jnp.int32),
          pltpu.VMEM((_B,), jnp.int32),
          pltpu.VMEM((_B,), jnp.int32),
          pltpu.VMEM((_B, 128), jnp.float32),
          pltpu.VMEM((_B, 128), jnp.float32),
          pltpu.VMEM((_B, 128), jnp.float32),
          pltpu.VMEM((_B, 128), jnp.float32),
          pltpu.VMEM((_B, 128), jnp.float32),
          pltpu.VMEM((_B, 128), jnp.float32),
          pltpu.SemaphoreType.DMA,
          pltpu.SemaphoreType.DMA,
          pltpu.SemaphoreType.DMA,
          pltpu.SemaphoreType.DMA,
          pltpu.SemaphoreType.DMA,
          pltpu.SemaphoreType.DMA,
          pltpu.SemaphoreType.DMA,
          pltpu.SemaphoreType.DMA,
          pltpu.SemaphoreType.DMA,
      ],
  )(fused, idx_packed)


def kernel(data, xyz, depth_idx, absolute_emb, depth_table):
  del data
  tabs = [absolute_emb[:, a::3] for a in range(3)]
  dchunks = [depth_table[:, 128 * a:128 * (a + 1)] for a in range(3)]
  fused = jnp.concatenate(
      [(t[:, None, :] + dc[None, :, :]).reshape(512, 128)
       for t, dc in zip(tabs, dchunks)], axis=0)

  idxs = (xyz[:, 0] | (xyz[:, 1] << 8) | (xyz[:, 2] << 16)
          | (depth_idx << 24))
  main = idxs[:_NBLK_FULL * _B]
  tail = idxs[_N - _B:]
  n_fill = _NBLK - _NBLK_FULL - 1
  fill = jnp.tile(idxs[:_B], (n_fill,))
  idx_packed = jnp.concatenate([main, tail, fill]).reshape(_NW, _T, _B)

  return _run(fused, idx_packed)

# --- scband reference (transcript-rebuilt; emitter-appended) ---
"""Pipeline reference for scband-abs-pos-emb-79474074845384 (READ-ONLY COPY).

The authoritative reference and input builder live on the scoring server;
editing this copy changes nothing except your own understanding.
"""

import jax, jax.numpy as jnp
import numpy as np

NUM_EMBED = 384
FULL_DEPTH = 3
MAX_DEPTH = 6
N = 200000


def _get_emb_np(sin_inp):
    emb = np.stack((np.sin(sin_inp), np.cos(sin_inp)), axis=-1)
    return emb.reshape(emb.shape[0], -1)


def init_absolute_emb(num_embed=NUM_EMBED, max_depth=MAX_DEPTH):
    pos = np.arange(0, 2 ** (max_depth + 1)).astype(np.float32)
    channels = int(np.ceil(num_embed / 6) * 2)
    if channels % 2:
        channels += 1
    inv_freq = 1.0 / (100 ** (np.arange(0, channels, 2).astype(np.float32) / channels))
    sin_inp = np.einsum('i,j->ij', pos, inv_freq)
    emb_axis = _get_emb_np(sin_inp)  # identical for x, y, z since pos_x=pos_y=pos_z
    emb = np.zeros((pos.shape[0], channels * 3), dtype=np.float32)
    col = np.arange(0, channels * 3, 3)
    emb[:, col] = emb_axis
    emb[:, col + 1] = emb_axis
    emb[:, col + 2] = emb_axis
    return jnp.asarray(emb[:, :num_embed])


def setup_inputs(seed: int = 0) -> dict:
    key = jax.random.key(seed)
    k1, k2, k3, k4 = jax.random.split(key, 4)
    data = jax.random.normal(k1, (N, NUM_EMBED), dtype=jnp.float32)
    xyz = jax.random.randint(k2, (N, 3), 0, 2 ** (MAX_DEPTH + 1), dtype=jnp.int32)
    depth_idx = jax.random.randint(k3, (N,), 0, MAX_DEPTH - FULL_DEPTH + 1, dtype=jnp.int32)
    absolute_emb = init_absolute_emb()
    depth_table = jax.random.normal(k4, (MAX_DEPTH - FULL_DEPTH + 1, NUM_EMBED), dtype=jnp.float32)
    return {"data": data, "xyz": xyz, "depth_idx": depth_idx,
            "absolute_emb": absolute_emb, "depth_table": depth_table}


def reference(data, xyz, depth_idx, absolute_emb, depth_table):
    num_embed = NUM_EMBED
    channels = int(np.ceil(num_embed / 6) * 2)
    if channels % 2:
        channels += 1
    # depth embedding lookup
    depth_embedding = jnp.take(depth_table, depth_idx, axis=0)
    # 3d positional embedding via gathers from absolute_emb
    pos_x = xyz[:, 0]
    pos_y = xyz[:, 1]
    pos_z = xyz[:, 2]
    column_index = jnp.arange(0, channels * 3, 3)
    emb_x = absolute_emb[pos_x[:, None], column_index[None, :]]
    emb_y = absolute_emb[pos_y[:, None], (column_index + 1)[None, :]]
    emb_z = absolute_emb[pos_z[:, None], (column_index + 2)[None, :]]
    emb = jnp.concatenate([emb_x, emb_y, emb_z], axis=1)
    position_embeddings = emb[:, :num_embed]
    position_embeddings = position_embeddings + depth_embedding
    return position_embeddings

if __name__ == "__main__":
    import jax
    _d = setup_inputs()
    print(jax.jit(kernel)(*tuple(_d.values())))

</pallas_src>

<mosaic_0001>
#map = affine_map<(d0, d1) -> (0, 0)>
#map1 = affine_map<(d0, d1) -> (0, 0, 0)>
module attributes {stable_mosaic.version = 14 : i64} {
  func.func @_body(%arg0: i32, %arg1: i32, %arg2: memref<1536x128xf32, #tpu.memory_space<hbm>>, %arg3: memref<32x49x128xi32, #tpu.memory_space<hbm>>, %arg4: memref<200000x384xf32, #tpu.memory_space<hbm>>, %arg5: memref<1536x128xf32, #tpu.memory_space<vmem_shared>>, %arg6: memref<49x128xi32, #tpu.memory_space<vmem>>, %arg7: memref<128xi32, #tpu.memory_space<vmem>>, %arg8: memref<128xi32, #tpu.memory_space<vmem>>, %arg9: memref<128xi32, #tpu.memory_space<vmem>>, %arg10: memref<128xi32, #tpu.memory_space<vmem>>, %arg11: memref<128xi32, #tpu.memory_space<vmem>>, %arg12: memref<128xi32, #tpu.memory_space<vmem>>, %arg13: memref<128x128xf32, #tpu.memory_space<vmem>>, %arg14: memref<128x128xf32, #tpu.memory_space<vmem>>, %arg15: memref<128x128xf32, #tpu.memory_space<vmem>>, %arg16: memref<128x128xf32, #tpu.memory_space<vmem>>, %arg17: memref<128x128xf32, #tpu.memory_space<vmem>>, %arg18: memref<128x128xf32, #tpu.memory_space<vmem>>, %arg19: memref<!tpu.dma_semaphore, #tpu.memory_space<semaphore_mem>>, %arg20: memref<!tpu.dma_semaphore, #tpu.memory_space<semaphore_mem>>, %arg21: memref<!tpu.dma_semaphore, #tpu.memory_space<semaphore_mem>>, %arg22: memref<!tpu.dma_semaphore, #tpu.memory_space<semaphore_mem>>, %arg23: memref<!tpu.dma_semaphore, #tpu.memory_space<semaphore_mem>>, %arg24: memref<!tpu.dma_semaphore, #tpu.memory_space<semaphore_mem>>, %arg25: memref<!tpu.dma_semaphore, #tpu.memory_space<semaphore_mem>>, %arg26: memref<!tpu.dma_semaphore, #tpu.memory_space<semaphore_mem>>, %arg27: memref<!tpu.dma_semaphore, #tpu.memory_space<semaphore_mem>>) attributes {dimension_semantics = [#tpu.dimension_semantics<core_parallel>, #tpu.dimension_semantics<subcore_parallel>], iteration_bounds = array<i64: 2, 16>, scalar_prefetch = 0 : i64, scratch_operands = 23 : i64, tpu.core_type = #tpu.core_type<sc_vector_subcore>, window_params = [{transform_indices = #map}, {transform_indices = #map1}, {transform_indices = #map}]} {
    %mul3A = arith.constant 2 : i32
    %mul3A_0 = arith.muli %arg1, %mul3A : i32
    %add3A = arith.addi %mul3A_0, %arg0 : i32
    %dma_start3A = arith.constant 0 : i32
    %dma_start3A_1 = arith.constant 0 : i32
    %dma_start3A_2 = tpu.memref_slice %arg3[%add3A, %dma_start3A, %dma_start3A_1] : memref<32x49x128xi32, #tpu.memory_space<hbm>> -> memref<1x49x128xi32, #tpu.memory_space<hbm>>
    %dma_start3A_3 = tpu.memref_squeeze %dma_start3A_2 : memref<1x49x128xi32, #tpu.memory_space<hbm>> -> memref<49x128xi32, #tpu.memory_space<hbm>>
    %dma_start3A_4 = arith.constant 0 : i32
    %dma_start3A_5 = arith.constant 0 : i32
    %dma_start3A_6 = tpu.memref_slice %arg3[%add3A, %dma_start3A_4, %dma_start3A_5] : memref<32x49x128xi32, #tpu.memory_space<hbm>> -> memref<1x49x128xi32, #tpu.memory_space<hbm>>
    %dma_start3A_7 = tpu.memref_squeeze %dma_start3A_6 : memref<1x49x128xi32, #tpu.memory_space<hbm>> -> memref<49x128xi32, #tpu.memory_space<hbm>>
    tpu.enqueue_dma source(%dma_start3A_7 : memref<49x128xi32, #tpu.memory_space<hbm>>) target(%arg6 : memref<49x128xi32, #tpu.memory_space<vmem>>) target_semaphore(%arg19 : memref<!tpu.dma_semaphore, #tpu.memory_space<semaphore_mem>>)
    %eq3A = arith.constant 0 : i32
    %eq3A_8 = arith.cmpi eq, %arg1, %eq3A : i32
    %convert_element_type3A = arith.extui %eq3A_8 : i1 to i32
    %cond3A = arith.constant 0 : i32
    %cond3A_9 = arith.cmpi ne, %convert_element_type3A, %cond3A : i32
    scf.if %cond3A_9 {
      "tpu.region"() ({
        %run_scoped3A = tpu.sem_alloc : memref<!tpu.dma_semaphore, #tpu.memory_space<semaphore_mem>>
        tpu.enqueue_dma source(%arg2 : memref<1536x128xf32, #tpu.memory_space<hbm>>) target(%arg5 : memref<1536x128xf32, #tpu.memory_space<vmem_shared>>) target_semaphore(%run_scoped3A : memref<!tpu.dma_semaphore, #tpu.memory_space<semaphore_mem>>)
        tpu.wait_dma2 semaphore(%run_scoped3A : memref<!tpu.dma_semaphore, #tpu.memory_space<semaphore_mem>>) src(%arg2 : memref<1536x128xf32, #tpu.memory_space<hbm>>) dst(%arg5 : memref<1536x128xf32, #tpu.memory_space<vmem_shared>>)
        tpu.yield
      }) : () -> ()
    } else {
    }
    %barrier3A = arith.constant 0 : index
    tpu.barrier barrier_id(%barrier3A)
    %dma_wait3A = arith.constant 0 : i32
    %dma_wait3A_10 = arith.constant 0 : i32
    %dma_wait3A_11 = tpu.memref_slice %arg3[%add3A, %dma_wait3A, %dma_wait3A_10] : memref<32x49x128xi32, #tpu.memory_space<hbm>> -> memref<1x49x128xi32, #tpu.memory_space<hbm>>
    %dma_wait3A_12 = tpu.memref_squeeze %dma_wait3A_11 : memref<1x49x128xi32, #tpu.memory_space<hbm>> -> memref<49x128xi32, #tpu.memory_space<hbm>>
    %dma_wait3A_13 = arith.constant 0 : i32
    %dma_wait3A_14 = arith.constant 0 : i32
    %dma_wait3A_15 = tpu.memref_slice %arg3[%add3A, %dma_wait3A_13, %dma_wait3A_14] : memref<32x49x128xi32, #tpu.memory_space<hbm>> -> memref<1x49x128xi32, #tpu.memory_space<hbm>>
    %dma_wait3A_16 = tpu.memref_squeeze %dma_wait3A_15 : memref<1x49x128xi32, #tpu.memory_space<hbm>> -> memref<49x128xi32, #tpu.memory_space<hbm>>
    tpu.wait_dma2 semaphore(%arg19 : memref<!tpu.dma_semaphore, #tpu.memory_space<semaphore_mem>>) src(%dma_wait3A_16 : memref<49x128xi32, #tpu.memory_space<hbm>>) dst(%arg6 : memref<49x128xi32, #tpu.memory_space<vmem>>)
    %get3A = arith.constant 0 : i32
    %get3A_17 = arith.index_cast %get3A : i32 to index
    %get3A_18 = arith.constant 0 : index
    %get3A_19 = tpu.vector_load %arg6[%get3A_17, %get3A_18] {strides = array<i32>} : memref<49x128xi32, #tpu.memory_space<vmem>>, vector<1x16xi32>,
    %get3A_20 = vector.shape_cast %get3A_19 : vector<1x16xi32> to vector<16xi32>
    %shift_right_logical3A = arith.constant 24 : i32
    %shift_right_logical3A_21 = vector.broadcast %shift_right_logical3A : i32 to vector<16xi32>
    %shift_right_logical3A_22 = arith.shrui %get3A_20, %shift_right_logical3A_21 : vector<16xi32>
    %and3A = arith.constant 255 : i32
    %and3A_23 = vector.broadcast %and3A : i32 to vector<16xi32>
    %and3A_24 = arith.andi %get3A_20, %and3A_23 : vector<16xi32>
    %shift_right_logical3A_25 = arith.constant 8 : i32
    %shift_right_logical3A_26 = vector.broadcast %shift_right_logical3A_25 : i32 to vector<16xi32>
    %shift_right_logical3A_27 = arith.shrui %get3A_20, %shift_right_logical3A_26 : vector<16xi32>
    %and3A_28 = arith.constant 255 : i32
    %and3A_29 = vector.broadcast %and3A_28 : i32 to vector<16xi32>
    %and3A_30 = arith.andi %shift_right_logical3A_27, %and3A_29 : vector<16xi32>
    %shift_right_logical3A_31 = arith.constant 16 : i32
    %shift_right_logical3A_32 = vector.broadcast %shift_right_logical3A_31 : i32 to vector<16xi32>
    %shift_right_logical3A_33 = arith.shrui %get3A_20, %shift_right_logical3A_32 : vector<16xi32>
    %and3A_34 = arith.constant 255 : i32
    %and3A_35 = vector.broadcast %and3A_34 : i32 to vector<16xi32>
    %and3A_36 = arith.andi %shift_right_logical3A_33, %and3A_35 : vector<16xi32>
    %mul3A_37 = arith.constant 4 : i32
    %mul3A_38 = vector.broadcast %mul3A_37 : i32 to vector<16xi32>
    %mul3A_39 = arith.muli %and3A_24, %mul3A_38 : vector<16xi32>
    %add3A_40 = arith.addi %mul3A_39, %shift_right_logical3A_22 : vector<16xi32>
    %swap3A = arith.constant 0 : index
    %swap3A_41 = tpu.vector_load %arg7[%swap3A] {strides = array<i32>} : memref<128xi32, #tpu.memory_space<vmem>>, vector<16xi32>,
    %swap3A_42 = vector.shape_cast %swap3A_41 : vector<16xi32> to vector<16xi32>
    %swap3A_43 = vector.shape_cast %add3A_40 : vector<16xi32> to vector<16xi32>
    tpu.vector_store %arg7[%swap3A], %swap3A_43 {strides = array<i32>} : memref<128xi32, #tpu.memory_space<vmem>>, vector<16xi32>,
    %mul3A_44 = arith.constant 4 : i32
    %mul3A_45 = vector.broadcast %mul3A_44 : i32 to vector<16xi32>
    %mul3A_46 = arith.muli %and3A_30, %mul3A_45 : vector<16xi32>
    %add3A_47 = arith.addi %mul3A_46, %shift_right_logical3A_22 : vector<16xi32>
    %add3A_48 = arith.constant 512 : i32
    %add3A_49 = vector.broadcast %add3A_48 : i32 to vector<16xi32>
    %add3A_50 = arith.addi %add3A_47, %add3A_49 : vector<16xi32>
    %swap3A_51 = arith.constant 0 : index
    %swap3A_52 = tpu.vector_load %arg8[%swap3A_51] {strides = array<i32>} : memref<128xi32, #tpu.memory_space<vmem>>, vector<16xi32>,
    %swap3A_53 = vector.shape_cast %swap3A_52 : vector<16xi32> to vector<16xi32>
    %swap3A_54 = vector.shape_cast %add3A_50 : vector<16xi32> to vector<16xi32>
    tpu.vector_store %arg8[%swap3A_51], %swap3A_54 {strides = array<i32>} : memref<128xi32, #tpu.memory_space<vmem>>, vector<16xi32>,
    %mul3A_55 = arith.constant 4 : i32
    %mul3A_56 = vector.broadcast %mul3A_55 : i32 to vector<16xi32>
    %mul3A_57 = arith.muli %and3A_36, %mul3A_56 : vector<16xi32>
    %add3A_58 = arith.addi %mul3A_57, %shift_right_logical3A_22 : vector<16xi32>
    %add3A_59 = arith.constant 1024 : i32
    %add3A_60 = vector.broadcast %add3A_59 : i32 to vector<16xi32>
    %add3A_61 = arith.addi %add3A_58, %add3A_60 : vector<16xi32>
    %swap3A_62 = arith.constant 0 : index
    %swap3A_63 = tpu.vector_load %arg9[%swap3A_62] {strides = array<i32>} : memref<128xi32, #tpu.memory_space<vmem>>, vector<16xi32>,
    %swap3A_64 = vector.shape_cast %swap3A_63 : vector<16xi32> to vector<16xi32>
    %swap3A_65 = vector.shape_cast %add3A_61 : vector<16xi32> to vector<16xi32>
    tpu.vector_store %arg9[%swap3A_62], %swap3A_65 {strides = array<i32>} : memref<128xi32, #tpu.memory_space<vmem>>, vector<16xi32>,
    %get3A_66 = arith.constant 0 : i32
    %get3A_67 = arith.index_cast %get3A_66 : i32 to index
    %get3A_68 = arith.constant 16 : index
    %get3A_69 = tpu.vector_load %arg6[%get3A_67, %get3A_68] {strides = array<i32>} : memref<49x128xi32, #tpu.memory_space<vmem>>, vector<1x16xi32>,
    %get3A_70 = vector.shape_cast %get3A_69 : vector<1x16xi32> to vector<16xi32>
    %shift_right_logical3A_71 = arith.constant 24 : i32
    %shift_right_logical3A_72 = vector.broadcast %shift_right_logical3A_71 : i32 to vector<16xi32>
    %shift_right_logical3A_73 = arith.shrui %get3A_70, %shift_right_logical3A_72 : vector<16xi32>
    %and3A_74 = arith.constant 255 : i32
    %and3A_75 = vector.broadcast %and3A_74 : i32 to vector<16xi32>
    %and3A_76 = arith.andi %get3A_70, %and3A_75 : vector<16xi32>
    %shift_right_logical3A_77 = arith.constant 8 : i32
    %shift_right_logical3A_78 = vector.broadcast %shift_right_logical3A_77 : i32 to vector<16xi32>
    %shift_right_logical3A_79 = arith.shrui %get3A_70, %shift_right_logical3A_78 : vector<16xi32>
    %and3A_80 = arith.constant 255 : i32
    %and3A_81 = vector.broadcast %and3A_80 : i32 to vector<16xi32>
    %and3A_82 = arith.andi %shift_right_logical3A_79, %and3A_81 : vector<16xi32>
    %shift_right_logical3A_83 = arith.constant 16 : i32
    %shift_right_logical3A_84 = vector.broadcast %shift_right_logical3A_83 : i32 to vector<16xi32>
    %shift_right_logical3A_85 = arith.shrui %get3A_70, %shift_right_logical3A_84 : vector<16xi32>
    %and3A_86 = arith.constant 255 : i32
    %and3A_87 = vector.broadcast %and3A_86 : i32 to vector<16xi32>
    %and3A_88 = arith.andi %shift_right_logical3A_85, %and3A_87 : vector<16xi32>
    %mul3A_89 = arith.constant 4 : i32
    %mul3A_90 = vector.broadcast %mul3A_89 : i32 to vector<16xi32>
    %mul3A_91 = arith.muli %and3A_76, %mul3A_90 : vector<16xi32>
    %add3A_92 = arith.addi %mul3A_91, %shift_right_logical3A_73 : vector<16xi32>
    %swap3A_93 = arith.constant 16 : index
    %swap3A_94 = tpu.vector_load %arg7[%swap3A_93] {strides = array<i32>} : memref<128xi32, #tpu.memory_space<vmem>>, vector<16xi32>,
    %swap3A_95 = vector.shape_cast %swap3A_94 : vector<16xi32> to vector<16xi32>
    %swap3A_96 = vector.shape_cast %add3A_92 : vector<16xi32> to vector<16xi32>
    tpu.vector_store %arg7[%swap3A_93], %swap3A_96 {strides = array<i32>} : memref<128xi32, #tpu.memory_space<vmem>>, vector<16xi32>,
    %mul3A_97 = arith.constant 4 : i32
    %mul3A_98 = vector.broadcast %mul3A_97 : i32 to vector<16xi32>
    %mul3A_99 = arith.muli %and3A_82, %mul3A_98 : vector<16xi32>
    %add3A_100 = arith.addi %mul3A_99, %shift_right_logical3A_73 : vector<16xi32>
    %add3A_101 = arith.constant 512 : i32
    %add3A_102 = vector.broadcast %add3A_101 : i32 to vector<16xi32>
    %add3A_103 = arith.addi %add3A_100, %add3A_102 : vector<16xi32>
    %swap3A_104 = arith.constant 16 : index
    %swap3A_105 = tpu.vector_load %arg8[%swap3A_104] {strides = array<i32>} : memref<128xi32, #tpu.memory_space<vmem>>, vector<16xi32>,
    %swap3A_106 = vector.shape_cast %swap3A_105 : vector<16xi32> to vector<16xi32>
    %swap3A_107 = vector.shape_cast %add3A_103 : vector<16xi32> to vector<16xi32>
    tpu.vector_store %arg8[%swap3A_104], %swap3A_107 {strides = array<i32>} : memref<128xi32, #tpu.memory_space<vmem>>, vector<16xi32>,
    %mul3A_108 = arith.constant 4 : i32
    %mul3A_109 = vector.broadcast %mul3A_108 : i32 to vector<16xi32>
    %mul3A_110 = arith.muli %and3A_88, %mul3A_109 : vector<16xi32>
    %add3A_111 = arith.addi %mul3A_110, %shift_right_logical3A_73 : vector<16xi32>
    %add3A_112 = arith.constant 1024 : i32
    %add3A_113 = vector.broadcast %add3A_112 : i32 to vector<16xi32>
    %add3A_114 = arith.addi %add3A_111, %add3A_113 : vector<16xi32>
    %swap3A_115 = arith.constant 16 : index
    %swap3A_116 = tpu.vector_load %arg9[%swap3A_115] {strides = array<i32>} : memref<128xi32, #tpu.memory_space<vmem>>, vector<16xi32>,
    %swap3A_117 = vector.shape_cast %swap3A_116 : vector<16xi32> to vector<16xi32>
    %swap3A_118 = vector.shape_cast %add3A_114 : vector<16xi32> to vector<16xi32>
    tpu.vector_store %arg9[%swap3A_115], %swap3A_118 {strides = array<i32>} : memref<128xi32, #tpu.memory_space<vmem>>, vector<16xi32>,
    %get3A_119 = arith.constant 0 : i32
    %get3A_120 = arith.index_cast %get3A_119 : i32 to index
    %get3A_121 = arith.constant 32 : index
    %get3A_122 = tpu.vector_load %arg6[%get3A_120, %get3A_121] {strides = array<i32>} : memref<49x128xi32, #tpu.memory_space<vmem>>, vector<1x16xi32>,
    %get3A_123 = vector.shape_cast %get3A_122 : vector<1x16xi32> to vector<16xi32>
    %shift_right_logical3A_124 = arith.constant 24 : i32
    %shift_right_logical3A_125 = vector.broadcast %shift_right_logical3A_124 : i32 to vector<16xi32>
    %shift_right_logical3A_126 = arith.shrui %get3A_123, %shift_right_logical3A_125 : vector<16xi32>
    %and3A_127 = arith.constant 255 : i32
    %and3A_128 = vector.broadcast %and3A_127 : i32 to vector<16xi32>
    %and3A_129 = arith.andi %get3A_123, %and3A_128 : vector<16xi32>
    %shift_right_logical3A_130 = arith.constant 8 : i32
    %shift_right_logical3A_131 = vector.broadcast %shift_right_logical3A_130 : i32 to vector<16xi32>
    %shift_right_logical3A_132 = arith.shrui %get3A_123, %shift_right_logical3A_131 : vector<16xi32>
    %and3A_133 = arith.constant 255 : i32
    %and3A_134 = vector.broadcast %and3A_133 : i32 to vector<16xi32>
    %and3A_135 = arith.andi %shift_right_logical3A_132, %and3A_134 : vector<16xi32>
    %shift_right_logical3A_136 = arith.constant 16 : i32
    %shift_right_logical3A_137 = vector.broadcast %shift_right_logical3A_136 : i32 to vector<16xi32>
    %shift_right_logical3A_138 = arith.shrui %get3A_123, %shift_right_logical3A_137 : vector<16xi32>
    %and3A_139 = arith.constant 255 : i32
    %and3A_140 = vector.broadcast %and3A_139 : i32 to vector<16xi32>
    %and3A_141 = arith.andi %shift_right_logical3A_138, %and3A_140 : vector<16xi32>
    %mul3A_142 = arith.constant 4 : i32
    %mul3A_143 = vector.broadcast %mul3A_142 : i32 to vector<16xi32>
    %mul3A_144 = arith.muli %and3A_129, %mul3A_143 : vector<16xi32>
    %add3A_145 = arith.addi %mul3A_144, %shift_right_logical3A_126 : vector<16xi32>
    %swap3A_146 = arith.constant 32 : index
    %swap3A_147 = tpu.vector_load %arg7[%swap3A_146] {strides = array<i32>} : memref<128xi32, #tpu.memory_space<vmem>>, vector<16xi32>,
    %swap3A_148 = vector.shape_cast %swap3A_147 : vector<16xi32> to vector<16xi32>
    %swap3A_149 = vector.shape_cast %add3A_145 : vector<16xi32> to vector<16xi32>
    tpu.vector_store %arg7[%swap3A_146], %swap3A_149 {strides = array<i32>} : memref<128xi32, #tpu.memory_space<vmem>>, vector<16xi32>,
    %mul3A_150 = arith.constant 4 : i32
    %mul3A_151 = vector.broadcast %mul3A_150 : i32 to vector<16xi32>
    %mul3A_152 = arith.muli %and3A_135, %mul3A_151 : vector<16xi32>
    %add3A_153 = arith.addi %mul3A_152, %shift_right_logical3A_126 : vector<16xi32>
    %add3A_154 = arith.constant 512 : i32
    %add3A_155 = vector.broadcast %add3A_154 : i32 to vector<16xi32>
    %add3A_156 = arith.addi %add3A_153, %add3A_155 : vector<16xi32>
    %swap3A_157 = arith.constant 32 : index
    %swap3A_158 = tpu.vector_load %arg8[%swap3A_157] {strides = array<i32>} : memref<128xi32, #tpu.memory_space<vmem>>, vector<16xi32>,
    %swap3A_159 = vector.shape_cast %swap3A_158 : vector<16xi32> to vector<16xi32>
    %swap3A_160 = vector.shape_cast %add3A_156 : vector<16xi32> to vector<16xi32>
    tpu.vector_store %arg8[%swap3A_157], %swap3A_160 {strides = array<i32>} : memref<128xi32, #tpu.memory_space<vmem>>, vector<16xi32>,
    %mul3A_161 = arith.constant 4 : i32
    %mul3A_162 = vector.broadcast %mul3A_161 : i32 to vector<16xi32>
    %mul3A_163 = arith.muli %and3A_141, %mul3A_162 : vector<16xi32>
    %add3A_164 = arith.addi %mul3A_163, %shift_right_logical3A_126 : vector<16xi32>
    %add3A_165 = arith.constant 1024 : i32
    %add3A_166 = vector.broadcast %add3A_165 : i32 to vector<16xi32>
    %add3A_167 = arith.addi %add3A_164, %add3A_166 : vector<16xi32>
    %swap3A_168 = arith.constant 32 : index
    %swap3A_169 = tpu.vector_load %arg9[%swap3A_168] {strides = array<i32>} : memref<128xi32, #tpu.memory_space<vmem>>, vector<16xi32>,
    %swap3A_170 = vector.shape_cast %swap3A_169 : vector<16xi32> to vector<16xi32>
    %swap3A_171 = vector.shape_cast %add3A_167 : vector<16xi32> to vector<16xi32>
    tpu.vector_store %arg9[%swap3A_168], %swap3A_171 {strides = array<i32>} : memref<128xi32, #tpu.memory_space<vmem>>, vector<16xi32>,
    %get3A_172 = arith.constant 0 : i32
    %get3A_173 = arith.index_cast %get3A_172 : i32 to index
    %get3A_174 = arith.constant 48 : index
    %get3A_175 = tpu.vector_load %arg6[%get3A_173, %get3A_174] {strides = array<i32>} : memref<49x128xi32, #tpu.memory_space<vmem>>, vector<1x16xi32>,
    %get3A_176 = vector.shape_cast %get3A_175 : vector<1x16xi32> to vector<16xi32>
    %shift_right_logical3A_177 = arith.constant 24 : i32
    %shift_right_logical3A_178 = vector.broadcast %shift_right_logical3A_177 : i32 to vector<16xi32>
    %shift_right_logical3A_179 = arith.shrui %get3A_176, %shift_right_logical3A_178 : vector<16xi32>
    %and3A_180 = arith.constant 255 : i32
    %and3A_181 = vector.broadcast %and3A_180 : i32 to vector<16xi32>
    %and3A_182 = arith.andi %get3A_176, %and3A_181 : vector<16xi32>
    %shift_right_logical3A_183 = arith.constant 8 : i32
    %shift_right_logical3A_184 = vector.broadcast %shift_right_logical3A_183 : i32 to vector<16xi32>
    %shift_right_logical3A_185 = arith.shrui %get3A_176, %shift_right_logical3A_184 : vector<16xi32>
    %and3A_186 = arith.constant 255 : i32
    %and3A_187 = vector.broadcast %and3A_186 : i32 to vector<16xi32>
    %and3A_188 = arith.andi %shift_right_logical3A_185, %and3A_187 : vector<16xi32>
    %shift_right_logical3A_189 = arith.constant 16 : i32
    %shift_right_logical3A_190 = vector.broadcast %shift_right_logical3A_189 : i32 to vector<16xi32>
    %shift_right_logical3A_191 = arith.shrui %get3A_176, %shift_right_logical3A_190 : vector<16xi32>
    %and3A_192 = arith.constant 255 : i32
    %and3A_193 = vector.broadcast %and3A_192 : i32 to vector<16xi32>
    %and3A_194 = arith.andi %shift_right_logical3A_191, %and3A_193 : vector<16xi32>
    %mul3A_195 = arith.constant 4 : i32
    %mul3A_196 = vector.broadcast %mul3A_195 : i32 to vector<16xi32>
    %mul3A_197 = arith.muli %and3A_182, %mul3A_196 : vector<16xi32>
    %add3A_198 = arith.addi %mul3A_197, %shift_right_logical3A_179 : vector<16xi32>
    %swap3A_199 = arith.constant 48 : index
    %swap3A_200 = tpu.vector_load %arg7[%swap3A_199] {strides = array<i32>} : memref<128xi32, #tpu.memory_space<vmem>>, vector<16xi32>,
    %swap3A_201 = vector.shape_cast %swap3A_200 : vector<16xi32> to vector<16xi32>
    %swap3A_202 = vector.shape_cast %add3A_198 : vector<16xi32> to vector<16xi32>
    tpu.vector_store %arg7[%swap3A_199], %swap3A_202 {strides = array<i32>} : memref<128xi32, #tpu.memory_space<vmem>>, vector<16xi32>,
    %mul3A_203 = arith.constant 4 : i32
    %mul3A_204 = vector.broadcast %mul3A_203 : i32 to vector<16xi32>
    %mul3A_205 = arith.muli %and3A_188, %mul3A_204 : vector<16xi32>
    %add3A_206 = arith.addi %mul3A_205, %shift_right_logical3A_179 : vector<16xi32>
    %add3A_207 = arith.constant 512 : i32
    %add3A_208 = vector.broadcast %add3A_207 : i32 to vector<16xi32>
    %add3A_209 = arith.addi %add3A_206, %add3A_208 : vector<16xi32>
    %swap3A_210 = arith.constant 48 : index
    %swap3A_211 = tpu.vector_load %arg8[%swap3A_210] {strides = array<i32>} : memref<128xi32, #tpu.memory_space<vmem>>, vector<16xi32>,
    %swap3A_212 = vector.shape_cast %swap3A_211 : vector<16xi32> to vector<16xi32>
    %swap3A_213 = vector.shape_cast %add3A_209 : vector<16xi32> to vector<16xi32>
    tpu.vector_store %arg8[%swap3A_210], %swap3A_213 {strides = array<i32>} : memref<128xi32, #tpu.memory_space<vmem>>, vector<16xi32>,
    %mul3A_214 = arith.constant 4 : i32
    %mul3A_215 = vector.broadcast %mul3A_214 : i32 to vector<16xi32>
    %mul3A_216 = arith.muli %and3A_194, %mul3A_215 : vector<16xi32>
    %add3A_217 = arith.addi %mul3A_216, %shift_right_logical3A_179 : vector<16xi32>
    %add3A_218 = arith.constant 1024 : i32
    %add3A_219 = vector.broadcast %add3A_218 : i32 to vector<16xi32>
    %add3A_220 = arith.addi %add3A_217, %add3A_219 : vector<16xi32>
    %swap3A_221 = arith.constant 48 : index
    %swap3A_222 = tpu.vector_load %arg9[%swap3A_221] {strides = array<i32>} : memref<128xi32, #tpu.memory_space<vmem>>, vector<16xi32>,
    %swap3A_223 = vector.shape_cast %swap3A_222 : vector<16xi32> to vector<16xi32>
    %swap3A_224 = vector.shape_cast %add3A_220 : vector<16xi32> to vector<16xi32>
    tpu.vector_store %arg9[%swap3A_221], %swap3A_224 {strides = array<i32>} : memref<128xi32, #tpu.memory_space<vmem>>, vector<16xi32>,
    %get3A_225 = arith.constant 0 : i32
    %get3A_226 = arith.index_cast %get3A_225 : i32 to index
    %get3A_227 = arith.constant 64 : index
    %get3A_228 = tpu.vector_load %arg6[%get3A_226, %get3A_227] {strides = array<i32>} : memref<49x128xi32, #tpu.memory_space<vmem>>, vector<1x16xi32>,
    %get3A_229 = vector.shape_cast %get3A_228 : vector<1x16xi32> to vector<16xi32>
    %shift_right_logical3A_230 = arith.constant 24 : i32
    %shift_right_logical3A_231 = vector.broadcast %shift_right_logical3A_230 : i32 to vector<16xi32>
    %shift_right_logical3A_232 = arith.shrui %get3A_229, %shift_right_logical3A_231 : vector<16xi32>
    %and3A_233 = arith.constant 255 : i32
    %and3A_234 = vector.broadcast %and3A_233 : i32 to vector<16xi32>
    %and3A_235 = arith.andi %get3A_229, %and3A_234 : vector<16xi32>
    %shift_right_logical3A_236 = arith.constant 8 : i32
    %shift_right_logical3A_237 = vector.broadcast %shift_right_logical3A_236 : i32 to vector<16xi32>
    %shift_right_logical3A_238 = arith.shrui %get3A_229, %shift_right_logical3A_237 : vector<16xi32>
    %and3A_239 = arith.constant 255 : i32
    %and3A_240 = vector.broadcast %and3A_239 : i32 to vector<16xi32>
    %and3A_241 = arith.andi %shift_right_logical3A_238, %and3A_240 : vector<16xi32>
    %shift_right_logical3A_242 = arith.constant 16 : i32
    %shift_right_logical3A_243 = vector.broadcast %shift_right_logical3A_242 : i32 to vector<16xi32>
    %shift_right_logical3A_244 = arith.shrui %get3A_229, %shift_right_logical3A_243 : vector<16xi32>
    %and3A_245 = arith.constant 255 : i32
    %and3A_246 = vector.broadcast %and3A_245 : i32 to vector<16xi32>
    %and3A_247 = arith.andi %shift_right_logical3A_244, %and3A_246 : vector<16xi32>
    %mul3A_248 = arith.constant 4 : i32
    %mul3A_249 = vector.broadcast %mul3A_248 : i32 to vector<16xi32>
    %mul3A_250 = arith.muli %and3A_235, %mul3A_249 : vector<16xi32>
    %add3A_251 = arith.addi %mul3A_250, %shift_right_logical3A_232 : vector<16xi32>
    %swap3A_252 = arith.constant 64 : index
    %swap3A_253 = tpu.vector_load %arg7[%swap3A_252] {strides = array<i32>} : memref<128xi32, #tpu.memory_space<vmem>>, vector<16xi32>,
    %swap3A_254 = vector.shape_cast %swap3A_253 : vector<16xi32> to vector<16xi32>
    %swap3A_255 = vector.shape_cast %add3A_251 : vector<16xi32> to vector<16xi32>
    tpu.vector_store %arg7[%swap3A_252], %swap3A_255 {strides = array<i32>} : memref<128xi32, #tpu.memory_space<vmem>>, vector<16xi32>,
    %mul3A_256 = arith.constant 4 : i32
    %mul3A_257 = vector.broadcast %mul3A_256 : i32 to vector<16xi32>
    %mul3A_258 = arith.muli %and3A_241, %mul3A_257 : vector<16xi32>
    %add3A_259 = arith.addi %mul3A_258, %shift_right_logical3A_232 : vector<16xi32>
    %add3A_260 = arith.constant 512 : i32
    %add3A_261 = vector.broadcast %add3A_260 : i32 to vector<16xi32>
    %add3A_262 = arith.addi %add3A_259, %add3A_261 : vector<16xi32>
    %swap3A_263 = arith.constant 64 : index
    %swap3A_264 = tpu.vector_load %arg8[%swap3A_263] {strides = array<i32>} : memref<128xi32, #tpu.memory_space<vmem>>, vector<16xi32>,
    %swap3A_265 = vector.shape_cast %swap3A_264 : vector<16xi32> to vector<16xi32>
    %swap3A_266 = vector.shape_cast %add3A_262 : vector<16xi32> to vector<16xi32>
    tpu.vector_store %arg8[%swap3A_263], %swap3A_266 {strides = array<i32>} : memref<128xi32, #tpu.memory_space<vmem>>, vector<16xi32>,
    %mul3A_267 = arith.constant 4 : i32
    %mul3A_268 = vector.broadcast %mul3A_267 : i32 to vector<16xi32>
    %mul3A_269 = arith.muli %and3A_247, %mul3A_268 : vector<16xi32>
    %add3A_270 = arith.addi %mul3A_269, %shift_right_logical3A_232 : vector<16xi32>
    %add3A_271 = arith.constant 1024 : i32
    %add3A_272 = vector.broadcast %add3A_271 : i32 to vector<16xi32>
    %add3A_273 = arith.addi %add3A_270, %add3A_272 : vector<16xi32>
    %swap3A_274 = arith.constant 64 : index
    %swap3A_275 = tpu.vector_load %arg9[%swap3A_274] {strides = array<i32>} : memref<128xi32, #tpu.memory_space<vmem>>, vector<16xi32>,
    %swap3A_276 = vector.shape_cast %swap3A_275 : vector<16xi32> to vector<16xi32>
    %swap3A_277 = vector.shape_cast %add3A_273 : vector<16xi32> to vector<16xi32>
    tpu.vector_store %arg9[%swap3A_274], %swap3A_277 {strides = array<i32>} : memref<128xi32, #tpu.memory_space<vmem>>, vector<16xi32>,
    %get3A_278 = arith.constant 0 : i32
    %get3A_279 = arith.index_cast %get3A_278 : i32 to index
    %get3A_280 = arith.constant 80 : index
    %get3A_281 = tpu.vector_load %arg6[%get3A_279, %get3A_280] {strides = array<i32>} : memref<49x128xi32, #tpu.memory_space<vmem>>, vector<1x16xi32>,
    %get3A_282 = vector.shape_cast %get3A_281 : vector<1x16xi32> to vector<16xi32>
    %shift_right_logical3A_283 = arith.constant 24 : i32
    %shift_right_logical3A_284 = vector.broadcast %shift_right_logical3A_283 : i32 to vector<16xi32>
    %shift_right_logical3A_285 = arith.shrui %get3A_282, %shift_right_logical3A_284 : vector<16xi32>
    %and3A_286 = arith.constant 255 : i32
    %and3A_287 = vector.broadcast %and3A_286 : i32 to vector<16xi32>
    %and3A_288 = arith.andi %get3A_282, %and3A_287 : vector<16xi32>
    %shift_right_logical3A_289 = arith.constant 8 : i32
    %shift_right_logical3A_290 = vector.broadcast %shift_right_logical3A_289 : i32 to vector<16xi32>
    %shift_right_logical3A_291 = arith.shrui %get3A_282, %shift_right_logical3A_290 : vector<16xi32>
    %and3A_292 = arith.constant 255 : i32
    %and3A_293 = vector.broadcast %and3A_292 : i32 to vector<16xi32>
    %and3A_294 = arith.andi %shift_right_logical3A_291, %and3A_293 : vector<16xi32>
    %shift_right_logical3A_295 = arith.constant 16 : i32
    %shift_right_logical3A_296 = vector.broadcast %shift_right_logical3A_295 : i32 to vector<16xi32>
    %shift_right_logical3A_297 = arith.shrui %get3A_282, %shift_right_logical3A_296 : vector<16xi32>
    %and3A_298 = arith.constant 255 : i32
    %and3A_299 = vector.broadcast %and3A_298 : i32 to vector<16xi32>
    %and3A_300 = arith.andi %shift_right_logical3A_297, %and3A_299 : vector<16xi32>
    %mul3A_301 = arith.constant 4 : i32
    %mul3A_302 = vector.broadcast %mul3A_301 : i32 to vector<16xi32>
    %mul3A_303 = arith.muli %and3A_288, %mul3A_302 : vector<16xi32>
    %add3A_304 = arith.addi %mul3A_303, %shift_right_logical3A_285 : vector<16xi32>
    %swap3A_305 = arith.constant 80 : index
    %swap3A_306 = tpu.vector_load %arg7[%swap3A_305] {strides = array<i32>} : memref<128xi32, #tpu.memory_space<vmem>>, vector<16xi32>,
    %swap3A_307 = vector.shape_cast %swap3A_306 : vector<16xi32> to vector<16xi32>
    %swap3A_308 = vector.shape_cast %add3A_304 : vector<16xi32> to vector<16xi32>
    tpu.vector_store %arg7[%swap3A_305], %swap3A_308 {strides = array<i32>} : memref<128xi32, #tpu.memory_space<vmem>>, vector<16xi32>,
    %mul3A_309 = arith.constant 4 : i32
    %mul3A_310 = vector.broadcast %mul3A_309 : i32 to vector<16xi32>
    %mul3A_311 = arith.muli %and3A_294, %mul3A_310 : vector<16xi32>
    %add3A_312 = arith.addi %mul3A_311, %shift_right_logical3A_285 : vector<16xi32>
    %add3A_313 = arith.constant 512 : i32
    %add3A_314 = vector.broadcast %add3A_313 : i32 to vector<16xi32>
    %add3A_315 = arith.addi %add3A_312, %add3A_314 : vector<16xi32>
    %swap3A_316 = arith.constant 80 : index
    %swap3A_317 = tpu.vector_load %arg8[%swap3A_316] {strides = array<i32>} : memref<128xi32, #tpu.memory_space<vmem>>, vector<16xi32>,
    %swap3A_318 = vector.shape_cast %swap3A_317 : vector<16xi32> to vector<16xi32>
    %swap3A_319 = vector.shape_cast %add3A_315 : vector<16xi32> to vector<16xi32>
    tpu.vector_store %arg8[%swap3A_316], %swap3A_319 {strides = array<i32>} : memref<128xi32, #tpu.memory_space<vmem>>, vector<16xi32>,
    %mul3A_320 = arith.constant 4 : i32
    %mul3A_321 = vector.broadcast %mul3A_320 : i32 to vector<16xi32>
    %mul3A_322 = arith.muli %and3A_300, %mul3A_321 : vector<16xi32>
    %add3A_323 = arith.addi %mul3A_322, %shift_right_logical3A_285 : vector<16xi32>
    %add3A_324 = arith.constant 1024 : i32
    %add3A_325 = vector.broadcast %add3A_324 : i32 to vector<16xi32>
    %add3A_326 = arith.addi %add3A_323, %add3A_325 : vector<16xi32>
    %swap3A_327 = arith.constant 80 : index
    %swap3A_328 = tpu.vector_load %arg9[%swap3A_327] {strides = array<i32>} : memref<128xi32, #tpu.memory_space<vmem>>, vector<16xi32>,
    %swap3A_329 = vector.shape_cast %swap3A_328 : vector<16xi32> to vector<16xi32>
    %swap3A_330 = vector.shape_cast %add3A_326 : vector<16xi32> to vector<16xi32>
    tpu.vector_store %arg9[%swap3A_327], %swap3A_330 {strides = array<i32>} : memref<128xi32, #tpu.memory_space<vmem>>, vector<16xi32>,
    %get3A_331 = arith.constant 0 : i32
    %get3A_332 = arith.index_cast %get3A_331 : i32 to index
    %get3A_333 = arith.constant 96 : index
    %get3A_334 = tpu.vector_load %arg6[%get3A_332, %get3A_333] {strides = array<i32>} : memref<49x128xi32, #tpu.memory_space<vmem>>, vector<1x16xi32>,
    %get3A_335 = vector.shape_cast %get3A_334 : vector<1x16xi32> to vector<16xi32>
    %shift_right_logical3A_336 = arith.constant 24 : i32
    %shift_right_logical3A_337 = vector.broadcast %shift_right_logical3A_336 : i32 to vector<16xi32>
    %shift_right_logical3A_338 = arith.shrui %get3A_335, %shift_right_logical3A_337 : vector<16xi32>
    %and3A_339 = arith.constant 255 : i32
    %and3A_340 = vector.broadcast %and3A_339 : i32 to vector<16xi32>
    %and3A_341 = arith.andi %get3A_335, %and3A_340 : vector<16xi32>
    %shift_right_logical3A_342 = arith.constant 8 : i32
    %shift_right_logical3A_343 = vector.broadcast %shift_right_logical3A_342 : i32 to vector<16xi32>
    %shift_right_logical3A_344 = arith.shrui %get3A_335, %shift_right_logical3A_343 : vector<16xi32>
    %and3A_345 = arith.constant 255 : i32
    %and3A_346 = vector.broadcast %and3A_345 : i32 to vector<16xi32>
    %and3A_347 = arith.andi %shift_right_logical3A_344, %and3A_346 : vector<16xi32>
    %shift_right_logical3A_348 = arith.constant 16 : i32
    %shift_right_logical3A_349 = vector.broadcast %shift_right_logical3A_348 : i32 to vector<16xi32>
    %shift_right_logical3A_350 = arith.shrui %get3A_335, %shift_right_logical3A_349 : vector<16xi32>
    %and3A_351 = arith.constant 255 : i32
    %and3A_352 = vector.broadcast %and3A_351 : i32 to vector<16xi32>
    %and3A_353 = arith.andi %shift_right_logical3A_350, %and3A_352 : vector<16xi32>
    %mul3A_354 = arith.constant 4 : i32
    %mul3A_355 = vector.broadcast %mul3A_354 : i32 to vector<16xi32>
    %mul3A_356 = arith.muli %and3A_341, %mul3A_355 : vector<16xi32>
    %add3A_357 = arith.addi %mul3A_356, %shift_right_logical3A_338 : vector<16xi32>
    %swap3A_358 = arith.constant 96 : index
    %swap3A_359 = tpu.vector_load %arg7[%swap3A_358] {strides = array<i32>} : memref<128xi32, #tpu.memory_space<vmem>>, vector<16xi32>,
    %swap3A_360 = vector.shape_cast %swap3A_359 : vector<16xi32> to vector<16xi32>
    %swap3A_361 = vector.shape_cast %add3A_357 : vector<16xi32> to vector<16xi32>
    tpu.vector_store %arg7[%swap3A_358], %swap3A_361 {strides = array<i32>} : memref<128xi32, #tpu.memory_space<vmem>>, vector<16xi32>,
    %mul3A_362 = arith.constant 4 : i32
    %mul3A_363 = vector.broadcast %mul3A_362 : i32 to vector<16xi32>
    %mul3A_364 = arith.muli %and3A_347, %mul3A_363 : vector<16xi32>
    %add3A_365 = arith.addi %mul3A_364, %shift_right_logical3A_338 : vector<16xi32>
    %add3A_366 = arith.constant 512 : i32
    %add3A_367 = vector.broadcast %add3A_366 : i32 to vector<16xi32>
    %add3A_368 = arith.addi %add3A_365, %add3A_367 : vector<16xi32>
    %swap3A_369 = arith.constant 96 : index
    %swap3A_370 = tpu.vector_load %arg8[%swap3A_369] {strides = array<i32>} : memref<128xi32, #tpu.memory_space<vmem>>, vector<16xi32>,
    %swap3A_371 = vector.shape_cast %swap3A_370 : vector<16xi32> to vector<16xi32>
    %swap3A_372 = vector.shape_cast %add3A_368 : vector<16xi32> to vector<16xi32>
    tpu.vector_store %arg8[%swap3A_369], %swap3A_372 {strides = array<i32>} : memref<128xi32, #tpu.memory_space<vmem>>, vector<16xi32>,
    %mul3A_373 = arith.constant 4 : i32
    %mul3A_374 = vector.broadcast %mul3A_373 : i32 to vector<16xi32>
    %mul3A_375 = arith.muli %and3A_353, %mul3A_374 : vector<16xi32>
    %add3A_376 = arith.addi %mul3A_375, %shift_right_logical3A_338 : vector<16xi32>
    %add3A_377 = arith.constant 1024 : i32
    %add3A_378 = vector.broadcast %add3A_377 : i32 to vector<16xi32>
    %add3A_379 = arith.addi %add3A_376, %add3A_378 : vector<16xi32>
    %swap3A_380 = arith.constant 96 : index
    %swap3A_381 = tpu.vector_load %arg9[%swap3A_380] {strides = array<i32>} : memref<128xi32, #tpu.memory_space<vmem>>, vector<16xi32>,
    %swap3A_382 = vector.shape_cast %swap3A_381 : vector<16xi32> to vector<16xi32>
    %swap3A_383 = vector.shape_cast %add3A_379 : vector<16xi32> to vector<16xi32>
    tpu.vector_store %arg9[%swap3A_380], %swap3A_383 {strides = array<i32>} : memref<128xi32, #tpu.memory_space<vmem>>, vector<16xi32>,
    %get3A_384 = arith.constant 0 : i32
    %get3A_385 = arith.index_cast %get3A_384 : i32 to index
    %get3A_386 = arith.constant 112 : index
    %get3A_387 = tpu.vector_load %arg6[%get3A_385, %get3A_386] {strides = array<i32>} : memref<49x128xi32, #tpu.memory_space<vmem>>, vector<1x16xi32>,
    %get3A_388 = vector.shape_cast %get3A_387 : vector<1x16xi32> to vector<16xi32>
    %shift_right_logical3A_389 = arith.constant 24 : i32
    %shift_right_logical3A_390 = vector.broadcast %shift_right_logical3A_389 : i32 to vector<16xi32>
    %shift_right_logical3A_391 = arith.shrui %get3A_388, %shift_right_logical3A_390 : vector<16xi32>
    %and3A_392 = arith.constant 255 : i32
    %and3A_393 = vector.broadcast %and3A_392 : i32 to vector<16xi32>
    %and3A_394 = arith.andi %get3A_388, %and3A_393 : vector<16xi32>
    %shift_right_logical3A_395 = arith.constant 8 : i32
    %shift_right_logical3A_396 = vector.broadcast %shift_right_logical3A_395 : i32 to vector<16xi32>
    %shift_right_logical3A_397 = arith.shrui %get3A_388, %shift_right_logical3A_396 : vector<16xi32>
    %and3A_398 = arith.constant 255 : i32
    %and3A_399 = vector.broadcast %and3A_398 : i32 to vector<16xi32>
    %and3A_400 = arith.andi %shift_right_logical3A_397, %and3A_399 : vector<16xi32>
    %shift_right_logical3A_401 = arith.constant 16 : i32
    %shift_right_logical3A_402 = vector.broadcast %shift_right_logical3A_401 : i32 to vector<16xi32>
    %shift_right_logical3A_403 = arith.shrui %get3A_388, %shift_right_logical3A_402 : vector<16xi32>
    %and3A_404 = arith.constant 255 : i32
    %and3A_405 = vector.broadcast %and3A_404 : i32 to vector<16xi32>
    %and3A_406 = arith.andi %shift_right_logical3A_403, %and3A_405 : vector<16xi32>
    %mul3A_407 = arith.constant 4 : i32
    %mul3A_408 = vector.broadcast %mul3A_407 : i32 to vector<16xi32>
    %mul3A_409 = arith.muli %and3A_394, %mul3A_408 : vector<16xi32>
    %add3A_410 = arith.addi %mul3A_409, %shift_right_logical3A_391 : vector<16xi32>
    %swap3A_411 = arith.constant 112 : index
    %swap3A_412 = tpu.vector_load %arg7[%swap3A_411] {strides = array<i32>} : memref<128xi32, #tpu.memory_space<vmem>>, vector<16xi32>,
    %swap3A_413 = vector.shape_cast %swap3A_412 : vector<16xi32> to vector<16xi32>
    %swap3A_414 = vector.shape_cast %add3A_410 : vector<16xi32> to vector<16xi32>
    tpu.vector_store %arg7[%swap3A_411], %swap3A_414 {strides = array<i32>} : memref<128xi32, #tpu.memory_space<vmem>>, vector<16xi32>,
    %mul3A_415 = arith.constant 4 : i32
    %mul3A_416 = vector.broadcast %mul3A_415 : i32 to vector<16xi32>
    %mul3A_417 = arith.muli %and3A_400, %mul3A_416 : vector<16xi32>
    %add3A_418 = arith.addi %mul3A_417, %shift_right_logical3A_391 : vector<16xi32>
    %add3A_419 = arith.constant 512 : i32
    %add3A_420 = vector.broadcast %add3A_419 : i32 to vector<16xi32>
    %add3A_421 = arith.addi %add3A_418, %add3A_420 : vector<16xi32>
    %swap3A_422 = arith.constant 112 : index
    %swap3A_423 = tpu.vector_load %arg8[%swap3A_422] {strides = array<i32>} : memref<128xi32, #tpu.memory_space<vmem>>, vector<16xi32>,
    %swap3A_424 = vector.shape_cast %swap3A_423 : vector<16xi32> to vector<16xi32>
    %swap3A_425 = vector.shape_cast %add3A_421 : vector<16xi32> to vector<16xi32>
    tpu.vector_store %arg8[%swap3A_422], %swap3A_425 {strides = array<i32>} : memref<128xi32, #tpu.memory_space<vmem>>, vector<16xi32>,
    %mul3A_426 = arith.constant 4 : i32
    %mul3A_427 = vector.broadcast %mul3A_426 : i32 to vector<16xi32>
    %mul3A_428 = arith.muli %and3A_406, %mul3A_427 : vector<16xi32>
    %add3A_429 = arith.addi %mul3A_428, %shift_right_logical3A_391 : vector<16xi32>
    %add3A_430 = arith.constant 1024 : i32
    %add3A_431 = vector.broadcast %add3A_430 : i32 to vector<16xi32>
    %add3A_432 = arith.addi %add3A_429, %add3A_431 : vector<16xi32>
    %swap3A_433 = arith.constant 112 : index
    %swap3A_434 = tpu.vector_load %arg9[%swap3A_433] {strides = array<i32>} : memref<128xi32, #tpu.memory_space<vmem>>, vector<16xi32>,
    %swap3A_435 = vector.shape_cast %swap3A_434 : vector<16xi32> to vector<16xi32>
    %swap3A_436 = vector.shape_cast %add3A_432 : vector<16xi32> to vector<16xi32>
    tpu.vector_store %arg9[%swap3A_433], %swap3A_436 {strides = array<i32>} : memref<128xi32, #tpu.memory_space<vmem>>, vector<16xi32>,
    %dma_start3A_437 = arith.constant 0 : i32
    %dma_start3A_438 = arith.constant 0 : i32
    %dma_start3A_439 = tpu.memref_slice %arg5[%dma_start3A_437, %dma_start3A_438] : memref<1536x128xf32, #tpu.memory_space<vmem_shared>> -> memref<1536x128xf32, #tpu.memory_space<vmem_shared>>
    tpu.enqueue_indirect_dma source(%dma_start3A_439 : memref<1536x128xf32, #tpu.memory_space<vmem_shared>>) target(%arg13 : memref<128x128xf32, #tpu.memory_space<vmem>>) offsets(%arg7 : memref<128xi32, #tpu.memory_space<vmem>>) semaphore(%arg20 : memref<!tpu.dma_semaphore, #tpu.memory_space<semaphore_mem>>)
    %dma_start3A_440 = arith.constant 0 : i32
    %dma_start3A_441 = arith.constant 0 : i32
    %dma_start3A_442 = tpu.memref_slice %arg5[%dma_start3A_440, %dma_start3A_441] : memref<1536x128xf32, #tpu.memory_space<vmem_shared>> -> memref<1536x128xf32, #tpu.memory_space<vmem_shared>>
    tpu.enqueue_indirect_dma source(%dma_start3A_442 : memref<1536x128xf32, #tpu.memory_space<vmem_shared>>) target(%arg14 : memref<128x128xf32, #tpu.memory_space<vmem>>) offsets(%arg8 : memref<128xi32, #tpu.memory_space<vmem>>) semaphore(%arg21 : memref<!tpu.dma_semaphore, #tpu.memory_space<semaphore_mem>>)
    %dma_start3A_443 = arith.constant 0 : i32
    %dma_start3A_444 = arith.constant 0 : i32
    %dma_start3A_445 = tpu.memref_slice %arg5[%dma_start3A_443, %dma_start3A_444] : memref<1536x128xf32, #tpu.memory_space<vmem_shared>> -> memref<1536x128xf32, #tpu.memory_space<vmem_shared>>
    tpu.enqueue_indirect_dma source(%dma_start3A_445 : memref<1536x128xf32, #tpu.memory_space<vmem_shared>>) target(%arg15 : memref<128x128xf32, #tpu.memory_space<vmem>>) offsets(%arg9 : memref<128xi32, #tpu.memory_space<vmem>>) semaphore(%arg22 : memref<!tpu.dma_semaphore, #tpu.memory_space<semaphore_mem>>)
    %get3A_446 = arith.constant 1 : i32
    %get3A_447 = arith.index_cast %get3A_446 : i32 to index
    %get3A_448 = arith.constant 0 : index
    %get3A_449 = tpu.vector_load %arg6[%get3A_447, %get3A_448] {strides = array<i32>} : memref<49x128xi32, #tpu.memory_space<vmem>>, vector<1x16xi32>,
    %get3A_450 = vector.shape_cast %get3A_449 : vector<1x16xi32> to vector<16xi32>
    %shift_right_logical3A_451 = arith.constant 24 : i32
    %shift_right_logical3A_452 = vector.broadcast %shift_right_logical3A_451 : i32 to vector<16xi32>
    %shift_right_logical3A_453 = arith.shrui %get3A_450, %shift_right_logical3A_452 : vector<16xi32>
    %and3A_454 = arith.constant 255 : i32
    %and3A_455 = vector.broadcast %and3A_454 : i32 to vector<16xi32>
    %and3A_456 = arith.andi %get3A_450, %and3A_455 : vector<16xi32>
    %shift_right_logical3A_457 = arith.constant 8 : i32
    %shift_right_logical3A_458 = vector.broadcast %shift_right_logical3A_457 : i32 to vector<16xi32>
    %shift_right_logical3A_459 = arith.shrui %get3A_450, %shift_right_logical3A_458 : vector<16xi32>
    %and3A_460 = arith.constant 255 : i32
    %and3A_461 = vector.broadcast %and3A_460 : i32 to vector<16xi32>
    %and3A_462 = arith.andi %shift_right_logical3A_459, %and3A_461 : vector<16xi32>
    %shift_right_logical3A_463 = arith.constant 16 : i32
    %shift_right_logical3A_464 = vector.broadcast %shift_right_logical3A_463 : i32 to vector<16xi32>
    %shift_right_logical3A_465 = arith.shrui %get3A_450, %shift_right_logical3A_464 : vector<16xi32>
    %and3A_466 = arith.constant 255 : i32
    %and3A_467 = vector.broadcast %and3A_466 : i32 to vector<16xi32>
    %and3A_468 = arith.andi %shift_right_logical3A_465, %and3A_467 : vector<16xi32>
    %mul3A_469 = arith.constant 4 : i32
    %mul3A_470 = vector.broadcast %mul3A_469 : i32 to vector<16xi32>
    %mul3A_471 = arith.muli %and3A_456, %mul3A_470 : vector<16xi32>
    %add3A_472 = arith.addi %mul3A_471, %shift_right_logical3A_453 : vector<16xi32>
    %swap3A_473 = arith.constant 0 : index
    %swap3A_474 = tpu.vector_load %arg10[%swap3A_473] {strides = array<i32>} : memref<128xi32, #tpu.memory_space<vmem>>, vector<16xi32>,
    %swap3A_475 = vector.shape_cast %swap3A_474 : vector<16xi32> to vector<16xi32>
    %swap3A_476 = vector.shape_cast %add3A_472 : vector<16xi32> to vector<16xi32>
    tpu.vector_store %arg10[%swap3A_473], %swap3A_476 {strides = array<i32>} : memref<128xi32, #tpu.memory_space<vmem>>, vector<16xi32>,
    %mul3A_477 = arith.constant 4 : i32
    %mul3A_478 = vector.broadcast %mul3A_477 : i32 to vector<16xi32>
    %mul3A_479 = arith.muli %and3A_462, %mul3A_478 : vector<16xi32>
    %add3A_480 = arith.addi %mul3A_479, %shift_right_logical3A_453 : vector<16xi32>
    %add3A_481 = arith.constant 512 : i32
    %add3A_482 = vector.broadcast %add3A_481 : i32 to vector<16xi32>
    %add3A_483 = arith.addi %add3A_480, %add3A_482 : vector<16xi32>
    %swap3A_484 = arith.constant 0 : index
    %swap3A_485 = tpu.vector_load %arg11[%swap3A_484] {strides = array<i32>} : memref<128xi32, #tpu.memory_space<vmem>>, vector<16xi32>,
    %swap3A_486 = vector.shape_cast %swap3A_485 : vector<16xi32> to vector<16xi32>
    %swap3A_487 = vector.shape_cast %add3A_483 : vector<16xi32> to vector<16xi32>
    tpu.vector_store %arg11[%swap3A_484], %swap3A_487 {strides = array<i32>} : memref<128xi32, #tpu.memory_space<vmem>>, vector<16xi32>,
    %mul3A_488 = arith.constant 4 : i32
    %mul3A_489 = vector.broadcast %mul3A_488 : i32 to vector<16xi32>
    %mul3A_490 = arith.muli %and3A_468, %mul3A_489 : vector<16xi32>
    %add3A_491 = arith.addi %mul3A_490, %shift_right_logical3A_453 : vector<16xi32>
    %add3A_492 = arith.constant 1024 : i32
    %add3A_493 = vector.broadcast %add3A_492 : i32 to vector<16xi32>
    %add3A_494 = arith.addi %add3A_491, %add3A_493 : vector<16xi32>
    %swap3A_495 = arith.constant 0 : index
    %swap3A_496 = tpu.vector_load %arg12[%swap3A_495] {strides = array<i32>} : memref<128xi32, #tpu.memory_space<vmem>>, vector<16xi32>,
    %swap3A_497 = vector.shape_cast %swap3A_496 : vector<16xi32> to vector<16xi32>
    %swap3A_498 = vector.shape_cast %add3A_494 : vector<16xi32> to vector<16xi32>
    tpu.vector_store %arg12[%swap3A_495], %swap3A_498 {strides = array<i32>} : memref<128xi32, #tpu.memory_space<vmem>>, vector<16xi32>,
    %get3A_499 = arith.constant 1 : i32
    %get3A_500 = arith.index_cast %get3A_499 : i32 to index
    %get3A_501 = arith.constant 16 : index
    %get3A_502 = tpu.vector_load %arg6[%get3A_500, %get3A_501] {strides = array<i32>} : memref<49x128xi32, #tpu.memory_space<vmem>>, vector<1x16xi32>,
    %get3A_503 = vector.shape_cast %get3A_502 : vector<1x16xi32> to vector<16xi32>
    %shift_right_logical3A_504 = arith.constant 24 : i32
    %shift_right_logical3A_505 = vector.broadcast %shift_right_logical3A_504 : i32 to vector<16xi32>
    %shift_right_logical3A_506 = arith.shrui %get3A_503, %shift_right_logical3A_505 : vector<16xi32>
    %and3A_507 = arith.constant 255 : i32
    %and3A_508 = vector.broadcast %and3A_507 : i32 to vector<16xi32>
    %and3A_509 = arith.andi %get3A_503, %and3A_508 : vector<16xi32>
    %shift_right_logical3A_510 = arith.constant 8 : i32
    %shift_right_logical3A_511 = vector.broadcast %shift_right_logical3A_510 : i32 to vector<16xi32>
    %shift_right_logical3A_512 = arith.shrui %get3A_503, %shift_right_logical3A_511 : vector<16xi32>
    %and3A_513 = arith.constant 255 : i32
    %and3A_514 = vector.broadcast %and3A_513 : i32 to vector<16xi32>
    %and3A_515 = arith.andi %shift_right_logical3A_512, %and3A_514 : vector<16xi32>
    %shift_right_logical3A_516 = arith.constant 16 : i32
    %shift_right_logical3A_517 = vector.broadcast %shift_right_logical3A_516 : i32 to vector<16xi32>
    %shift_right_logical3A_518 = arith.shrui %get3A_503, %shift_right_logical3A_517 : vector<16xi32>
    %and3A_519 = arith.constant 255 : i32
    %and3A_520 = vector.broadcast %and3A_519 : i32 to vector<16xi32>
    %and3A_521 = arith.andi %shift_right_logical3A_518, %and3A_520 : vector<16xi32>
    %mul3A_522 = arith.constant 4 : i32
    %mul3A_523 = vector.broadcast %mul3A_522 : i32 to vector<16xi32>
    %mul3A_524 = arith.muli %and3A_509, %mul3A_523 : vector<16xi32>
    %add3A_525 = arith.addi %mul3A_524, %shift_right_logical3A_506 : vector<16xi32>
    %swap3A_526 = arith.constant 16 : index
    %swap3A_527 = tpu.vector_load %arg10[%swap3A_526] {strides = array<i32>} : memref<128xi32, #tpu.memory_space<vmem>>, vector<16xi32>,
    %swap3A_528 = vector.shape_cast %swap3A_527 : vector<16xi32> to vector<16xi32>
    %swap3A_529 = vector.shape_cast %add3A_525 : vector<16xi32> to vector<16xi32>
    tpu.vector_store %arg10[%swap3A_526], %swap3A_529 {strides = array<i32>} : memref<128xi32, #tpu.memory_space<vmem>>, vector<16xi32>,
    %mul3A_530 = arith.constant 4 : i32
    %mul3A_531 = vector.broadcast %mul3A_530 : i32 to vector<16xi32>
    %mul3A_532 = arith.muli %and3A_515, %mul3A_531 : vector<16xi32>
    %add3A_533 = arith.addi %mul3A_532, %shift_right_logical3A_506 : vector<16xi32>
    %add3A_534 = arith.constant 512 : i32
    %add3A_535 = vector.broadcast %add3A_534 : i32 to vector<16xi32>
    %add3A_536 = arith.addi %add3A_533, %add3A_535 : vector<16xi32>
    %swap3A_537 = arith.constant 16 : index
    %swap3A_538 = tpu.vector_load %arg11[%swap3A_537] {strides = array<i32>} : memref<128xi32, #tpu.memory_space<vmem>>, vector<16xi32>,
    %swap3A_539 = vector.shape_cast %swap3A_538 : vector<16xi32> to vector<16xi32>
    %swap3A_540 = vector.shape_cast %add3A_536 : vector<16xi32> to vector<16xi32>
    tpu.vector_store %arg11[%swap3A_537], %swap3A_540 {strides = array<i32>} : memref<128xi32, #tpu.memory_space<vmem>>, vector<16xi32>,
    %mul3A_541 = arith.constant 4 : i32
    %mul3A_542 = vector.broadcast %mul3A_541 : i32 to vector<16xi32>
    %mul3A_543 = arith.muli %and3A_521, %mul3A_542 : vector<16xi32>
    %add3A_544 = arith.addi %mul3A_543, %shift_right_logical3A_506 : vector<16xi32>
    %add3A_545 = arith.constant 1024 : i32
    %add3A_546 = vector.broadcast %add3A_545 : i32 to vector<16xi32>
    %add3A_547 = arith.addi %add3A_544, %add3A_546 : vector<16xi32>
    %swap3A_548 = arith.constant 16 : index
    %swap3A_549 = tpu.vector_load %arg12[%swap3A_548] {strides = array<i32>} : memref<128xi32, #tpu.memory_space<vmem>>, vector<16xi32>,
    %swap3A_550 = vector.shape_cast %swap3A_549 : vector<16xi32> to vector<16xi32>
    %swap3A_551 = vector.shape_cast %add3A_547 : vector<16xi32> to vector<16xi32>
    tpu.vector_store %arg12[%swap3A_548], %swap3A_551 {strides = array<i32>} : memref<128xi32, #tpu.memory_space<vmem>>, vector<16xi32>,
    %get3A_552 = arith.constant 1 : i32
    %get3A_553 = arith.index_cast %get3A_552 : i32 to index
    %get3A_554 = arith.constant 32 : index
    %get3A_555 = tpu.vector_load %arg6[%get3A_553, %get3A_554] {strides = array<i32>} : memref<49x128xi32, #tpu.memory_space<vmem>>, vector<1x16xi32>,
    %get3A_556 = vector.shape_cast %get3A_555 : vector<1x16xi32> to vector<16xi32>
    %shift_right_logical3A_557 = arith.constant 24 : i32
    %shift_right_logical3A_558 = vector.broadcast %shift_right_logical3A_557 : i32 to vector<16xi32>
    %shift_right_logical3A_559 = arith.shrui %get3A_556, %shift_right_logical3A_558 : vector<16xi32>
    %and3A_560 = arith.constant 255 : i32
    %and3A_561 = vector.broadcast %and3A_560 : i32 to vector<16xi32>
    %and3A_562 = arith.andi %get3A_556, %and3A_561 : vector<16xi32>
    %shift_right_logical3A_563 = arith.constant 8 : i32
    %shift_right_logical3A_564 = vector.broadcast %shift_right_logical3A_563 : i32 to vector<16xi32>
    %shift_right_logical3A_565 = arith.shrui %get3A_556, %shift_right_logical3A_564 : vector<16xi32>
    %and3A_566 = arith.constant 255 : i32
    %and3A_567 = vector.broadcast %and3A_566 : i32 to vector<16xi32>
    %and3A_568 = arith.andi %shift_right_logical3A_565, %and3A_567 : vector<16xi32>
    %shift_right_logical3A_569 = arith.constant 16 : i32
    %shift_right_logical3A_570 = vector.broadcast %shift_right_logical3A_569 : i32 to vector<16xi32>
    %shift_right_logical3A_571 = arith.shrui %get3A_556, %shift_right_logical3A_570 : vector<16xi32>
    %and3A_572 = arith.constant 255 : i32
    %and3A_573 = vector.broadcast %and3A_572 : i32 to vector<16xi32>
    %and3A_574 = arith.andi %shift_right_logical3A_571, %and3A_573 : vector<16xi32>
    %mul3A_575 = arith.constant 4 : i32
    %mul3A_576 = vector.broadcast %mul3A_575 : i32 to vector<16xi32>
    %mul3A_577 = arith.muli %and3A_562, %mul3A_576 : vector<16xi32>
    %add3A_578 = arith.addi %mul3A_577, %shift_right_logical3A_559 : vector<16xi32>
    %swap3A_579 = arith.constant 32 : index
    %swap3A_580 = tpu.vector_load %arg10[%swap3A_579] {strides = array<i32>} : memref<128xi32, #tpu.memory_space<vmem>>, vector<16xi32>,
    %swap3A_581 = vector.shape_cast %swap3A_580 : vector<16xi32> to vector<16xi32>
    %swap3A_582 = vector.shape_cast %add3A_578 : vector<16xi32> to vector<16xi32>
    tpu.vector_store %arg10[%swap3A_579], %swap3A_582 {strides = array<i32>} : memref<128xi32, #tpu.memory_space<vmem>>, vector<16xi32>,
    %mul3A_583 = arith.constant 4 : i32
    %mul3A_584 = vector.broadcast %mul3A_583 : i32 to vector<16xi32>
    %mul3A_585 = arith.muli %and3A_568, %mul3A_584 : vector<16xi32>
    %add3A_586 = arith.addi %mul3A_585, %shift_right_logical3A_559 : vector<16xi32>
    %add3A_587 = arith.constant 512 : i32
    %add3A_588 = vector.broadcast %add3A_587 : i32 to vector<16xi32>
    %add3A_589 = arith.addi %add3A_586, %add3A_588 : vector<16xi32>
    %swap3A_590 = arith.constant 32 : index
    %swap3A_591 = tpu.vector_load %arg11[%swap3A_590] {strides = array<i32>} : memref<128xi32, #tpu.memory_space<vmem>>, vector<16xi32>,
    %swap3A_592 = vector.shape_cast %swap3A_591 : vector<16xi32> to vector<16xi32>
    %swap3A_593 = vector.shape_cast %add3A_589 : vector<16xi32> to vector<16xi32>
    tpu.vector_store %arg11[%swap3A_590], %swap3A_593 {strides = array<i32>} : memref<128xi32, #tpu.memory_space<vmem>>, vector<16xi32>,
    %mul3A_594 = arith.constant 4 : i32
    %mul3A_595 = vector.broadcast %mul3A_594 : i32 to vector<16xi32>
    %mul3A_596 = arith.muli %and3A_574, %mul3A_595 : vector<16xi32>
    %add3A_597 = arith.addi %mul3A_596, %shift_right_logical3A_559 : vector<16xi32>
    %add3A_598 = arith.constant 1024 : i32
    %add3A_599 = vector.broadcast %add3A_598 : i32 to vector<16xi32>
    %add3A_600 = arith.addi %add3A_597, %add3A_599 : vector<16xi32>
    %swap3A_601 = arith.constant 32 : index
    %swap3A_602 = tpu.vector_load %arg12[%swap3A_601] {strides = array<i32>} : memref<128xi32, #tpu.memory_space<vmem>>, vector<16xi32>,
    %swap3A_603 = vector.shape_cast %swap3A_602 : vector<16xi32> to vector<16xi32>
    %swap3A_604 = vector.shape_cast %add3A_600 : vector<16xi32> to vector<16xi32>
    tpu.vector_store %arg12[%swap3A_601], %swap3A_604 {strides = array<i32>} : memref<128xi32, #tpu.memory_space<vmem>>, vector<16xi32>,
    %get3A_605 = arith.constant 1 : i32
    %get3A_606 = arith.index_cast %get3A_605 : i32 to index
    %get3A_607 = arith.constant 48 : index
    %get3A_608 = tpu.vector_load %arg6[%get3A_606, %get3A_607] {strides = array<i32>} : memref<49x128xi32, #tpu.memory_space<vmem>>, vector<1x16xi32>,
    %get3A_609 = vector.shape_cast %get3A_608 : vector<1x16xi32> to vector<16xi32>
    %shift_right_logical3A_610 = arith.constant 24 : i32
    %shift_right_logical3A_611 = vector.broadcast %shift_right_logical3A_610 : i32 to vector<16xi32>
    %shift_right_logical3A_612 = arith.shrui %get3A_609, %shift_right_logical3A_611 : vector<16xi32>
    %and3A_613 = arith.constant 255 : i32
    %and3A_614 = vector.broadcast %and3A_613 : i32 to vector<16xi32>
    %and3A_615 = arith.andi %get3A_609, %and3A_614 : vector<16xi32>
    %shift_right_logical3A_616 = arith.constant 8 : i32
    %shift_right_logical3A_617 = vector.broadcast %shift_right_logical3A_616 : i32 to vector<16xi32>
    %shift_right_logical3A_618 = arith.shrui %get3A_609, %shift_right_logical3A_617 : vector<16xi32>
    %and3A_619 = arith.constant 255 : i32
    %and3A_620 = vector.broadcast %and3A_619 : i32 to vector<16xi32>
    %and3A_621 = arith.andi %shift_right_logical3A_618, %and3A_620 : vector<16xi32>
    %shift_right_logical3A_622 = arith.constant 16 : i32
    %shift_right_logical3A_623 = vector.broadcast %shift_right_logical3A_622 : i32 to vector<16xi32>
    %shift_right_logical3A_624 = arith.shrui %get3A_609, %shift_right_logical3A_623 : vector<16xi32>
    %and3A_625 = arith.constant 255 : i32
    %and3A_626 = vector.broadcast %and3A_625 : i32 to vector<16xi32>
    %and3A_627 = arith.andi %shift_right_logical3A_624, %and3A_626 : vector<16xi32>
    %mul3A_628 = arith.constant 4 : i32
    %mul3A_629 = vector.broadcast %mul3A_628 : i32 to vector<16xi32>
    %mul3A_630 = arith.muli %and3A_615, %mul3A_629 : vector<16xi32>
    %add3A_631 = arith.addi %mul3A_630, %shift_right_logical3A_612 : vector<16xi32>
    %swap3A_632 = arith.constant 48 : index
    %swap3A_633 = tpu.vector_load %arg10[%swap3A_632] {strides = array<i32>} : memref<128xi32, #tpu.memory_space<vmem>>, vector<16xi32>,
    %swap3A_634 = vector.shape_cast %swap3A_633 : vector<16xi32> to vector<16xi32>
    %swap3A_635 = vector.shape_cast %add3A_631 : vector<16xi32> to vector<16xi32>
    tpu.vector_store %arg10[%swap3A_632], %swap3A_635 {strides = array<i32>} : memref<128xi32, #tpu.memory_space<vmem>>, vector<16xi32>,
    %mul3A_636 = arith.constant 4 : i32
    %mul3A_637 = vector.broadcast %mul3A_636 : i32 to vector<16xi32>
    %mul3A_638 = arith.muli %and3A_621, %mul3A_637 : vector<16xi32>
    %add3A_639 = arith.addi %mul3A_638, %shift_right_logical3A_612 : vector<16xi32>
    %add3A_640 = arith.constant 512 : i32
    %add3A_641 = vector.broadcast %add3A_640 : i32 to vector<16xi32>
    %add3A_642 = arith.addi %add3A_639, %add3A_641 : vector<16xi32>
    %swap3A_643 = arith.constant 48 : index
    %swap3A_644 = tpu.vector_load %arg11[%swap3A_643] {strides = array<i32>} : memref<128xi32, #tpu.memory_space<vmem>>, vector<16xi32>,
    %swap3A_645 = vector.shape_cast %swap3A_644 : vector<16xi32> to vector<16xi32>
    %swap3A_646 = vector.shape_cast %add3A_642 : vector<16xi32> to vector<16xi32>
    tpu.vector_store %arg11[%swap3A_643], %swap3A_646 {strides = array<i32>} : memref<128xi32, #tpu.memory_space<vmem>>, vector<16xi32>,
    %mul3A_647 = arith.constant 4 : i32
    %mul3A_648 = vector.broadcast %mul3A_647 : i32 to vector<16xi32>
    %mul3A_649 = arith.muli %and3A_627, %mul3A_648 : vector<16xi32>
    %add3A_650 = arith.addi %mul3A_649, %shift_right_logical3A_612 : vector<16xi32>
    %add3A_651 = arith.constant 1024 : i32
    %add3A_652 = vector.broadcast %add3A_651 : i32 to vector<16xi32>
    %add3A_653 = arith.addi %add3A_650, %add3A_652 : vector<16xi32>
    %swap3A_654 = arith.constant 48 : index
    %swap3A_655 = tpu.vector_load %arg12[%swap3A_654] {strides = array<i32>} : memref<128xi32, #tpu.memory_space<vmem>>, vector<16xi32>,
    %swap3A_656 = vector.shape_cast %swap3A_655 : vector<16xi32> to vector<16xi32>
    %swap3A_657 = vector.shape_cast %add3A_653 : vector<16xi32> to vector<16xi32>
    tpu.vector_store %arg12[%swap3A_654], %swap3A_657 {strides = array<i32>} : memref<128xi32, #tpu.memory_space<vmem>>, vector<16xi32>,
    %get3A_658 = arith.constant 1 : i32
    %get3A_659 = arith.index_cast %get3A_658 : i32 to index
    %get3A_660 = arith.constant 64 : index
    %get3A_661 = tpu.vector_load %arg6[%get3A_659, %get3A_660] {strides = array<i32>} : memref<49x128xi32, #tpu.memory_space<vmem>>, vector<1x16xi32>,
    %get3A_662 = vector.shape_cast %get3A_661 : vector<1x16xi32> to vector<16xi32>
    %shift_right_logical3A_663 = arith.constant 24 : i32
    %shift_right_logical3A_664 = vector.broadcast %shift_right_logical3A_663 : i32 to vector<16xi32>
    %shift_right_logical3A_665 = arith.shrui %get3A_662, %shift_right_logical3A_664 : vector<16xi32>
    %and3A_666 = arith.constant 255 : i32
    %and3A_667 = vector.broadcast %and3A_666 : i32 to vector<16xi32>
    %and3A_668 = arith.andi %get3A_662, %and3A_667 : vector<16xi32>
    %shift_right_logical3A_669 = arith.constant 8 : i32
    %shift_right_logical3A_670 = vector.broadcast %shift_right_logical3A_669 : i32 to vector<16xi32>
    %shift_right_logical3A_671 = arith.shrui %get3A_662, %shift_right_logical3A_670 : vector<16xi32>
    %and3A_672 = arith.constant 255 : i32
    %and3A_673 = vector.broadcast %and3A_672 : i32 to vector<16xi32>
    %and3A_674 = arith.andi %shift_right_logical3A_671, %and3A_673 : vector<16xi32>
    %shift_right_logical3A_675 = arith.constant 16 : i32
    %shift_right_logical3A_676 = vector.broadcast %shift_right_logical3A_675 : i32 to vector<16xi32>
    %shift_right_logical3A_677 = arith.shrui %get3A_662, %shift_right_logical3A_676 : vector<16xi32>
    %and3A_678 = arith.constant 255 : i32
    %and3A_679 = vector.broadcast %and3A_678 : i32 to vector<16xi32>
    %and3A_680 = arith.andi %shift_right_logical3A_677, %and3A_679 : vector<16xi32>
    %mul3A_681 = arith.constant 4 : i32
    %mul3A_682 = vector.broadcast %mul3A_681 : i32 to vector<16xi32>
    %mul3A_683 = arith.muli %and3A_668, %mul3A_682 : vector<16xi32>
    %add3A_684 = arith.addi %mul3A_683, %shift_right_logical3A_665 : vector<16xi32>
    %swap3A_685 = arith.constant 64 : index
    %swap3A_686 = tpu.vector_load %arg10[%swap3A_685] {strides = array<i32>} : memref<128xi32, #tpu.memory_space<vmem>>, vector<16xi32>,
    %swap3A_687 = vector.shape_cast %swap3A_686 : vector<16xi32> to vector<16xi32>
    %swap3A_688 = vector.shape_cast %add3A_684 : vector<16xi32> to vector<16xi32>
    tpu.vector_store %arg10[%swap3A_685], %swap3A_688 {strides = array<i32>} : memref<128xi32, #tpu.memory_space<vmem>>, vector<16xi32>,
    %mul3A_689 = arith.constant 4 : i32
    %mul3A_690 = vector.broadcast %mul3A_689 : i32 to vector<16xi32>
    %mul3A_691 = arith.muli %and3A_674, %mul3A_690 : vector<16xi32>
    %add3A_692 = arith.addi %mul3A_691, %shift_right_logical3A_665 : vector<16xi32>
    %add3A_693 = arith.constant 512 : i32
    %add3A_694 = vector.broadcast %add3A_693 : i32 to vector<16xi32>
    %add3A_695 = arith.addi %add3A_692, %add3A_694 : vector<16xi32>
    %swap3A_696 = arith.constant 64 : index
    %swap3A_697 = tpu.vector_load %arg11[%swap3A_696] {strides = array<i32>} : memref<128xi32, #tpu.memory_space<vmem>>, vector<16xi32>,
    %swap3A_698 = vector.shape_cast %swap3A_697 : vector<16xi32> to vector<16xi32>
    %swap3A_699 = vector.shape_cast %add3A_695 : vector<16xi32> to vector<16xi32>
    tpu.vector_store %arg11[%swap3A_696], %swap3A_699 {strides = array<i32>} : memref<128xi32, #tpu.memory_space<vmem>>, vector<16xi32>,
    %mul3A_700 = arith.constant 4 : i32
    %mul3A_701 = vector.broadcast %mul3A_700 : i32 to vector<16xi32>
    %mul3A_702 = arith.muli %and3A_680, %mul3A_701 : vector<16xi32>
    %add3A_703 = arith.addi %mul3A_702, %shift_right_logical3A_665 : vector<16xi32>
    %add3A_704 = arith.constant 1024 : i32
    %add3A_705 = vector.broadcast %add3A_704 : i32 to vector<16xi32>
    %add3A_706 = arith.addi %add3A_703, %add3A_705 : vector<16xi32>
    %swap3A_707 = arith.constant 64 : index
    %swap3A_708 = tpu.vector_load %arg12[%swap3A_707] {strides = array<i32>} : memref<128xi32, #tpu.memory_space<vmem>>, vector<16xi32>,
    %swap3A_709 = vector.shape_cast %swap3A_708 : vector<16xi32> to vector<16xi32>
    %swap3A_710 = vector.shape_cast %add3A_706 : vector<16xi32> to vector<16xi32>
    tpu.vector_store %arg12[%swap3A_707], %swap3A_710 {strides = array<i32>} : memref<128xi32, #tpu.memory_space<vmem>>, vector<16xi32>,
    %get3A_711 = arith.constant 1 : i32
    %get3A_712 = arith.index_cast %get3A_711 : i32 to index
    %get3A_713 = arith.constant 80 : index
    %get3A_714 = tpu.vector_load %arg6[%get3A_712, %get3A_713] {strides = array<i32>} : memref<49x128xi32, #tpu.memory_space<vmem>>, vector<1x16xi32>,
    %get3A_715 = vector.shape_cast %get3A_714 : vector<1x16xi32> to vector<16xi32>
    %shift_right_logical3A_716 = arith.constant 24 : i32
    %shift_right_logical3A_717 = vector.broadcast %shift_right_logical3A_716 : i32 to vector<16xi32>
    %shift_right_logical3A_718 = arith.shrui %get3A_715, %shift_right_logical3A_717 : vector<16xi32>
    %and3A_719 = arith.constant 255 : i32
    %and3A_720 = vector.broadcast %and3A_719 : i32 to vector<16xi32>
    %and3A_721 = arith.andi %get3A_715, %and3A_720 : vector<16xi32>
    %shift_right_logical3A_722 = arith.constant 8 : i32
    %shift_right_logical3A_723 = vector.broadcast %shift_right_logical3A_722 : i32 to vector<16xi32>
    %shift_right_logical3A_724 = arith.shrui %get3A_715, %shift_right_logical3A_723 : vector<16xi32>
    %and3A_725 = arith.constant 255 : i32
    %and3A_726 = vector.broadcast %and3A_725 : i32 to vector<16xi32>
    %and3A_727 = arith.andi %shift_right_logical3A_724, %and3A_726 : vector<16xi32>
    %shift_right_logical3A_728 = arith.constant 16 : i32
    %shift_right_logical3A_729 = vector.broadcast %shift_right_logical3A_728 : i32 to vector<16xi32>
    %shift_right_logical3A_730 = arith.shrui %get3A_715, %shift_right_logical3A_729 : vector<16xi32>
    %and3A_731 = arith.constant 255 : i32
    %and3A_732 = vector.broadcast %and3A_731 : i32 to vector<16xi32>
    %and3A_733 = arith.andi %shift_right_logical3A_730, %and3A_732 : vector<16xi32>
    %mul3A_734 = arith.constant 4 : i32
    %mul3A_735 = vector.broadcast %mul3A_734 : i32 to vector<16xi32>
    %mul3A_736 = arith.muli %and3A_721, %mul3A_735 : vector<16xi32>
    %add3A_737 = arith.addi %mul3A_736, %shift_right_logical3A_718 : vector<16xi32>
    %swap3A_738 = arith.constant 80 : index
    %swap3A_739 = tpu.vector_load %arg10[%swap3A_738] {strides = array<i32>} : memref<128xi32, #tpu.memory_space<vmem>>, vector<16xi32>,
    %swap3A_740 = vector.shape_cast %swap3A_739 : vector<16xi32> to vector<16xi32>
    %swap3A_741 = vector.shape_cast %add3A_737 : vector<16xi32> to vector<16xi32>
    tpu.vector_store %arg10[%swap3A_738], %swap3A_741 {strides = array<i32>} : memref<128xi32, #tpu.memory_space<vmem>>, vector<16xi32>,
    %mul3A_742 = arith.constant 4 : i32
    %mul3A_743 = vector.broadcast %mul3A_742 : i32 to vector<16xi32>
    %mul3A_744 = arith.muli %and3A_727, %mul3A_743 : vector<16xi32>
    %add3A_745 = arith.addi %mul3A_744, %shift_right_logical3A_718 : vector<16xi32>
    %add3A_746 = arith.constant 512 : i32
    %add3A_747 = vector.broadcast %add3A_746 : i32 to vector<16xi32>
    %add3A_748 = arith.addi %add3A_745, %add3A_747 : vector<16xi32>
    %swap3A_749 = arith.constant 80 : index
    %swap3A_750 = tpu.vector_load %arg11[%swap3A_749] {strides = array<i32>} : memref<128xi32, #tpu.memory_space<vmem>>, vector<16xi32>,
    %swap3A_751 = vector.shape_cast %swap3A_750 : vector<16xi32> to vector<16xi32>
    %swap3A_752 = vector.shape_cast %add3A_748 : vector<16xi32> to vector<16xi32>
    tpu.vector_store %arg11[%swap3A_749], %swap3A_752 {strides = array<i32>} : memref<128xi32, #tpu.memory_space<vmem>>, vector<16xi32>,
    %mul3A_753 = arith.constant 4 : i32
    %mul3A_754 = vector.broadcast %mul3A_753 : i32 to vector<16xi32>
    %mul3A_755 = arith.muli %and3A_733, %mul3A_754 : vector<16xi32>
    %add3A_756 = arith.addi %mul3A_755, %shift_right_logical3A_718 : vector<16xi32>
    %add3A_757 = arith.constant 1024 : i32
    %add3A_758 = vector.broadcast %add3A_757 : i32 to vector<16xi32>
    %add3A_759 = arith.addi %add3A_756, %add3A_758 : vector<16xi32>
    %swap3A_760 = arith.constant 80 : index
    %swap3A_761 = tpu.vector_load %arg12[%swap3A_760] {strides = array<i32>} : memref<128xi32, #tpu.memory_space<vmem>>, vector<16xi32>,
    %swap3A_762 = vector.shape_cast %swap3A_761 : vector<16xi32> to vector<16xi32>
    %swap3A_763 = vector.shape_cast %add3A_759 : vector<16xi32> to vector<16xi32>
    tpu.vector_store %arg12[%swap3A_760], %swap3A_763 {strides = array<i32>} : memref<128xi32, #tpu.memory_space<vmem>>, vector<16xi32>,
    %get3A_764 = arith.constant 1 : i32
    %get3A_765 = arith.index_cast %get3A_764 : i32 to index
    %get3A_766 = arith.constant 96 : index
    %get3A_767 = tpu.vector_load %arg6[%get3A_765, %get3A_766] {strides = array<i32>} : memref<49x128xi32, #tpu.memory_space<vmem>>, vector<1x16xi32>,
    %get3A_768 = vector.shape_cast %get3A_767 : vector<1x16xi32> to vector<16xi32>
    %shift_right_logical3A_769 = arith.constant 24 : i32
    %shift_right_logical3A_770 = vector.broadcast %shift_right_logical3A_769 : i32 to vector<16xi32>
    %shift_right_logical3A_771 = arith.shrui %get3A_768, %shift_right_logical3A_770 : vector<16xi32>
    %and3A_772 = arith.constant 255 : i32
    %and3A_773 = vector.broadcast %and3A_772 : i32 to vector<16xi32>
    %and3A_774 = arith.andi %get3A_768, %and3A_773 : vector<16xi32>
    %shift_right_logical3A_775 = arith.constant 8 : i32
    %shift_right_logical3A_776 = vector.broadcast %shift_right_logical3A_775 : i32 to vector<16xi32>
    %shift_right_logical3A_777 = arith.shrui %get3A_768, %shift_right_logical3A_776 : vector<16xi32>
    %and3A_778 = arith.constant 255 : i32
    %and3A_779 = vector.broadcast %and3A_778 : i32 to vector<16xi32>
    %and3A_780 = arith.andi %shift_right_logical3A_777, %and3A_779 : vector<16xi32>
    %shift_right_logical3A_781 = arith.constant 16 : i32
    %shift_right_logical3A_782 = vector.broadcast %shift_right_logical3A_781 : i32 to vector<16xi32>
    %shift_right_logical3A_783 = arith.shrui %get3A_768, %shift_right_logical3A_782 : vector<16xi32>
    %and3A_784 = arith.constant 255 : i32
    %and3A_785 = vector.broadcast %and3A_784 : i32 to vector<16xi32>
    %and3A_786 = arith.andi %shift_right_logical3A_783, %and3A_785 : vector<16xi32>
    %mul3A_787 = arith.constant 4 : i32
    %mul3A_788 = vector.broadcast %mul3A_787 : i32 to vector<16xi32>
    %mul3A_789 = arith.muli %and3A_774, %mul3A_788 : vector<16xi32>
    %add3A_790 = arith.addi %mul3A_789, %shift_right_logical3A_771 : vector<16xi32>
    %swap3A_791 = arith.constant 96 : index
    %swap3A_792 = tpu.vector_load %arg10[%swap3A_791] {strides = array<i32>} : memref<128xi32, #tpu.memory_space<vmem>>, vector<16xi32>,
    %swap3A_793 = vector.shape_cast %swap3A_792 : vector<16xi32> to vector<16xi32>
    %swap3A_794 = vector.shape_cast %add3A_790 : vector<16xi32> to vector<16xi32>
    tpu.vector_store %arg10[%swap3A_791], %swap3A_794 {strides = array<i32>} : memref<128xi32, #tpu.memory_space<vmem>>, vector<16xi32>,
    %mul3A_795 = arith.constant 4 : i32
    %mul3A_796 = vector.broadcast %mul3A_795 : i32 to vector<16xi32>
    %mul3A_797 = arith.muli %and3A_780, %mul3A_796 : vector<16xi32>
    %add3A_798 = arith.addi %mul3A_797, %shift_right_logical3A_771 : vector<16xi32>
    %add3A_799 = arith.constant 512 : i32
    %add3A_800 = vector.broadcast %add3A_799 : i32 to vector<16xi32>
    %add3A_801 = arith.addi %add3A_798, %add3A_800 : vector<16xi32>
    %swap3A_802 = arith.constant 96 : index
    %swap3A_803 = tpu.vector_load %arg11[%swap3A_802] {strides = array<i32>} : memref<128xi32, #tpu.memory_space<vmem>>, vector<16xi32>,
    %swap3A_804 = vector.shape_cast %swap3A_803 : vector<16xi32> to vector<16xi32>
    %swap3A_805 = vector.shape_cast %add3A_801 : vector<16xi32> to vector<16xi32>
    tpu.vector_store %arg11[%swap3A_802], %swap3A_805 {strides = array<i32>} : memref<128xi32, #tpu.memory_space<vmem>>, vector<16xi32>,
    %mul3A_806 = arith.constant 4 : i32
    %mul3A_807 = vector.broadcast %mul3A_806 : i32 to vector<16xi32>
    %mul3A_808 = arith.muli %and3A_786, %mul3A_807 : vector<16xi32>
    %add3A_809 = arith.addi %mul3A_808, %shift_right_logical3A_771 : vector<16xi32>
    %add3A_810 = arith.constant 1024 : i32
    %add3A_811 = vector.broadcast %add3A_810 : i32 to vector<16xi32>
    %add3A_812 = arith.addi %add3A_809, %add3A_811 : vector<16xi32>
    %swap3A_813 = arith.constant 96 : index
    %swap3A_814 = tpu.vector_load %arg12[%swap3A_813] {strides = array<i32>} : memref<128xi32, #tpu.memory_space<vmem>>, vector<16xi32>,
    %swap3A_815 = vector.shape_cast %swap3A_814 : vector<16xi32> to vector<16xi32>
    %swap3A_816 = vector.shape_cast %add3A_812 : vector<16xi32> to vector<16xi32>
    tpu.vector_store %arg12[%swap3A_813], %swap3A_816 {strides = array<i32>} : memref<128xi32, #tpu.memory_space<vmem>>, vector<16xi32>,
    %get3A_817 = arith.constant 1 : i32
    %get3A_818 = arith.index_cast %get3A_817 : i32 to index
    %get3A_819 = arith.constant 112 : index
    %get3A_820 = tpu.vector_load %arg6[%get3A_818, %get3A_819] {strides = array<i32>} : memref<49x128xi32, #tpu.memory_space<vmem>>, vector<1x16xi32>,
    %get3A_821 = vector.shape_cast %get3A_820 : vector<1x16xi32> to vector<16xi32>
    %shift_right_logical3A_822 = arith.constant 24 : i32
    %shift_right_logical3A_823 = vector.broadcast %shift_right_logical3A_822 : i32 to vector<16xi32>
    %shift_right_logical3A_824 = arith.shrui %get3A_821, %shift_right_logical3A_823 : vector<16xi32>
    %and3A_825 = arith.constant 255 : i32
    %and3A_826 = vector.broadcast %and3A_825 : i32 to vector<16xi32>
    %and3A_827 = arith.andi %get3A_821, %and3A_826 : vector<16xi32>
    %shift_right_logical3A_828 = arith.constant 8 : i32
    %shift_right_logical3A_829 = vector.broadcast %shift_right_logical3A_828 : i32 to vector<16xi32>
    %shift_right_logical3A_830 = arith.shrui %get3A_821, %shift_right_logical3A_829 : vector<16xi32>
    %and3A_831 = arith.constant 255 : i32
    %and3A_832 = vector.broadcast %and3A_831 : i32 to vector<16xi32>
    %and3A_833 = arith.andi %shift_right_logical3A_830, %and3A_832 : vector<16xi32>
    %shift_right_logical3A_834 = arith.constant 16 : i32
    %shift_right_logical3A_835 = vector.broadcast %shift_right_logical3A_834 : i32 to vector<16xi32>
    %shift_right_logical3A_836 = arith.shrui %get3A_821, %shift_right_logical3A_835 : vector<16xi32>
    %and3A_837 = arith.constant 255 : i32
    %and3A_838 = vector.broadcast %and3A_837 : i32 to vector<16xi32>
    %and3A_839 = arith.andi %shift_right_logical3A_836, %and3A_838 : vector<16xi32>
    %mul3A_840 = arith.constant 4 : i32
    %mul3A_841 = vector.broadcast %mul3A_840 : i32 to vector<16xi32>
    %mul3A_842 = arith.muli %and3A_827, %mul3A_841 : vector<16xi32>
    %add3A_843 = arith.addi %mul3A_842, %shift_right_logical3A_824 : vector<16xi32>
    %swap3A_844 = arith.constant 112 : index
    %swap3A_845 = tpu.vector_load %arg10[%swap3A_844] {strides = array<i32>} : memref<128xi32, #tpu.memory_space<vmem>>, vector<16xi32>,
    %swap3A_846 = vector.shape_cast %swap3A_845 : vector<16xi32> to vector<16xi32>
    %swap3A_847 = vector.shape_cast %add3A_843 : vector<16xi32> to vector<16xi32>
    tpu.vector_store %arg10[%swap3A_844], %swap3A_847 {strides = array<i32>} : memref<128xi32, #tpu.memory_space<vmem>>, vector<16xi32>,
    %mul3A_848 = arith.constant 4 : i32
    %mul3A_849 = vector.broadcast %mul3A_848 : i32 to vector<16xi32>
    %mul3A_850 = arith.muli %and3A_833, %mul3A_849 : vector<16xi32>
    %add3A_851 = arith.addi %mul3A_850, %shift_right_logical3A_824 : vector<16xi32>
    %add3A_852 = arith.constant 512 : i32
    %add3A_853 = vector.broadcast %add3A_852 : i32 to vector<16xi32>
    %add3A_854 = arith.addi %add3A_851, %add3A_853 : vector<16xi32>
    %swap3A_855 = arith.constant 112 : index
    %swap3A_856 = tpu.vector_load %arg11[%swap3A_855] {strides = array<i32>} : memref<128xi32, #tpu.memory_space<vmem>>, vector<16xi32>,
    %swap3A_857 = vector.shape_cast %swap3A_856 : vector<16xi32> to vector<16xi32>
    %swap3A_858 = vector.shape_cast %add3A_854 : vector<16xi32> to vector<16xi32>
    tpu.vector_store %arg11[%swap3A_855], %swap3A_858 {strides = array<i32>} : memref<128xi32, #tpu.memory_space<vmem>>, vector<16xi32>,
    %mul3A_859 = arith.constant 4 : i32
    %mul3A_860 = vector.broadcast %mul3A_859 : i32 to vector<16xi32>
    %mul3A_861 = arith.muli %and3A_839, %mul3A_860 : vector<16xi32>
    %add3A_862 = arith.addi %mul3A_861, %shift_right_logical3A_824 : vector<16xi32>
    %add3A_863 = arith.constant 1024 : i32
    %add3A_864 = vector.broadcast %add3A_863 : i32 to vector<16xi32>
    %add3A_865 = arith.addi %add3A_862, %add3A_864 : vector<16xi32>
    %swap3A_866 = arith.constant 112 : index
    %swap3A_867 = tpu.vector_load %arg12[%swap3A_866] {strides = array<i32>} : memref<128xi32, #tpu.memory_space<vmem>>, vector<16xi32>,
    %swap3A_868 = vector.shape_cast %swap3A_867 : vector<16xi32> to vector<16xi32>
    %swap3A_869 = vector.shape_cast %add3A_865 : vector<16xi32> to vector<16xi32>
    tpu.vector_store %arg12[%swap3A_866], %swap3A_869 {strides = array<i32>} : memref<128xi32, #tpu.memory_space<vmem>>, vector<16xi32>,
    %dma_start3A_870 = arith.constant 0 : i32
    %dma_start3A_871 = arith.constant 0 : i32
    %dma_start3A_872 = tpu.memref_slice %arg5[%dma_start3A_870, %dma_start3A_871] : memref<1536x128xf32, #tpu.memory_space<vmem_shared>> -> memref<1536x128xf32, #tpu.memory_space<vmem_shared>>
    tpu.enqueue_indirect_dma source(%dma_start3A_872 : memref<1536x128xf32, #tpu.memory_space<vmem_shared>>) target(%arg16 : memref<128x128xf32, #tpu.memory_space<vmem>>) offsets(%arg10 : memref<128xi32, #tpu.memory_space<vmem>>) semaphore(%arg23 : memref<!tpu.dma_semaphore, #tpu.memory_space<semaphore_mem>>)
    %dma_start3A_873 = arith.constant 0 : i32
    %dma_start3A_874 = arith.constant 0 : i32
    %dma_start3A_875 = tpu.memref_slice %arg5[%dma_start3A_873, %dma_start3A_874] : memref<1536x128xf32, #tpu.memory_space<vmem_shared>> -> memref<1536x128xf32, #tpu.memory_space<vmem_shared>>
    tpu.enqueue_indirect_dma source(%dma_start3A_875 : memref<1536x128xf32, #tpu.memory_space<vmem_shared>>) target(%arg17 : memref<128x128xf32, #tpu.memory_space<vmem>>) offsets(%arg11 : memref<128xi32, #tpu.memory_space<vmem>>) semaphore(%arg24 : memref<!tpu.dma_semaphore, #tpu.memory_space<semaphore_mem>>)
    %dma_start3A_876 = arith.constant 0 : i32
    %dma_start3A_877 = arith.constant 0 : i32
    %dma_start3A_878 = tpu.memref_slice %arg5[%dma_start3A_876, %dma_start3A_877] : memref<1536x128xf32, #tpu.memory_space<vmem_shared>> -> memref<1536x128xf32, #tpu.memory_space<vmem_shared>>
    tpu.enqueue_indirect_dma source(%dma_start3A_878 : memref<1536x128xf32, #tpu.memory_space<vmem_shared>>) target(%arg18 : memref<128x128xf32, #tpu.memory_space<vmem>>) offsets(%arg12 : memref<128xi32, #tpu.memory_space<vmem>>) semaphore(%arg25 : memref<!tpu.dma_semaphore, #tpu.memory_space<semaphore_mem>>)
    %mul3A_879 = arith.constant 49 : i32
    %mul3A_880 = arith.muli %add3A, %mul3A_879 : i32
    %add3A_881 = arith.constant 0 : i32
    %add3A_882 = arith.addi %mul3A_880, %add3A_881 : i32
    %min3A = arith.constant 1562 : i32
    %min3A_883 = arith.minsi %add3A_882, %min3A : i32
    %mul3A_884 = arith.constant 128 : i32
    %mul3A_885 = arith.muli %min3A_883, %mul3A_884 : i32
    %eq3A_886 = arith.constant 1562 : i32
    %eq3A_887 = arith.cmpi eq, %add3A_882, %eq3A_886 : i32
    %jit3A = arith.constant 64 : i32
    %jit3A_888 = arith.constant 0 : i32
    %select_n3A = arith.select %eq3A_887, %jit3A, %jit3A_888 : i32
    %sub3A = arith.subi %mul3A_885, %select_n3A : i32
    %gt3A = arith.constant 1562 : i32
    %gt3A_889 = arith.cmpi sgt, %add3A_882, %gt3A : i32
    %jit3A_890 = arith.constant 0 : i32
    %select_n3A_891 = arith.select %gt3A_889, %jit3A_890, %sub3A : i32
    %dma_wait3A_892 = arith.constant 0 : i32
    %dma_wait3A_893 = arith.constant 0 : i32
    %dma_wait3A_894 = tpu.memref_slice %arg5[%dma_wait3A_892, %dma_wait3A_893] : memref<1536x128xf32, #tpu.memory_space<vmem_shared>> -> memref<1536x128xf32, #tpu.memory_space<vmem_shared>>
    tpu.wait_indirect_dma semaphore(%arg20 : memref<!tpu.dma_semaphore, #tpu.memory_space<semaphore_mem>>) src(%dma_wait3A_894 : memref<1536x128xf32, #tpu.memory_space<vmem_shared>>) dst(%arg13 : memref<128x128xf32, #tpu.memory_space<vmem>>)
    %dma_start3A_895 = arith.constant 0 : i32
    %dma_start3A_896 = tpu.memref_slice %arg4[%select_n3A_891, %dma_start3A_895] : memref<200000x384xf32, #tpu.memory_space<hbm>> -> memref<128x128xf32, #tpu.memory_space<hbm>>
    %dma_start3A_897 = arith.constant 0 : i32
    %dma_start3A_898 = tpu.memref_slice %arg4[%select_n3A_891, %dma_start3A_897] : memref<200000x384xf32, #tpu.memory_space<hbm>> -> memref<128x128xf32, #tpu.memory_space<hbm>>
    tpu.enqueue_dma source(%arg13 : memref<128x128xf32, #tpu.memory_space<vmem>>) target(%dma_start3A_898 : memref<128x128xf32, #tpu.memory_space<hbm>>) target_semaphore(%arg26 : memref<!tpu.dma_semaphore, #tpu.memory_space<semaphore_mem>>)
    %dma_wait3A_899 = arith.constant 0 : i32
    %dma_wait3A_900 = arith.constant 0 : i32
    %dma_wait3A_901 = tpu.memref_slice %arg5[%dma_wait3A_899, %dma_wait3A_900] : memref<1536x128xf32, #tpu.memory_space<vmem_shared>> -> memref<1536x128xf32, #tpu.memory_space<vmem_shared>>
    tpu.wait_indirect_dma semaphore(%arg21 : memref<!tpu.dma_semaphore, #tpu.memory_space<semaphore_mem>>) src(%dma_wait3A_901 : memref<1536x128xf32, #tpu.memory_space<vmem_shared>>) dst(%arg14 : memref<128x128xf32, #tpu.memory_space<vmem>>)
    %dma_start3A_902 = arith.constant 128 : i32
    %dma_start3A_903 = tpu.memref_slice %arg4[%select_n3A_891, %dma_start3A_902] : memref<200000x384xf32, #tpu.memory_space<hbm>> -> memref<128x128xf32, #tpu.memory_space<hbm>>
    %dma_start3A_904 = arith.constant 128 : i32
    %dma_start3A_905 = tpu.memref_slice %arg4[%select_n3A_891, %dma_start3A_904] : memref<200000x384xf32, #tpu.memory_space<hbm>> -> memref<128x128xf32, #tpu.memory_space<hbm>>
    tpu.enqueue_dma source(%arg14 : memref<128x128xf32, #tpu.memory_space<vmem>>) target(%dma_start3A_905 : memref<128x128xf32, #tpu.memory_space<hbm>>) target_semaphore(%arg26 : memref<!tpu.dma_semaphore, #tpu.memory_space<semaphore_mem>>)
    %dma_wait3A_906 = arith.constant 0 : i32
    %dma_wait3A_907 = arith.constant 0 : i32
    %dma_wait3A_908 = tpu.memref_slice %arg5[%dma_wait3A_906, %dma_wait3A_907] : memref<1536x128xf32, #tpu.memory_space<vmem_shared>> -> memref<1536x128xf32, #tpu.memory_space<vmem_shared>>
    tpu.wait_indirect_dma semaphore(%arg22 : memref<!tpu.dma_semaphore, #tpu.memory_space<semaphore_mem>>) src(%dma_wait3A_908 : memref<1536x128xf32, #tpu.memory_space<vmem_shared>>) dst(%arg15 : memref<128x128xf32, #tpu.memory_space<vmem>>)
    %dma_start3A_909 = arith.constant 256 : i32
    %dma_start3A_910 = tpu.memref_slice %arg4[%select_n3A_891, %dma_start3A_909] : memref<200000x384xf32, #tpu.memory_space<hbm>> -> memref<128x128xf32, #tpu.memory_space<hbm>>
    %dma_start3A_911 = arith.constant 256 : i32
    %dma_start3A_912 = tpu.memref_slice %arg4[%select_n3A_891, %dma_start3A_911] : memref<200000x384xf32, #tpu.memory_space<hbm>> -> memref<128x128xf32, #tpu.memory_space<hbm>>
    tpu.enqueue_dma source(%arg15 : memref<128x128xf32, #tpu.memory_space<vmem>>) target(%dma_start3A_912 : memref<128x128xf32, #tpu.memory_space<hbm>>) target_semaphore(%arg26 : memref<!tpu.dma_semaphore, #tpu.memory_space<semaphore_mem>>)
    %mul3A_913 = arith.constant 49 : i32
    %mul3A_914 = arith.muli %add3A, %mul3A_913 : i32
    %add3A_915 = arith.constant 1 : i32
    %add3A_916 = arith.addi %mul3A_914, %add3A_915 : i32
    %min3A_917 = arith.constant 1562 : i32
    %min3A_918 = arith.minsi %add3A_916, %min3A_917 : i32
    %mul3A_919 = arith.constant 128 : i32
    %mul3A_920 = arith.muli %min3A_918, %mul3A_919 : i32
    %eq3A_921 = arith.constant 1562 : i32
    %eq3A_922 = arith.cmpi eq, %add3A_916, %eq3A_921 : i32
    %jit3A_923 = arith.constant 64 : i32
    %jit3A_924 = arith.constant 0 : i32
    %select_n3A_925 = arith.select %eq3A_922, %jit3A_923, %jit3A_924 : i32
    %sub3A_926 = arith.subi %mul3A_920, %select_n3A_925 : i32
    %gt3A_927 = arith.constant 1562 : i32
    %gt3A_928 = arith.cmpi sgt, %add3A_916, %gt3A_927 : i32
    %jit3A_929 = arith.constant 0 : i32
    %select_n3A_930 = arith.select %gt3A_928, %jit3A_929, %sub3A_926 : i32
    %dma_wait3A_931 = arith.constant 0 : i32
    %dma_wait3A_932 = arith.constant 0 : i32
    %dma_wait3A_933 = tpu.memref_slice %arg5[%dma_wait3A_931, %dma_wait3A_932] : memref<1536x128xf32, #tpu.memory_space<vmem_shared>> -> memref<1536x128xf32, #tpu.memory_space<vmem_shared>>
    tpu.wait_indirect_dma semaphore(%arg23 : memref<!tpu.dma_semaphore, #tpu.memory_space<semaphore_mem>>) src(%dma_wait3A_933 : memref<1536x128xf32, #tpu.memory_space<vmem_shared>>) dst(%arg16 : memref<128x128xf32, #tpu.memory_space<vmem>>)
    %dma_start3A_934 = arith.constant 0 : i32
    %dma_start3A_935 = tpu.memref_slice %arg4[%select_n3A_930, %dma_start3A_934] : memref<200000x384xf32, #tpu.memory_space<hbm>> -> memref<128x128xf32, #tpu.memory_space<hbm>>
    %dma_start3A_936 = arith.constant 0 : i32
    %dma_start3A_937 = tpu.memref_slice %arg4[%select_n3A_930, %dma_start3A_936] : memref<200000x384xf32, #tpu.memory_space<hbm>> -> memref<128x128xf32, #tpu.memory_space<hbm>>
    tpu.enqueue_dma source(%arg16 : memref<128x128xf32, #tpu.memory_space<vmem>>) target(%dma_start3A_937 : memref<128x128xf32, #tpu.memory_space<hbm>>) target_semaphore(%arg27 : memref<!tpu.dma_semaphore, #tpu.memory_space<semaphore_mem>>)
    %dma_wait3A_938 = arith.constant 0 : i32
    %dma_wait3A_939 = arith.constant 0 : i32
    %dma_wait3A_940 = tpu.memref_slice %arg5[%dma_wait3A_938, %dma_wait3A_939] : memref<1536x128xf32, #tpu.memory_space<vmem_shared>> -> memref<1536x128xf32, #tpu.memory_space<vmem_shared>>
    tpu.wait_indirect_dma semaphore(%arg24 : memref<!tpu.dma_semaphore, #tpu.memory_space<semaphore_mem>>) src(%dma_wait3A_940 : memref<1536x128xf32, #tpu.memory_space<vmem_shared>>) dst(%arg17 : memref<128x128xf32, #tpu.memory_space<vmem>>)
    %dma_start3A_941 = arith.constant 128 : i32
    %dma_start3A_942 = tpu.memref_slice %arg4[%select_n3A_930, %dma_start3A_941] : memref<200000x384xf32, #tpu.memory_space<hbm>> -> memref<128x128xf32, #tpu.memory_space<hbm>>
    %dma_start3A_943 = arith.constant 128 : i32
    %dma_start3A_944 = tpu.memref_slice %arg4[%select_n3A_930, %dma_start3A_943] : memref<200000x384xf32, #tpu.memory_space<hbm>> -> memref<128x128xf32, #tpu.memory_space<hbm>>
    tpu.enqueue_dma source(%arg17 : memref<128x128xf32, #tpu.memory_space<vmem>>) target(%dma_start3A_944 : memref<128x128xf32, #tpu.memory_space<hbm>>) target_semaphore(%arg27 : memref<!tpu.dma_semaphore, #tpu.memory_space<semaphore_mem>>)
    %dma_wait3A_945 = arith.constant 0 : i32
    %dma_wait3A_946 = arith.constant 0 : i32
    %dma_wait3A_947 = tpu.memref_slice %arg5[%dma_wait3A_945, %dma_wait3A_946] : memref<1536x128xf32, #tpu.memory_space<vmem_shared>> -> memref<1536x128xf32, #tpu.memory_space<vmem_shared>>
    tpu.wait_indirect_dma semaphore(%arg25 : memref<!tpu.dma_semaphore, #tpu.memory_space<semaphore_mem>>) src(%dma_wait3A_947 : memref<1536x128xf32, #tpu.memory_space<vmem_shared>>) dst(%arg18 : memref<128x128xf32, #tpu.memory_space<vmem>>)
    %dma_start3A_948 = arith.constant 256 : i32
    %dma_start3A_949 = tpu.memref_slice %arg4[%select_n3A_930, %dma_start3A_948] : memref<200000x384xf32, #tpu.memory_space<hbm>> -> memref<128x128xf32, #tpu.memory_space<hbm>>
    %dma_start3A_950 = arith.constant 256 : i32
    %dma_start3A_951 = tpu.memref_slice %arg4[%select_n3A_930, %dma_start3A_950] : memref<200000x384xf32, #tpu.memory_space<hbm>> -> memref<128x128xf32, #tpu.memory_space<hbm>>
    tpu.enqueue_dma source(%arg18 : memref<128x128xf32, #tpu.memory_space<vmem>>) target(%dma_start3A_951 : memref<128x128xf32, #tpu.memory_space<hbm>>) target_semaphore(%arg27 : memref<!tpu.dma_semaphore, #tpu.memory_space<semaphore_mem>>)
    %scan3A = arith.constant 0 : i32
    %scan3A_952 = arith.constant 1 : i32
    %scan3A_953 = arith.constant 23 : i32
    %scan3A_954 = arith.addi %scan3A_952, %scan3A_953 : i32
    %scan3A_955 = arith.constant 1 : i32
    scf.for %scan3A_1519 = %scan3A_952 to %scan3A_954 step %scan3A_955  : i32 {
      %mul3A_1520 = arith.constant 2 : i32
      %mul3A_1521 = arith.muli %mul3A_1520, %scan3A_1519 : i32
      %sub3A_1522 = arith.constant 2 : i32
      %sub3A_1523 = arith.subi %mul3A_1521, %sub3A_1522 : i32
      %mul3A_1524 = arith.constant 49 : i32
      %mul3A_1525 = arith.muli %add3A, %mul3A_1524 : i32
      %add3A_1526 = arith.addi %mul3A_1525, %sub3A_1523 : i32
      %min3A_1527 = arith.constant 1562 : i32
      %min3A_1528 = arith.minsi %add3A_1526, %min3A_1527 : i32
      %mul3A_1529 = arith.constant 128 : i32
      %mul3A_1530 = arith.muli %min3A_1528, %mul3A_1529 : i32
      %eq3A_1531 = arith.constant 1562 : i32
      %eq3A_1532 = arith.cmpi eq, %add3A_1526, %eq3A_1531 : i32
      %jit3A_1533 = arith.constant 64 : i32
      %jit3A_1534 = arith.constant 0 : i32
      %select_n3A_1535 = arith.select %eq3A_1532, %jit3A_1533, %jit3A_1534 : i32
      %sub3A_1536 = arith.subi %mul3A_1530, %select_n3A_1535 : i32
      %gt3A_1537 = arith.constant 1562 : i32
      %gt3A_1538 = arith.cmpi sgt, %add3A_1526, %gt3A_1537 : i32
      %jit3A_1539 = arith.constant 0 : i32
      %select_n3A_1540 = arith.select %gt3A_1538, %jit3A_1539, %sub3A_1536 : i32
      %dma_wait3A_1541 = arith.constant 0 : i32
      %dma_wait3A_1542 = tpu.memref_slice %arg4[%select_n3A_1540, %dma_wait3A_1541] : memref<200000x384xf32, #tpu.memory_space<hbm>> -> memref<128x128xf32, #tpu.memory_space<hbm>>
      %dma_wait3A_1543 = arith.constant 0 : i32
      %dma_wait3A_1544 = tpu.memref_slice %arg4[%select_n3A_1540, %dma_wait3A_1543] : memref<200000x384xf32, #tpu.memory_space<hbm>> -> memref<128x128xf32, #tpu.memory_space<hbm>>
      tpu.wait_dma2 semaphore(%arg26 : memref<!tpu.dma_semaphore, #tpu.memory_space<semaphore_mem>>) src(%arg13 : memref<128x128xf32, #tpu.memory_space<vmem>>) dst(%dma_wait3A_1544 : memref<128x128xf32, #tpu.memory_space<hbm>>)
      %dma_wait3A_1545 = arith.constant 128 : i32
      %dma_wait3A_1546 = tpu.memref_slice %arg4[%select_n3A_1540, %dma_wait3A_1545] : memref<200000x384xf32, #tpu.memory_space<hbm>> -> memref<128x128xf32, #tpu.memory_space<hbm>>
      %dma_wait3A_1547 = arith.constant 128 : i32
      %dma_wait3A_1548 = tpu.memref_slice %arg4[%select_n3A_1540, %dma_wait3A_1547] : memref<200000x384xf32, #tpu.memory_space<hbm>> -> memref<128x128xf32, #tpu.memory_space<hbm>>
      tpu.wait_dma2 semaphore(%arg26 : memref<!tpu.dma_semaphore, #tpu.memory_space<semaphore_mem>>) src(%arg14 : memref<128x128xf32, #tpu.memory_space<vmem>>) dst(%dma_wait3A_1548 : memref<128x128xf32, #tpu.memory_space<hbm>>)
      %dma_wait3A_1549 = arith.constant 256 : i32
      %dma_wait3A_1550 = tpu.memref_slice %arg4[%select_n3A_1540, %dma_wait3A_1549] : memref<200000x384xf32, #tpu.memory_space<hbm>> -> memref<128x128xf32, #tpu.memory_space<hbm>>
      %dma_wait3A_1551 = arith.constant 256 : i32
      %dma_wait3A_1552 = tpu.memref_slice %arg4[%select_n3A_1540, %dma_wait3A_1551] : memref<200000x384xf32, #tpu.memory_space<hbm>> -> memref<128x128xf32, #tpu.memory_space<hbm>>
      tpu.wait_dma2 semaphore(%arg26 : memref<!tpu.dma_semaphore, #tpu.memory_space<semaphore_mem>>) src(%arg15 : memref<128x128xf32, #tpu.memory_space<vmem>>) dst(%dma_wait3A_1552 : memref<128x128xf32, #tpu.memory_space<hbm>>)
      %get3A_1553 = arith.index_cast %mul3A_1521 : i32 to index
      %get3A_1554 = arith.constant 0 : index
      %get3A_1555 = tpu.vector_load %arg6[%get3A_1553, %get3A_1554] {strides = array<i32>} : memref<49x128xi32, #tpu.memory_space<vmem>>, vector<1x16xi32>,
      %get3A_1556 = vector.shape_cast %get3A_1555 : vector<1x16xi32> to vector<16xi32>
      %shift_right_logical3A_1557 = arith.constant 24 : i32
      %shift_right_logical3A_1558 = vector.broadcast %shift_right_logical3A_1557 : i32 to vector<16xi32>
      %shift_right_logical3A_1559 = arith.shrui %get3A_1556, %shift_right_logical3A_1558 : vector<16xi32>
      %and3A_1560 = arith.constant 255 : i32
      %and3A_1561 = vector.broadcast %and3A_1560 : i32 to vector<16xi32>
      %and3A_1562 = arith.andi %get3A_1556, %and3A_1561 : vector<16xi32>
      %shift_right_logical3A_1563 = arith.constant 8 : i32
      %shift_right_logical3A_1564 = vector.broadcast %shift_right_logical3A_1563 : i32 to vector<16xi32>
      %shift_right_logical3A_1565 = arith.shrui %get3A_1556, %shift_right_logical3A_1564 : vector<16xi32>
      %and3A_1566 = arith.constant 255 : i32
      %and3A_1567 = vector.broadcast %and3A_1566 : i32 to vector<16xi32>
      %and3A_1568 = arith.andi %shift_right_logical3A_1565, %and3A_1567 : vector<16xi32>
      %shift_right_logical3A_1569 = arith.constant 16 : i32
      %shift_right_logical3A_1570 = vector.broadcast %shift_right_logical3A_1569 : i32 to vector<16xi32>
      %shift_right_logical3A_1571 = arith.shrui %get3A_1556, %shift_right_logical3A_1570 : vector<16xi32>
      %and3A_1572 = arith.constant 255 : i32
      %and3A_1573 = vector.broadcast %and3A_1572 : i32 to vector<16xi32>
      %and3A_1574 = arith.andi %shift_right_logical3A_1571, %and3A_1573 : vector<16xi32>
      %mul3A_1575 = arith.constant 4 : i32
      %mul3A_1576 = vector.broadcast %mul3A_1575 : i32 to vector<16xi32>
      %mul3A_1577 = arith.muli %and3A_1562, %mul3A_1576 : vector<16xi32>
      %add3A_1578 = arith.addi %mul3A_1577, %shift_right_logical3A_1559 : vector<16xi32>
      %swap3A_1579 = arith.constant 0 : index
      %swap3A_1580 = tpu.vector_load %arg7[%swap3A_1579] {strides = array<i32>} : memref<128xi32, #tpu.memory_space<vmem>>, vector<16xi32>,
      %swap3A_1581 = vector.shape_cast %swap3A_1580 : vector<16xi32> to vector<16xi32>
      %swap3A_1582 = vector.shape_cast %add3A_1578 : vector<16xi32> to vector<16xi32>
      tpu.vector_store %arg7[%swap3A_1579], %swap3A_1582 {strides = array<i32>} : memref<128xi32, #tpu.memory_space<vmem>>, vector<16xi32>,
      %mul3A_1583 = arith.constant 4 : i32
      %mul3A_1584 = vector.broadcast %mul3A_1583 : i32 to vector<16xi32>
      %mul3A_1585 = arith.muli %and3A_1568, %mul3A_1584 : vector<16xi32>
      %add3A_1586 = arith.addi %mul3A_1585, %shift_right_logical3A_1559 : vector<16xi32>
      %add3A_1587 = arith.constant 512 : i32
      %add3A_1588 = vector.broadcast %add3A_1587 : i32 to vector<16xi32>
      %add3A_1589 = arith.addi %add3A_1586, %add3A_1588 : vector<16xi32>
      %swap3A_1590 = arith.constant 0 : index
      %swap3A_1591 = tpu.vector_load %arg8[%swap3A_1590] {strides = array<i32>} : memref<128xi32, #tpu.memory_space<vmem>>, vector<16xi32>,
      %swap3A_1592 = vector.shape_cast %swap3A_1591 : vector<16xi32> to vector<16xi32>
      %swap3A_1593 = vector.shape_cast %add3A_1589 : vector<16xi32> to vector<16xi32>
      tpu.vector_store %arg8[%swap3A_1590], %swap3A_1593 {strides = array<i32>} : memref<128xi32, #tpu.memory_space<vmem>>, vector<16xi32>,
      %mul3A_1594 = arith.constant 4 : i32
      %mul3A_1595 = vector.broadcast %mul3A_1594 : i32 to vector<16xi32>
      %mul3A_1596 = arith.muli %and3A_1574, %mul3A_1595 : vector<16xi32>
      %add3A_1597 = arith.addi %mul3A_1596, %shift_right_logical3A_1559 : vector<16xi32>
      %add3A_1598 = arith.constant 1024 : i32
      %add3A_1599 = vector.broadcast %add3A_1598 : i32 to vector<16xi32>
      %add3A_1600 = arith.addi %add3A_1597, %add3A_1599 : vector<16xi32>
      %swap3A_1601 = arith.constant 0 : index
      %swap3A_1602 = tpu.vector_load %arg9[%swap3A_1601] {strides = array<i32>} : memref<128xi32, #tpu.memory_space<vmem>>, vector<16xi32>,
      %swap3A_1603 = vector.shape_cast %swap3A_1602 : vector<16xi32> to vector<16xi32>
      %swap3A_1604 = vector.shape_cast %add3A_1600 : vector<16xi32> to vector<16xi32>
      tpu.vector_store %arg9[%swap3A_1601], %swap3A_1604 {strides = array<i32>} : memref<128xi32, #tpu.memory_space<vmem>>, vector<16xi32>,
      %get3A_1605 = arith.index_cast %mul3A_1521 : i32 to index
      %get3A_1606 = arith.constant 16 : index
      %get3A_1607 = tpu.vector_load %arg6[%get3A_1605, %get3A_1606] {strides = array<i32>} : memref<49x128xi32, #tpu.memory_space<vmem>>, vector<1x16xi32>,
      %get3A_1608 = vector.shape_cast %get3A_1607 : vector<1x16xi32> to vector<16xi32>
      %shift_right_logical3A_1609 = arith.constant 24 : i32
      %shift_right_logical3A_1610 = vector.broadcast %shift_right_logical3A_1609 : i32 to vector<16xi32>
      %shift_right_logical3A_1611 = arith.shrui %get3A_1608, %shift_right_logical3A_1610 : vector<16xi32>
      %and3A_1612 = arith.constant 255 : i32
      %and3A_1613 = vector.broadcast %and3A_1612 : i32 to vector<16xi32>
      %and3A_1614 = arith.andi %get3A_1608, %and3A_1613 : vector<16xi32>
      %shift_right_logical3A_1615 = arith.constant 8 : i32
      %shift_right_logical3A_1616 = vector.broadcast %shift_right_logical3A_1615 : i32 to vector<16xi32>
      %shift_right_logical3A_1617 = arith.shrui %get3A_1608, %shift_right_logical3A_1616 : vector<16xi32>
      %and3A_1618 = arith.constant 255 : i32
      %and3A_1619 = vector.broadcast %and3A_1618 : i32 to vector<16xi32>
      %and3A_1620 = arith.andi %shift_right_logical3A_1617, %and3A_1619 : vector<16xi32>
      %shift_right_logical3A_1621 = arith.constant 16 : i32
      %shift_right_logical3A_1622 = vector.broadcast %shift_right_logical3A_1621 : i32 to vector<16xi32>
      %shift_right_logical3A_1623 = arith.shrui %get3A_1608, %shift_right_logical3A_1622 : vector<16xi32>
      %and3A_1624 = arith.constant 255 : i32
      %and3A_1625 = vector.broadcast %and3A_1624 : i32 to vector<16xi32>
      %and3A_1626 = arith.andi %shift_right_logical3A_1623, %and3A_1625 : vector<16xi32>
      %mul3A_1627 = arith.constant 4 : i32
      %mul3A_1628 = vector.broadcast %mul3A_1627 : i32 to vector<16xi32>
      %mul3A_1629 = arith.muli %and3A_1614, %mul3A_1628 : vector<16xi32>
      %add3A_1630 = arith.addi %mul3A_1629, %shift_right_logical3A_1611 : vector<16xi32>
      %swap3A_1631 = arith.constant 16 : index
      %swap3A_1632 = tpu.vector_load %arg7[%swap3A_1631] {strides = array<i32>} : memref<128xi32, #tpu.memory_space<vmem>>, vector<16xi32>,
      %swap3A_1633 = vector.shape_cast %swap3A_1632 : vector<16xi32> to vector<16xi32>
      %swap3A_1634 = vector.shape_cast %add3A_1630 : vector<16xi32> to vector<16xi32>
      tpu.vector_store %arg7[%swap3A_1631], %swap3A_1634 {strides = array<i32>} : memref<128xi32, #tpu.memory_space<vmem>>, vector<16xi32>,
      %mul3A_1635 = arith.constant 4 : i32
      %mul3A_1636 = vector.broadcast %mul3A_1635 : i32 to vector<16xi32>
      %mul3A_1637 = arith.muli %and3A_1620, %mul3A_1636 : vector<16xi32>
      %add3A_1638 = arith.addi %mul3A_1637, %shift_right_logical3A_1611 : vector<16xi32>
      %add3A_1639 = arith.constant 512 : i32
      %add3A_1640 = vector.broadcast %add3A_1639 : i32 to vector<16xi32>
      %add3A_1641 = arith.addi %add3A_1638, %add3A_1640 : vector<16xi32>
      %swap3A_1642 = arith.constant 16 : index
      %swap3A_1643 = tpu.vector_load %arg8[%swap3A_1642] {strides = array<i32>} : memref<128xi32, #tpu.memory_space<vmem>>, vector<16xi32>,
      %swap3A_1644 = vector.shape_cast %swap3A_1643 : vector<16xi32> to vector<16xi32>
      %swap3A_1645 = vector.shape_cast %add3A_1641 : vector<16xi32> to vector<16xi32>
      tpu.vector_store %arg8[%swap3A_1642], %swap3A_1645 {strides = array<i32>} : memref<128xi32, #tpu.memory_space<vmem>>, vector<16xi32>,
      %mul3A_1646 = arith.constant 4 : i32
      %mul3A_1647 = vector.broadcast %mul3A_1646 : i32 to vector<16xi32>
      %mul3A_1648 = arith.muli %and3A_1626, %mul3A_1647 : vector<16xi32>
      %add3A_1649 = arith.addi %mul3A_1648, %shift_right_logical3A_1611 : vector<16xi32>
      %add3A_1650 = arith.constant 1024 : i32
      %add3A_1651 = vector.broadcast %add3A_1650 : i32 to vector<16xi32>
      %add3A_1652 = arith.addi %add3A_1649, %add3A_1651 : vector<16xi32>
      %swap3A_1653 = arith.constant 16 : index
      %swap3A_1654 = tpu.vector_load %arg9[%swap3A_1653] {strides = array<i32>} : memref<128xi32, #tpu.memory_space<vmem>>, vector<16xi32>,
      %swap3A_1655 = vector.shape_cast %swap3A_1654 : vector<16xi32> to vector<16xi32>
      %swap3A_1656 = vector.shape_cast %add3A_1652 : vector<16xi32> to vector<16xi32>
      tpu.vector_store %arg9[%swap3A_1653], %swap3A_1656 {strides = array<i32>} : memref<128xi32, #tpu.memory_space<vmem>>, vector<16xi32>,
      %get3A_1657 = arith.index_cast %mul3A_1521 : i32 to index
      %get3A_1658 = arith.constant 32 : index
      %get3A_1659 = tpu.vector_load %arg6[%get3A_1657, %get3A_1658] {strides = array<i32>} : memref<49x128xi32, #tpu.memory_space<vmem>>, vector<1x16xi32>,
      %get3A_1660 = vector.shape_cast %get3A_1659 : vector<1x16xi32> to vector<16xi32>
      %shift_right_logical3A_1661 = arith.constant 24 : i32
      %shift_right_logical3A_1662 = vector.broadcast %shift_right_logical3A_1661 : i32 to vector<16xi32>
      %shift_right_logical3A_1663 = arith.shrui %get3A_1660, %shift_right_logical3A_1662 : vector<16xi32>
      %and3A_1664 = arith.constant 255 : i32
      %and3A_1665 = vector.broadcast %and3A_1664 : i32 to vector<16xi32>
      %and3A_1666 = arith.andi %get3A_1660, %and3A_1665 : vector<16xi32>
      %shift_right_logical3A_1667 = arith.constant 8 : i32
      %shift_right_logical3A_1668 = vector.broadcast %shift_right_logical3A_1667 : i32 to vector<16xi32>
      %shift_right_logical3A_1669 = arith.shrui %get3A_1660, %shift_right_logical3A_1668 : vector<16xi32>
      %and3A_1670 = arith.constant 255 : i32
      %and3A_1671 = vector.broadcast %and3A_1670 : i32 to vector<16xi32>
      %and3A_1672 = arith.andi %shift_right_logical3A_1669, %and3A_1671 : vector<16xi32>
      %shift_right_logical3A_1673 = arith.constant 16 : i32
      %shift_right_logical3A_1674 = vector.broadcast %shift_right_logical3A_1673 : i32 to vector<16xi32>
      %shift_right_logical3A_1675 = arith.shrui %get3A_1660, %shift_right_logical3A_1674 : vector<16xi32>
      %and3A_1676 = arith.constant 255 : i32
      %and3A_1677 = vector.broadcast %and3A_1676 : i32 to vector<16xi32>
      %and3A_1678 = arith.andi %shift_right_logical3A_1675, %and3A_1677 : vector<16xi32>
      %mul3A_1679 = arith.constant 4 : i32
      %mul3A_1680 = vector.broadcast %mul3A_1679 : i32 to vector<16xi32>
      %mul3A_1681 = arith.muli %and3A_1666, %mul3A_1680 : vector<16xi32>
      %add3A_1682 = arith.addi %mul3A_1681, %shift_right_logical3A_1663 : vector<16xi32>
      %swap3A_1683 = arith.constant 32 : index
      %swap3A_1684 = tpu.vector_load %arg7[%swap3A_1683] {strides = array<i32>} : memref<128xi32, #tpu.memory_space<vmem>>, vector<16xi32>,
      %swap3A_1685 = vector.shape_cast %swap3A_1684 : vector<16xi32> to vector<16xi32>
      %swap3A_1686 = vector.shape_cast %add3A_1682 : vector<16xi32> to vector<16xi32>
      tpu.vector_store %arg7[%swap3A_1683], %swap3A_1686 {strides = array<i32>} : memref<128xi32, #tpu.memory_space<vmem>>, vector<16xi32>,
      %mul3A_1687 = arith.constant 4 : i32
      %mul3A_1688 = vector.broadcast %mul3A_1687 : i32 to vector<16xi32>
      %mul3A_1689 = arith.muli %and3A_1672, %mul3A_1688 : vector<16xi32>
      %add3A_1690 = arith.addi %mul3A_1689, %shift_right_logical3A_1663 : vector<16xi32>
      %add3A_1691 = arith.constant 512 : i32
      %add3A_1692 = vector.broadcast %add3A_1691 : i32 to vector<16xi32>
      %add3A_1693 = arith.addi %add3A_1690, %add3A_1692 : vector<16xi32>
      %swap3A_1694 = arith.constant 32 : index
      %swap3A_1695 = tpu.vector_load %arg8[%swap3A_1694] {strides = array<i32>} : memref<128xi32, #tpu.memory_space<vmem>>, vector<16xi32>,
      %swap3A_1696 = vector.shape_cast %swap3A_1695 : vector<16xi32> to vector<16xi32>
      %swap3A_1697 = vector.shape_cast %add3A_1693 : vector<16xi32> to vector<16xi32>
      tpu.vector_store %arg8[%swap3A_1694], %swap3A_1697 {strides = array<i32>} : memref<128xi32, #tpu.memory_space<vmem>>, vector<16xi32>,
      %mul3A_1698 = arith.constant 4 : i32
      %mul3A_1699 = vector.broadcast %mul3A_1698 : i32 to vector<16xi32>
      %mul3A_1700 = arith.muli %and3A_1678, %mul3A_1699 : vector<16xi32>
      %add3A_1701 = arith.addi %mul3A_1700, %shift_right_logical3A_1663 : vector<16xi32>
      %add3A_1702 = arith.constant 1024 : i32
      %add3A_1703 = vector.broadcast %add3A_1702 : i32 to vector<16xi32>
      %add3A_1704 = arith.addi %add3A_1701, %add3A_1703 : vector<16xi32>
      %swap3A_1705 = arith.constant 32 : index
      %swap3A_1706 = tpu.vector_load %arg9[%swap3A_1705] {strides = array<i32>} : memref<128xi32, #tpu.memory_space<vmem>>, vector<16xi32>,
      %swap3A_1707 = vector.shape_cast %swap3A_1706 : vector<16xi32> to vector<16xi32>
      %swap3A_1708 = vector.shape_cast %add3A_1704 : vector<16xi32> to vector<16xi32>
      tpu.vector_store %arg9[%swap3A_1705], %swap3A_1708 {strides = array<i32>} : memref<128xi32, #tpu.memory_space<vmem>>, vector<16xi32>,
      %get3A_1709 = arith.index_cast %mul3A_1521 : i32 to index
      %get3A_1710 = arith.constant 48 : index
      %get3A_1711 = tpu.vector_load %arg6[%get3A_1709, %get3A_1710] {strides = array<i32>} : memref<49x128xi32, #tpu.memory_space<vmem>>, vector<1x16xi32>,
      %get3A_1712 = vector.shape_cast %get3A_1711 : vector<1x16xi32> to vector<16xi32>
      %shift_right_logical3A_1713 = arith.constant 24 : i32
      %shift_right_logical3A_1714 = vector.broadcast %shift_right_logical3A_1713 : i32 to vector<16xi32>
      %shift_right_logical3A_1715 = arith.shrui %get3A_1712, %shift_right_logical3A_1714 : vector<16xi32>
      %and3A_1716 = arith.constant 255 : i32
      %and3A_1717 = vector.broadcast %and3A_1716 : i32 to vector<16xi32>
      %and3A_1718 = arith.andi %get3A_1712, %and3A_1717 : vector<16xi32>
      %shift_right_logical3A_1719 = arith.constant 8 : i32
      %shift_right_logical3A_1720 = vector.broadcast %shift_right_logical3A_1719 : i32 to vector<16xi32>
      %shift_right_logical3A_1721 = arith.shrui %get3A_1712, %shift_right_logical3A_1720 : vector<16xi32>
      %and3A_1722 = arith.constant 255 : i32
      %and3A_1723 = vector.broadcast %and3A_1722 : i32 to vector<16xi32>
      %and3A_1724 = arith.andi %shift_right_logical3A_1721, %and3A_1723 : vector<16xi32>
      %shift_right_logical3A_1725 = arith.constant 16 : i32
      %shift_right_logical3A_1726 = vector.broadcast %shift_right_logical3A_1725 : i32 to vector<16xi32>
      %shift_right_logical3A_1727 = arith.shrui %get3A_1712, %shift_right_logical3A_1726 : vector<16xi32>
      %and3A_1728 = arith.constant 255 : i32
      %and3A_1729 = vector.broadcast %and3A_1728 : i32 to vector<16xi32>
      %and3A_1730 = arith.andi %shift_right_logical3A_1727, %and3A_1729 : vector<16xi32>
      %mul3A_1731 = arith.constant 4 : i32
      %mul3A_1732 = vector.broadcast %mul3A_1731 : i32 to vector<16xi32>
      %mul3A_1733 = arith.muli %and3A_1718, %mul3A_1732 : vector<16xi32>
      %add3A_1734 = arith.addi %mul3A_1733, %shift_right_logical3A_1715 : vector<16xi32>
      %swap3A_1735 = arith.constant 48 : index
      %swap3A_1736 = tpu.vector_load %arg7[%swap3A_1735] {strides = array<i32>} : memref<128xi32, #tpu.memory_space<vmem>>, vector<16xi32>,
      %swap3A_1737 = vector.shape_cast %swap3A_1736 : vector<16xi32> to vector<16xi32>
      %swap3A_1738 = vector.shape_cast %add3A_1734 : vector<16xi32> to vector<16xi32>
      tpu.vector_store %arg7[%swap3A_1735], %swap3A_1738 {strides = array<i32>} : memref<128xi32, #tpu.memory_space<vmem>>, vector<16xi32>,
      %mul3A_1739 = arith.constant 4 : i32
      %mul3A_1740 = vector.broadcast %mul3A_1739 : i32 to vector<16xi32>
      %mul3A_1741 = arith.muli %and3A_1724, %mul3A_1740 : vector<16xi32>
      %add3A_1742 = arith.addi %mul3A_1741, %shift_right_logical3A_1715 : vector<16xi32>
      %add3A_1743 = arith.constant 512 : i32
      %add3A_1744 = vector.broadcast %add3A_1743 : i32 to vector<16xi32>
      %add3A_1745 = arith.addi %add3A_1742, %add3A_1744 : vector<16xi32>
      %swap3A_1746 = arith.constant 48 : index
      %swap3A_1747 = tpu.vector_load %arg8[%swap3A_1746] {strides = array<i32>} : memref<128xi32, #tpu.memory_space<vmem>>, vector<16xi32>,
      %swap3A_1748 = vector.shape_cast %swap3A_1747 : vector<16xi32> to vector<16xi32>
      %swap3A_1749 = vector.shape_cast %add3A_1745 : vector<16xi32> to vector<16xi32>
      tpu.vector_store %arg8[%swap3A_1746], %swap3A_1749 {strides = array<i32>} : memref<128xi32, #tpu.memory_space<vmem>>, vector<16xi32>,
      %mul3A_1750 = arith.constant 4 : i32
      %mul3A_1751 = vector.broadcast %mul3A_1750 : i32 to vector<16xi32>
      %mul3A_1752 = arith.muli %and3A_1730, %mul3A_1751 : vector<16xi32>
      %add3A_1753 = arith.addi %mul3A_1752, %shift_right_logical3A_1715 : vector<16xi32>
      %add3A_1754 = arith.constant 1024 : i32
      %add3A_1755 = vector.broadcast %add3A_1754 : i32 to vector<16xi32>
      %add3A_1756 = arith.addi %add3A_1753, %add3A_1755 : vector<16xi32>
      %swap3A_1757 = arith.constant 48 : index
      %swap3A_1758 = tpu.vector_load %arg9[%swap3A_1757] {strides = array<i32>} : memref<128xi32, #tpu.memory_space<vmem>>, vector<16xi32>,
      %swap3A_1759 = vector.shape_cast %swap3A_1758 : vector<16xi32> to vector<16xi32>
      %swap3A_1760 = vector.shape_cast %add3A_1756 : vector<16xi32> to vector<16xi32>
      tpu.vector_store %arg9[%swap3A_1757], %swap3A_1760 {strides = array<i32>} : memref<128xi32, #tpu.memory_space<vmem>>, vector<16xi32>,
      %get3A_1761 = arith.index_cast %mul3A_1521 : i32 to index
      %get3A_1762 = arith.constant 64 : index
      %get3A_1763 = tpu.vector_load %arg6[%get3A_1761, %get3A_1762] {strides = array<i32>} : memref<49x128xi32, #tpu.memory_space<vmem>>, vector<1x16xi32>,
      %get3A_1764 = vector.shape_cast %get3A_1763 : vector<1x16xi32> to vector<16xi32>
      %shift_right_logical3A_1765 = arith.constant 24 : i32
      %shift_right_logical3A_1766 = vector.broadcast %shift_right_logical3A_1765 : i32 to vector<16xi32>
      %shift_right_logical3A_1767 = arith.shrui %get3A_1764, %shift_right_logical3A_1766 : vector<16xi32>
      %and3A_1768 = arith.constant 255 : i32
      %and3A_1769 = vector.broadcast %and3A_1768 : i32 to vector<16xi32>
      %and3A_1770 = arith.andi %get3A_1764, %and3A_1769 : vector<16xi32>
      %shift_right_logical3A_1771 = arith.constant 8 : i32
      %shift_right_logical3A_1772 = vector.broadcast %shift_right_logical3A_1771 : i32 to vector<16xi32>
      %shift_right_logical3A_1773 = arith.shrui %get3A_1764, %shift_right_logical3A_1772 : vector<16xi32>
      %and3A_1774 = arith.constant 255 : i32
      %and3A_1775 = vector.broadcast %and3A_1774 : i32 to vector<16xi32>
      %and3A_1776 = arith.andi %shift_right_logical3A_1773, %and3A_1775 : vector<16xi32>
      %shift_right_logical3A_1777 = arith.constant 16 : i32
      %shift_right_logical3A_1778 = vector.broadcast %shift_right_logical3A_1777 : i32 to vector<16xi32>
      %shift_right_logical3A_1779 = arith.shrui %get3A_1764, %shift_right_logical3A_1778 : vector<16xi32>
      %and3A_1780 = arith.constant 255 : i32
      %and3A_1781 = vector.broadcast %and3A_1780 : i32 to vector<16xi32>
      %and3A_1782 = arith.andi %shift_right_logical3A_1779, %and3A_1781 : vector<16xi32>
      %mul3A_1783 = arith.constant 4 : i32
      %mul3A_1784 = vector.broadcast %mul3A_1783 : i32 to vector<16xi32>
      %mul3A_1785 = arith.muli %and3A_1770, %mul3A_1784 : vector<16xi32>
      %add3A_1786 = arith.addi %mul3A_1785, %shift_right_logical3A_1767 : vector<16xi32>
      %swap3A_1787 = arith.constant 64 : index
      %swap3A_1788 = tpu.vector_load %arg7[%swap3A_1787] {strides = array<i32>} : memref<128xi32, #tpu.memory_space<vmem>>, vector<16xi32>,
      %swap3A_1789 = vector.shape_cast %swap3A_1788 : vector<16xi32> to vector<16xi32>
      %swap3A_1790 = vector.shape_cast %add3A_1786 : vector<16xi32> to vector<16xi32>
      tpu.vector_store %arg7[%swap3A_1787], %swap3A_1790 {strides = array<i32>} : memref<128xi32, #tpu.memory_space<vmem>>, vector<16xi32>,
      %mul3A_1791 = arith.constant 4 : i32
      %mul3A_1792 = vector.broadcast %mul3A_1791 : i32 to vector<16xi32>
      %mul3A_1793 = arith.muli %and3A_1776, %mul3A_1792 : vector<16xi32>
      %add3A_1794 = arith.addi %mul3A_1793, %shift_right_logical3A_1767 : vector<16xi32>
      %add3A_1795 = arith.constant 512 : i32
      %add3A_1796 = vector.broadcast %add3A_1795 : i32 to vector<16xi32>
      %add3A_1797 = arith.addi %add3A_1794, %add3A_1796 : vector<16xi32>
      %swap3A_1798 = arith.constant 64 : index
      %swap3A_1799 = tpu.vector_load %arg8[%swap3A_1798] {strides = array<i32>} : memref<128xi32, #tpu.memory_space<vmem>>, vector<16xi32>,
      %swap3A_1800 = vector.shape_cast %swap3A_1799 : vector<16xi32> to vector<16xi32>
      %swap3A_1801 = vector.shape_cast %add3A_1797 : vector<16xi32> to vector<16xi32>
      tpu.vector_store %arg8[%swap3A_1798], %swap3A_1801 {strides = array<i32>} : memref<128xi32, #tpu.memory_space<vmem>>, vector<16xi32>,
      %mul3A_1802 = arith.constant 4 : i32
      %mul3A_1803 = vector.broadcast %mul3A_1802 : i32 to vector<16xi32>
      %mul3A_1804 = arith.muli %and3A_1782, %mul3A_1803 : vector<16xi32>
      %add3A_1805 = arith.addi %mul3A_1804, %shift_right_logical3A_1767 : vector<16xi32>
      %add3A_1806 = arith.constant 1024 : i32
      %add3A_1807 = vector.broadcast %add3A_1806 : i32 to vector<16xi32>
      %add3A_1808 = arith.addi %add3A_1805, %add3A_1807 : vector<16xi32>
      %swap3A_1809 = arith.constant 64 : index
      %swap3A_1810 = tpu.vector_load %arg9[%swap3A_1809] {strides = array<i32>} : memref<128xi32, #tpu.memory_space<vmem>>, vector<16xi32>,
      %swap3A_1811 = vector.shape_cast %swap3A_1810 : vector<16xi32> to vector<16xi32>
      %swap3A_1812 = vector.shape_cast %add3A_1808 : vector<16xi32> to vector<16xi32>
      tpu.vector_store %arg9[%swap3A_1809], %swap3A_1812 {strides = array<i32>} : memref<128xi32, #tpu.memory_space<vmem>>, vector<16xi32>,
      %get3A_1813 = arith.index_cast %mul3A_1521 : i32 to index
      %get3A_1814 = arith.constant 80 : index
      %get3A_1815 = tpu.vector_load %arg6[%get3A_1813, %get3A_1814] {strides = array<i32>} : memref<49x128xi32, #tpu.memory_space<vmem>>, vector<1x16xi32>,
      %get3A_1816 = vector.shape_cast %get3A_1815 : vector<1x16xi32> to vector<16xi32>
      %shift_right_logical3A_1817 = arith.constant 24 : i32
      %shift_right_logical3A_1818 = vector.broadcast %shift_right_logical3A_1817 : i32 to vector<16xi32>
      %shift_right_logical3A_1819 = arith.shrui %get3A_1816, %shift_right_logical3A_1818 : vector<16xi32>
      %and3A_1820 = arith.constant 255 : i32
      %and3A_1821 = vector.broadcast %and3A_1820 : i32 to vector<16xi32>
      %and3A_1822 = arith.andi %get3A_1816, %and3A_1821 : vector<16xi32>
      %shift_right_logical3A_1823 = arith.constant 8 : i32
      %shift_right_logical3A_1824 = vector.broadcast %shift_right_logical3A_1823 : i32 to vector<16xi32>
      %shift_right_logical3A_1825 = arith.shrui %get3A_1816, %shift_right_logical3A_1824 : vector<16xi32>
      %and3A_1826 = arith.constant 255 : i32
      %and3A_1827 = vector.broadcast %and3A_1826 : i32 to vector<16xi32>
      %and3A_1828 = arith.andi %shift_right_logical3A_1825, %and3A_1827 : vector<16xi32>
      %shift_right_logical3A_1829 = arith.constant 16 : i32
      %shift_right_logical3A_1830 = vector.broadcast %shift_right_logical3A_1829 : i32 to vector<16xi32>
      %shift_right_logical3A_1831 = arith.shrui %get3A_1816, %shift_right_logical3A_1830 : vector<16xi32>
      %and3A_1832 = arith.constant 255 : i32
      %and3A_1833 = vector.broadcast %and3A_1832 : i32 to vector<16xi32>
      %and3A_1834 = arith.andi %shift_right_logical3A_1831, %and3A_1833 : vector<16xi32>
      %mul3A_1835 = arith.constant 4 : i32
      %mul3A_1836 = vector.broadcast %mul3A_1835 : i32 to vector<16xi32>
      %mul3A_1837 = arith.muli %and3A_1822, %mul3A_1836 : vector<16xi32>
      %add3A_1838 = arith.addi %mul3A_1837, %shift_right_logical3A_1819 : vector<16xi32>
      %swap3A_1839 = arith.constant 80 : index
      %swap3A_1840 = tpu.vector_load %arg7[%swap3A_1839] {strides = array<i32>} : memref<128xi32, #tpu.memory_space<vmem>>, vector<16xi32>,
      %swap3A_1841 = vector.shape_cast %swap3A_1840 : vector<16xi32> to vector<16xi32>
      %swap3A_1842 = vector.shape_cast %add3A_1838 : vector<16xi32> to vector<16xi32>
      tpu.vector_store %arg7[%swap3A_1839], %swap3A_1842 {strides = array<i32>} : memref<128xi32, #tpu.memory_space<vmem>>, vector<16xi32>,
      %mul3A_1843 = arith.constant 4 : i32
      %mul3A_1844 = vector.broadcast %mul3A_1843 : i32 to vector<16xi32>
      %mul3A_1845 = arith.muli %and3A_1828, %mul3A_1844 : vector<16xi32>
      %add3A_1846 = arith.addi %mul3A_1845, %shift_right_logical3A_1819 : vector<16xi32>
      %add3A_1847 = arith.constant 512 : i32
      %add3A_1848 = vector.broadcast %add3A_1847 : i32 to vector<16xi32>
      %add3A_1849 = arith.addi %add3A_1846, %add3A_1848 : vector<16xi32>
      %swap3A_1850 = arith.constant 80 : index
      %swap3A_1851 = tpu.vector_load %arg8[%swap3A_1850] {strides = array<i32>} : memref<128xi32, #tpu.memory_space<vmem>>, vector<16xi32>,
      %swap3A_1852 = vector.shape_cast %swap3A_1851 : vector<16xi32> to vector<16xi32>
      %swap3A_1853 = vector.shape_cast %add3A_1849 : vector<16xi32> to vector<16xi32>
      tpu.vector_store %arg8[%swap3A_1850], %swap3A_1853 {strides = array<i32>} : memref<128xi32, #tpu.memory_space<vmem>>, vector<16xi32>,
      %mul3A_1854 = arith.constant 4 : i32
      %mul3A_1855 = vector.broadcast %mul3A_1854 : i32 to vector<16xi32>
      %mul3A_1856 = arith.muli %and3A_1834, %mul3A_1855 : vector<16xi32>
      %add3A_1857 = arith.addi %mul3A_1856, %shift_right_logical3A_1819 : vector<16xi32>
      %add3A_1858 = arith.constant 1024 : i32
      %add3A_1859 = vector.broadcast %add3A_1858 : i32 to vector<16xi32>
      %add3A_1860 = arith.addi %add3A_1857, %add3A_1859 : vector<16xi32>
      %swap3A_1861 = arith.constant 80 : index
      %swap3A_1862 = tpu.vector_load %arg9[%swap3A_1861] {strides = array<i32>} : memref<128xi32, #tpu.memory_space<vmem>>, vector<16xi32>,
      %swap3A_1863 = vector.shape_cast %swap3A_1862 : vector<16xi32> to vector<16xi32>
      %swap3A_1864 = vector.shape_cast %add3A_1860 : vector<16xi32> to vector<16xi32>
      tpu.vector_store %arg9[%swap3A_1861], %swap3A_1864 {strides = array<i32>} : memref<128xi32, #tpu.memory_space<vmem>>, vector<16xi32>,
      %get3A_1865 = arith.index_cast %mul3A_1521 : i32 to index
      %get3A_1866 = arith.constant 96 : index
      %get3A_1867 = tpu.vector_load %arg6[%get3A_1865, %get3A_1866] {strides = array<i32>} : memref<49x128xi32, #tpu.memory_space<vmem>>, vector<1x16xi32>,
      %get3A_1868 = vector.shape_cast %get3A_1867 : vector<1x16xi32> to vector<16xi32>
      %shift_right_logical3A_1869 = arith.constant 24 : i32
      %shift_right_logical3A_1870 = vector.broadcast %shift_right_logical3A_1869 : i32 to vector<16xi32>
      %shift_right_logical3A_1871 = arith.shrui %get3A_1868, %shift_right_logical3A_1870 : vector<16xi32>
      %and3A_1872 = arith.constant 255 : i32
      %and3A_1873 = vector.broadcast %and3A_1872 : i32 to vector<16xi32>
      %and3A_1874 = arith.andi %get3A_1868, %and3A_1873 : vector<16xi32>
      %shift_right_logical3A_1875 = arith.constant 8 : i32
      %shift_right_logical3A_1876 = vector.broadcast %shift_right_logical3A_1875 : i32 to vector<16xi32>
      %shift_right_logical3A_1877 = arith.shrui %get3A_1868, %shift_right_logical3A_1876 : vector<16xi32>
      %and3A_1878 = arith.constant 255 : i32
      %and3A_1879 = vector.broadcast %and3A_1878 : i32 to vector<16xi32>
      %and3A_1880 = arith.andi %shift_right_logical3A_1877, %and3A_1879 : vector<16xi32>
      %shift_right_logical3A_1881 = arith.constant 16 : i32
      %shift_right_logical3A_1882 = vector.broadcast %shift_right_logical3A_1881 : i32 to vector<16xi32>
      %shift_right_logical3A_1883 = arith.shrui %get3A_1868, %shift_right_logical3A_1882 : vector<16xi32>
      %and3A_1884 = arith.constant 255 : i32
      %and3A_1885 = vector.broadcast %and3A_1884 : i32 to vector<16xi32>
      %and3A_1886 = arith.andi %shift_right_logical3A_1883, %and3A_1885 : vector<16xi32>
      %mul3A_1887 = arith.constant 4 : i32
      %mul3A_1888 = vector.broadcast %mul3A_1887 : i32 to vector<16xi32>
      %mul3A_1889 = arith.muli %and3A_1874, %mul3A_1888 : vector<16xi32>
      %add3A_1890 = arith.addi %mul3A_1889, %shift_right_logical3A_1871 : vector<16xi32>
      %swap3A_1891 = arith.constant 96 : index
      %swap3A_1892 = tpu.vector_load %arg7[%swap3A_1891] {strides = array<i32>} : memref<128xi32, #tpu.memory_space<vmem>>, vector<16xi32>,
      %swap3A_1893 = vector.shape_cast %swap3A_1892 : vector<16xi32> to vector<16xi32>
      %swap3A_1894 = vector.shape_cast %add3A_1890 : vector<16xi32> to vector<16xi32>
      tpu.vector_store %arg7[%swap3A_1891], %swap3A_1894 {strides = array<i32>} : memref<128xi32, #tpu.memory_space<vmem>>, vector<16xi32>,
      %mul3A_1895 = arith.constant 4 : i32
      %mul3A_1896 = vector.broadcast %mul3A_1895 : i32 to vector<16xi32>
      %mul3A_1897 = arith.muli %and3A_1880, %mul3A_1896 : vector<16xi32>
      %add3A_1898 = arith.addi %mul3A_1897, %shift_right_logical3A_1871 : vector<16xi32>
      %add3A_1899 = arith.constant 512 : i32
      %add3A_1900 = vector.broadcast %add3A_1899 : i32 to vector<16xi32>
      %add3A_1901 = arith.addi %add3A_1898, %add3A_1900 : vector<16xi32>
      %swap3A_1902 = arith.constant 96 : index
      %swap3A_1903 = tpu.vector_load %arg8[%swap3A_1902] {strides = array<i32>} : memref<128xi32, #tpu.memory_space<vmem>>, vector<16xi32>,
      %swap3A_1904 = vector.shape_cast %swap3A_1903 : vector<16xi32> to vector<16xi32>
      %swap3A_1905 = vector.shape_cast %add3A_1901 : vector<16xi32> to vector<16xi32>
      tpu.vector_store %arg8[%swap3A_1902], %swap3A_1905 {strides = array<i32>} : memref<128xi32, #tpu.memory_space<vmem>>, vector<16xi32>,
      %mul3A_1906 = arith.constant 4 : i32
      %mul3A_1907 = vector.broadcast %mul3A_1906 : i32 to vector<16xi32>
      %mul3A_1908 = arith.muli %and3A_1886, %mul3A_1907 : vector<16xi32>
      %add3A_1909 = arith.addi %mul3A_1908, %shift_right_logical3A_1871 : vector<16xi32>
      %add3A_1910 = arith.constant 1024 : i32
      %add3A_1911 = vector.broadcast %add3A_1910 : i32 to vector<16xi32>
      %add3A_1912 = arith.addi %add3A_1909, %add3A_1911 : vector<16xi32>
      %swap3A_1913 = arith.constant 96 : index
      %swap3A_1914 = tpu.vector_load %arg9[%swap3A_1913] {strides = array<i32>} : memref<128xi32, #tpu.memory_space<vmem>>, vector<16xi32>,
      %swap3A_1915 = vector.shape_cast %swap3A_1914 : vector<16xi32> to vector<16xi32>
      %swap3A_1916 = vector.shape_cast %add3A_1912 : vector<16xi32> to vector<16xi32>
      tpu.vector_store %arg9[%swap3A_1913], %swap3A_1916 {strides = array<i32>} : memref<128xi32, #tpu.memory_space<vmem>>, vector<16xi32>,
      %get3A_1917 = arith.index_cast %mul3A_1521 : i32 to index
      %get3A_1918 = arith.constant 112 : index
      %get3A_1919 = tpu.vector_load %arg6[%get3A_1917, %get3A_1918] {strides = array<i32>} : memref<49x128xi32, #tpu.memory_space<vmem>>, vector<1x16xi32>,
      %get3A_1920 = vector.shape_cast %get3A_1919 : vector<1x16xi32> to vector<16xi32>
      %shift_right_logical3A_1921 = arith.constant 24 : i32
      %shift_right_logical3A_1922 = vector.broadcast %shift_right_logical3A_1921 : i32 to vector<16xi32>
      %shift_right_logical3A_1923 = arith.shrui %get3A_1920, %shift_right_logical3A_1922 : vector<16xi32>
      %and3A_1924 = arith.constant 255 : i32
      %and3A_1925 = vector.broadcast %and3A_1924 : i32 to vector<16xi32>
      %and3A_1926 = arith.andi %get3A_1920, %and3A_1925 : vector<16xi32>
      %shift_right_logical3A_1927 = arith.constant 8 : i32
      %shift_right_logical3A_1928 = vector.broadcast %shift_right_logical3A_1927 : i32 to vector<16xi32>
      %shift_right_logical3A_1929 = arith.shrui %get3A_1920, %shift_right_logical3A_1928 : vector<16xi32>
      %and3A_1930 = arith.constant 255 : i32
      %and3A_1931 = vector.broadcast %and3A_1930 : i32 to vector<16xi32>
      %and3A_1932 = arith.andi %shift_right_logical3A_1929, %and3A_1931 : vector<16xi32>
      %shift_right_logical3A_1933 = arith.constant 16 : i32
      %shift_right_logical3A_1934 = vector.broadcast %shift_right_logical3A_1933 : i32 to vector<16xi32>
      %shift_right_logical3A_1935 = arith.shrui %get3A_1920, %shift_right_logical3A_1934 : vector<16xi32>
      %and3A_1936 = arith.constant 255 : i32
      %and3A_1937 = vector.broadcast %and3A_1936 : i32 to vector<16xi32>
      %and3A_1938 = arith.andi %shift_right_logical3A_1935, %and3A_1937 : vector<16xi32>
      %mul3A_1939 = arith.constant 4 : i32
      %mul3A_1940 = vector.broadcast %mul3A_1939 : i32 to vector<16xi32>
      %mul3A_1941 = arith.muli %and3A_1926, %mul3A_1940 : vector<16xi32>
      %add3A_1942 = arith.addi %mul3A_1941, %shift_right_logical3A_1923 : vector<16xi32>
      %swap3A_1943 = arith.constant 112 : index
      %swap3A_1944 = tpu.vector_load %arg7[%swap3A_1943] {strides = array<i32>} : memref<128xi32, #tpu.memory_space<vmem>>, vector<16xi32>,
      %swap3A_1945 = vector.shape_cast %swap3A_1944 : vector<16xi32> to vector<16xi32>
      %swap3A_1946 = vector.shape_cast %add3A_1942 : vector<16xi32> to vector<16xi32>
      tpu.vector_store %arg7[%swap3A_1943], %swap3A_1946 {strides = array<i32>} : memref<128xi32, #tpu.memory_space<vmem>>, vector<16xi32>,
      %mul3A_1947 = arith.constant 4 : i32
      %mul3A_1948 = vector.broadcast %mul3A_1947 : i32 to vector<16xi32>
      %mul3A_1949 = arith.muli %and3A_1932, %mul3A_1948 : vector<16xi32>
      %add3A_1950 = arith.addi %mul3A_1949, %shift_right_logical3A_1923 : vector<16xi32>
      %add3A_1951 = arith.constant 512 : i32
      %add3A_1952 = vector.broadcast %add3A_1951 : i32 to vector<16xi32>
      %add3A_1953 = arith.addi %add3A_1950, %add3A_1952 : vector<16xi32>
      %swap3A_1954 = arith.constant 112 : index
      %swap3A_1955 = tpu.vector_load %arg8[%swap3A_1954] {strides = array<i32>} : memref<128xi32, #tpu.memory_space<vmem>>, vector<16xi32>,
      %swap3A_1956 = vector.shape_cast %swap3A_1955 : vector<16xi32> to vector<16xi32>
      %swap3A_1957 = vector.shape_cast %add3A_1953 : vector<16xi32> to vector<16xi32>
      tpu.vector_store %arg8[%swap3A_1954], %swap3A_1957 {strides = array<i32>} : memref<128xi32, #tpu.memory_space<vmem>>, vector<16xi32>,
      %mul3A_1958 = arith.constant 4 : i32
      %mul3A_1959 = vector.broadcast %mul3A_1958 : i32 to vector<16xi32>
      %mul3A_1960 = arith.muli %and3A_1938, %mul3A_1959 : vector<16xi32>
      %add3A_1961 = arith.addi %mul3A_1960, %shift_right_logical3A_1923 : vector<16xi32>
      %add3A_1962 = arith.constant 1024 : i32
      %add3A_1963 = vector.broadcast %add3A_1962 : i32 to vector<16xi32>
      %add3A_1964 = arith.addi %add3A_1961, %add3A_1963 : vector<16xi32>
      %swap3A_1965 = arith.constant 112 : index
      %swap3A_1966 = tpu.vector_load %arg9[%swap3A_1965] {strides = array<i32>} : memref<128xi32, #tpu.memory_space<vmem>>, vector<16xi32>,
      %swap3A_1967 = vector.shape_cast %swap3A_1966 : vector<16xi32> to vector<16xi32>
      %swap3A_1968 = vector.shape_cast %add3A_1964 : vector<16xi32> to vector<16xi32>
      tpu.vector_store %arg9[%swap3A_1965], %swap3A_1968 {strides = array<i32>} : memref<128xi32, #tpu.memory_space<vmem>>, vector<16xi32>,
      %dma_start3A_1969 = arith.constant 0 : i32
      %dma_start3A_1970 = arith.constant 0 : i32
      %dma_start3A_1971 = tpu.memref_slice %arg5[%dma_start3A_1969, %dma_start3A_1970] : memref<1536x128xf32, #tpu.memory_space<vmem_shared>> -> memref<1536x128xf32, #tpu.memory_space<vmem_shared>>
      tpu.enqueue_indirect_dma source(%dma_start3A_1971 : memref<1536x128xf32, #tpu.memory_space<vmem_shared>>) target(%arg13 : memref<128x128xf32, #tpu.memory_space<vmem>>) offsets(%arg7 : memref<128xi32, #tpu.memory_space<vmem>>) semaphore(%arg20 : memref<!tpu.dma_semaphore, #tpu.memory_space<semaphore_mem>>)
      %dma_start3A_1972 = arith.constant 0 : i32
      %dma_start3A_1973 = arith.constant 0 : i32
      %dma_start3A_1974 = tpu.memref_slice %arg5[%dma_start3A_1972, %dma_start3A_1973] : memref<1536x128xf32, #tpu.memory_space<vmem_shared>> -> memref<1536x128xf32, #tpu.memory_space<vmem_shared>>
      tpu.enqueue_indirect_dma source(%dma_start3A_1974 : memref<1536x128xf32, #tpu.memory_space<vmem_shared>>) target(%arg14 : memref<128x128xf32, #tpu.memory_space<vmem>>) offsets(%arg8 : memref<128xi32, #tpu.memory_space<vmem>>) semaphore(%arg21 : memref<!tpu.dma_semaphore, #tpu.memory_space<semaphore_mem>>)
      %dma_start3A_1975 = arith.constant 0 : i32
      %dma_start3A_1976 = arith.constant 0 : i32
      %dma_start3A_1977 = tpu.memref_slice %arg5[%dma_start3A_1975, %dma_start3A_1976] : memref<1536x128xf32, #tpu.memory_space<vmem_shared>> -> memref<1536x128xf32, #tpu.memory_space<vmem_shared>>
      tpu.enqueue_indirect_dma source(%dma_start3A_1977 : memref<1536x128xf32, #tpu.memory_space<vmem_shared>>) target(%arg15 : memref<128x128xf32, #tpu.memory_space<vmem>>) offsets(%arg9 : memref<128xi32, #tpu.memory_space<vmem>>) semaphore(%arg22 : memref<!tpu.dma_semaphore, #tpu.memory_space<semaphore_mem>>)
      %mul3A_1978 = arith.constant 49 : i32
      %mul3A_1979 = arith.muli %add3A, %mul3A_1978 : i32
      %add3A_1980 = arith.addi %mul3A_1979, %mul3A_1521 : i32
      %min3A_1981 = arith.constant 1562 : i32
      %min3A_1982 = arith.minsi %add3A_1980, %min3A_1981 : i32
      %mul3A_1983 = arith.constant 128 : i32
      %mul3A_1984 = arith.muli %min3A_1982, %mul3A_1983 : i32
      %eq3A_1985 = arith.constant 1562 : i32
      %eq3A_1986 = arith.cmpi eq, %add3A_1980, %eq3A_1985 : i32
      %jit3A_1987 = arith.constant 64 : i32
      %jit3A_1988 = arith.constant 0 : i32
      %select_n3A_1989 = arith.select %eq3A_1986, %jit3A_1987, %jit3A_1988 : i32
      %sub3A_1990 = arith.subi %mul3A_1984, %select_n3A_1989 : i32
      %gt3A_1991 = arith.constant 1562 : i32
      %gt3A_1992 = arith.cmpi sgt, %add3A_1980, %gt3A_1991 : i32
      %jit3A_1993 = arith.constant 0 : i32
      %select_n3A_1994 = arith.select %gt3A_1992, %jit3A_1993, %sub3A_1990 : i32
      %dma_wait3A_1995 = arith.constant 0 : i32
      %dma_wait3A_1996 = arith.constant 0 : i32
      %dma_wait3A_1997 = tpu.memref_slice %arg5[%dma_wait3A_1995, %dma_wait3A_1996] : memref<1536x128xf32, #tpu.memory_space<vmem_shared>> -> memref<1536x128xf32, #tpu.memory_space<vmem_shared>>
      tpu.wait_indirect_dma semaphore(%arg20 : memref<!tpu.dma_semaphore, #tpu.memory_space<semaphore_mem>>) src(%dma_wait3A_1997 : memref<1536x128xf32, #tpu.memory_space<vmem_shared>>) dst(%arg13 : memref<128x128xf32, #tpu.memory_space<vmem>>)
      %dma_start3A_1998 = arith.constant 0 : i32
      %dma_start3A_1999 = tpu.memref_slice %arg4[%select_n3A_1994, %dma_start3A_1998] : memref<200000x384xf32, #tpu.memory_space<hbm>> -> memref<128x128xf32, #tpu.memory_space<hbm>>
      %dma_start3A_2000 = arith.constant 0 : i32
      %dma_start3A_2001 = tpu.memref_slice %arg4[%select_n3A_1994, %dma_start3A_2000] : memref<200000x384xf32, #tpu.memory_space<hbm>> -> memref<128x128xf32, #tpu.memory_space<hbm>>
      tpu.enqueue_dma source(%arg13 : memref<128x128xf32, #tpu.memory_space<vmem>>) target(%dma_start3A_2001 : memref<128x128xf32, #tpu.memory_space<hbm>>) target_semaphore(%arg26 : memref<!tpu.dma_semaphore, #tpu.memory_space<semaphore_mem>>)
      %dma_wait3A_2002 = arith.constant 0 : i32
      %dma_wait3A_2003 = arith.constant 0 : i32
      %dma_wait3A_2004 = tpu.memref_slice %arg5[%dma_wait3A_2002, %dma_wait3A_2003] : memref<1536x128xf32, #tpu.memory_space<vmem_shared>> -> memref<1536x128xf32, #tpu.memory_space<vmem_shared>>
      tpu.wait_indirect_dma semaphore(%arg21 : memref<!tpu.dma_semaphore, #tpu.memory_space<semaphore_mem>>) src(%dma_wait3A_2004 : memref<1536x128xf32, #tpu.memory_space<vmem_shared>>) dst(%arg14 : memref<128x128xf32, #tpu.memory_space<vmem>>)
      %dma_start3A_2005 = arith.constant 128 : i32
      %dma_start3A_2006 = tpu.memref_slice %arg4[%select_n3A_1994, %dma_start3A_2005] : memref<200000x384xf32, #tpu.memory_space<hbm>> -> memref<128x128xf32, #tpu.memory_space<hbm>>
      %dma_start3A_2007 = arith.constant 128 : i32
      %dma_start3A_2008 = tpu.memref_slice %arg4[%select_n3A_1994, %dma_start3A_2007] : memref<200000x384xf32, #tpu.memory_space<hbm>> -> memref<128x128xf32, #tpu.memory_space<hbm>>
      tpu.enqueue_dma source(%arg14 : memref<128x128xf32, #tpu.memory_space<vmem>>) target(%dma_start3A_2008 : memref<128x128xf32, #tpu.memory_space<hbm>>) target_semaphore(%arg26 : memref<!tpu.dma_semaphore, #tpu.memory_space<semaphore_mem>>)
      %dma_wait3A_2009 = arith.constant 0 : i32
      %dma_wait3A_2010 = arith.constant 0 : i32
      %dma_wait3A_2011 = tpu.memref_slice %arg5[%dma_wait3A_2009, %dma_wait3A_2010] : memref<1536x128xf32, #tpu.memory_space<vmem_shared>> -> memref<1536x128xf32, #tpu.memory_space<vmem_shared>>
      tpu.wait_indirect_dma semaphore(%arg22 : memref<!tpu.dma_semaphore, #tpu.memory_space<semaphore_mem>>) src(%dma_wait3A_2011 : memref<1536x128xf32, #tpu.memory_space<vmem_shared>>) dst(%arg15 : memref<128x128xf32, #tpu.memory_space<vmem>>)
      %dma_start3A_2012 = arith.constant 256 : i32
      %dma_start3A_2013 = tpu.memref_slice %arg4[%select_n3A_1994, %dma_start3A_2012] : memref<200000x384xf32, #tpu.memory_space<hbm>> -> memref<128x128xf32, #tpu.memory_space<hbm>>
      %dma_start3A_2014 = arith.constant 256 : i32
      %dma_start3A_2015 = tpu.memref_slice %arg4[%select_n3A_1994, %dma_start3A_2014] : memref<200000x384xf32, #tpu.memory_space<hbm>> -> memref<128x128xf32, #tpu.memory_space<hbm>>
      tpu.enqueue_dma source(%arg15 : memref<128x128xf32, #tpu.memory_space<vmem>>) target(%dma_start3A_2015 : memref<128x128xf32, #tpu.memory_space<hbm>>) target_semaphore(%arg26 : memref<!tpu.dma_semaphore, #tpu.memory_space<semaphore_mem>>)
      %sub3A_2016 = arith.constant 1 : i32
      %sub3A_2017 = arith.subi %mul3A_1521, %sub3A_2016 : i32
      %mul3A_2018 = arith.constant 49 : i32
      %mul3A_2019 = arith.muli %add3A, %mul3A_2018 : i32
      %add3A_2020 = arith.addi %mul3A_2019, %sub3A_2017 : i32
      %min3A_2021 = arith.constant 1562 : i32
      %min3A_2022 = arith.minsi %add3A_2020, %min3A_2021 : i32
      %mul3A_2023 = arith.constant 128 : i32
      %mul3A_2024 = arith.muli %min3A_2022, %mul3A_2023 : i32
      %eq3A_2025 = arith.constant 1562 : i32
      %eq3A_2026 = arith.cmpi eq, %add3A_2020, %eq3A_2025 : i32
      %jit3A_2027 = arith.constant 64 : i32
      %jit3A_2028 = arith.constant 0 : i32
      %select_n3A_2029 = arith.select %eq3A_2026, %jit3A_2027, %jit3A_2028 : i32
      %sub3A_2030 = arith.subi %mul3A_2024, %select_n3A_2029 : i32
      %gt3A_2031 = arith.constant 1562 : i32
      %gt3A_2032 = arith.cmpi sgt, %add3A_2020, %gt3A_2031 : i32
      %jit3A_2033 = arith.constant 0 : i32
      %select_n3A_2034 = arith.select %gt3A_2032, %jit3A_2033, %sub3A_2030 : i32
      %dma_wait3A_2035 = arith.constant 0 : i32
      %dma_wait3A_2036 = tpu.memref_slice %arg4[%select_n3A_2034, %dma_wait3A_2035] : memref<200000x384xf32, #tpu.memory_space<hbm>> -> memref<128x128xf32, #tpu.memory_space<hbm>>
      %dma_wait3A_2037 = arith.constant 0 : i32
      %dma_wait3A_2038 = tpu.memref_slice %arg4[%select_n3A_2034, %dma_wait3A_2037] : memref<200000x384xf32, #tpu.memory_space<hbm>> -> memref<128x128xf32, #tpu.memory_space<hbm>>
      tpu.wait_dma2 semaphore(%arg27 : memref<!tpu.dma_semaphore, #tpu.memory_space<semaphore_mem>>) src(%arg16 : memref<128x128xf32, #tpu.memory_space<vmem>>) dst(%dma_wait3A_2038 : memref<128x128xf32, #tpu.memory_space<hbm>>)
      %dma_wait3A_2039 = arith.constant 128 : i32
      %dma_wait3A_2040 = tpu.memref_slice %arg4[%select_n3A_2034, %dma_wait3A_2039] : memref<200000x384xf32, #tpu.memory_space<hbm>> -> memref<128x128xf32, #tpu.memory_space<hbm>>
      %dma_wait3A_2041 = arith.constant 128 : i32
      %dma_wait3A_2042 = tpu.memref_slice %arg4[%select_n3A_2034, %dma_wait3A_2041] : memref<200000x384xf32, #tpu.memory_space<hbm>> -> memref<128x128xf32, #tpu.memory_space<hbm>>
      tpu.wait_dma2 semaphore(%arg27 : memref<!tpu.dma_semaphore, #tpu.memory_space<semaphore_mem>>) src(%arg17 : memref<128x128xf32, #tpu.memory_space<vmem>>) dst(%dma_wait3A_2042 : memref<128x128xf32, #tpu.memory_space<hbm>>)
      %dma_wait3A_2043 = arith.constant 256 : i32
      %dma_wait3A_2044 = tpu.memref_slice %arg4[%select_n3A_2034, %dma_wait3A_2043] : memref<200000x384xf32, #tpu.memory_space<hbm>> -> memref<128x128xf32, #tpu.memory_space<hbm>>
      %dma_wait3A_2045 = arith.constant 256 : i32
      %dma_wait3A_2046 = tpu.memref_slice %arg4[%select_n3A_2034, %dma_wait3A_2045] : memref<200000x384xf32, #tpu.memory_space<hbm>> -> memref<128x128xf32, #tpu.memory_space<hbm>>
      tpu.wait_dma2 semaphore(%arg27 : memref<!tpu.dma_semaphore, #tpu.memory_space<semaphore_mem>>) src(%arg18 : memref<128x128xf32, #tpu.memory_space<vmem>>) dst(%dma_wait3A_2046 : memref<128x128xf32, #tpu.memory_space<hbm>>)
      %add3A_2047 = arith.constant 1 : i32
      %add3A_2048 = arith.addi %mul3A_1521, %add3A_2047 : i32
      %get3A_2049 = arith.index_cast %add3A_2048 : i32 to index
      %get3A_2050 = arith.constant 0 : index
      %get3A_2051 = tpu.vector_load %arg6[%get3A_2049, %get3A_2050] {strides = array<i32>} : memref<49x128xi32, #tpu.memory_space<vmem>>, vector<1x16xi32>,
      %get3A_2052 = vector.shape_cast %get3A_2051 : vector<1x16xi32> to vector<16xi32>
      %shift_right_logical3A_2053 = arith.constant 24 : i32
      %shift_right_logical3A_2054 = vector.broadcast %shift_right_logical3A_2053 : i32 to vector<16xi32>
      %shift_right_logical3A_2055 = arith.shrui %get3A_2052, %shift_right_logical3A_2054 : vector<16xi32>
      %and3A_2056 = arith.constant 255 : i32
      %and3A_2057 = vector.broadcast %and3A_2056 : i32 to vector<16xi32>
      %and3A_2058 = arith.andi %get3A_2052, %and3A_2057 : vector<16xi32>
      %shift_right_logical3A_2059 = arith.constant 8 : i32
      %shift_right_logical3A_2060 = vector.broadcast %shift_right_logical3A_2059 : i32 to vector<16xi32>
      %shift_right_logical3A_2061 = arith.shrui %get3A_2052, %shift_right_logical3A_2060 : vector<16xi32>
      %and3A_2062 = arith.constant 255 : i32
      %and3A_2063 = vector.broadcast %and3A_2062 : i32 to vector<16xi32>
      %and3A_2064 = arith.andi %shift_right_logical3A_2061, %and3A_2063 : vector<16xi32>
      %shift_right_logical3A_2065 = arith.constant 16 : i32
      %shift_right_logical3A_2066 = vector.broadcast %shift_right_logical3A_2065 : i32 to vector<16xi32>
      %shift_right_logical3A_2067 = arith.shrui %get3A_2052, %shift_right_logical3A_2066 : vector<16xi32>
      %and3A_2068 = arith.constant 255 : i32
      %and3A_2069 = vector.broadcast %and3A_2068 : i32 to vector<16xi32>
      %and3A_2070 = arith.andi %shift_right_logical3A_2067, %and3A_2069 : vector<16xi32>
      %mul3A_2071 = arith.constant 4 : i32
      %mul3A_2072 = vector.broadcast %mul3A_2071 : i32 to vector<16xi32>
      %mul3A_2073 = arith.muli %and3A_2058, %mul3A_2072 : vector<16xi32>
      %add3A_2074 = arith.addi %mul3A_2073, %shift_right_logical3A_2055 : vector<16xi32>
      %swap3A_2075 = arith.constant 0 : index
      %swap3A_2076 = tpu.vector_load %arg10[%swap3A_2075] {strides = array<i32>} : memref<128xi32, #tpu.memory_space<vmem>>, vector<16xi32>,
      %swap3A_2077 = vector.shape_cast %swap3A_2076 : vector<16xi32> to vector<16xi32>
      %swap3A_2078 = vector.shape_cast %add3A_2074 : vector<16xi32> to vector<16xi32>
      tpu.vector_store %arg10[%swap3A_2075], %swap3A_2078 {strides = array<i32>} : memref<128xi32, #tpu.memory_space<vmem>>, vector<16xi32>,
      %mul3A_2079 = arith.constant 4 : i32
      %mul3A_2080 = vector.broadcast %mul3A_2079 : i32 to vector<16xi32>
      %mul3A_2081 = arith.muli %and3A_2064, %mul3A_2080 : vector<16xi32>
      %add3A_2082 = arith.addi %mul3A_2081, %shift_right_logical3A_2055 : vector<16xi32>
      %add3A_2083 = arith.constant 512 : i32
      %add3A_2084 = vector.broadcast %add3A_2083 : i32 to vector<16xi32>
      %add3A_2085 = arith.addi %add3A_2082, %add3A_2084 : vector<16xi32>
      %swap3A_2086 = arith.constant 0 : index
      %swap3A_2087 = tpu.vector_load %arg11[%swap3A_2086] {strides = array<i32>} : memref<128xi32, #tpu.memory_space<vmem>>, vector<16xi32>,
      %swap3A_2088 = vector.shape_cast %swap3A_2087 : vector<16xi32> to vector<16xi32>
      %swap3A_2089 = vector.shape_cast %add3A_2085 : vector<16xi32> to vector<16xi32>
      tpu.vector_store %arg11[%swap3A_2086], %swap3A_2089 {strides = array<i32>} : memref<128xi32, #tpu.memory_space<vmem>>, vector<16xi32>,
      %mul3A_2090 = arith.constant 4 : i32
      %mul3A_2091 = vector.broadcast %mul3A_2090 : i32 to vector<16xi32>
      %mul3A_2092 = arith.muli %and3A_2070, %mul3A_2091 : vector<16xi32>
      %add3A_2093 = arith.addi %mul3A_2092, %shift_right_logical3A_2055 : vector<16xi32>
      %add3A_2094 = arith.constant 1024 : i32
      %add3A_2095 = vector.broadcast %add3A_2094 : i32 to vector<16xi32>
      %add3A_2096 = arith.addi %add3A_2093, %add3A_2095 : vector<16xi32>
      %swap3A_2097 = arith.constant 0 : index
      %swap3A_2098 = tpu.vector_load %arg12[%swap3A_2097] {strides = array<i32>} : memref<128xi32, #tpu.memory_space<vmem>>, vector<16xi32>,
      %swap3A_2099 = vector.shape_cast %swap3A_2098 : vector<16xi32> to vector<16xi32>
      %swap3A_2100 = vector.shape_cast %add3A_2096 : vector<16xi32> to vector<16xi32>
      tpu.vector_store %arg12[%swap3A_2097], %swap3A_2100 {strides = array<i32>} : memref<128xi32, #tpu.memory_space<vmem>>, vector<16xi32>,
      %get3A_2101 = arith.index_cast %add3A_2048 : i32 to index
      %get3A_2102 = arith.constant 16 : index
      %get3A_2103 = tpu.vector_load %arg6[%get3A_2101, %get3A_2102] {strides = array<i32>} : memref<49x128xi32, #tpu.memory_space<vmem>>, vector<1x16xi32>,
      %get3A_2104 = vector.shape_cast %get3A_2103 : vector<1x16xi32> to vector<16xi32>
      %shift_right_logical3A_2105 = arith.constant 24 : i32
      %shift_right_logical3A_2106 = vector.broadcast %shift_right_logical3A_2105 : i32 to vector<16xi32>
      %shift_right_logical3A_2107 = arith.shrui %get3A_2104, %shift_right_logical3A_2106 : vector<16xi32>
      %and3A_2108 = arith.constant 255 : i32
      %and3A_2109 = vector.broadcast %and3A_2108 : i32 to vector<16xi32>
      %and3A_2110 = arith.andi %get3A_2104, %and3A_2109 : vector<16xi32>
      %shift_right_logical3A_2111 = arith.constant 8 : i32
      %shift_right_logical3A_2112 = vector.broadcast %shift_right_logical3A_2111 : i32 to vector<16xi32>
      %shift_right_logical3A_2113 = arith.shrui %get3A_2104, %shift_right_logical3A_2112 : vector<16xi32>
      %and3A_2114 = arith.constant 255 : i32
      %and3A_2115 = vector.broadcast %and3A_2114 : i32 to vector<16xi32>
      %and3A_2116 = arith.andi %shift_right_logical3A_2113, %and3A_2115 : vector<16xi32>
      %shift_right_logical3A_2117 = arith.constant 16 : i32
      %shift_right_logical3A_2118 = vector.broadcast %shift_right_logical3A_2117 : i32 to vector<16xi32>
      %shift_right_logical3A_2119 = arith.shrui %get3A_2104, %shift_right_logical3A_2118 : vector<16xi32>
      %and3A_2120 = arith.constant 255 : i32
      %and3A_2121 = vector.broadcast %and3A_2120 : i32 to vector<16xi32>
      %and3A_2122 = arith.andi %shift_right_logical3A_2119, %and3A_2121 : vector<16xi32>
      %mul3A_2123 = arith.constant 4 : i32
      %mul3A_2124 = vector.broadcast %mul3A_2123 : i32 to vector<16xi32>
      %mul3A_2125 = arith.muli %and3A_2110, %mul3A_2124 : vector<16xi32>
      %add3A_2126 = arith.addi %mul3A_2125, %shift_right_logical3A_2107 : vector<16xi32>
      %swap3A_2127 = arith.constant 16 : index
      %swap3A_2128 = tpu.vector_load %arg10[%swap3A_2127] {strides = array<i32>} : memref<128xi32, #tpu.memory_space<vmem>>, vector<16xi32>,
      %swap3A_2129 = vector.shape_cast %swap3A_2128 : vector<16xi32> to vector<16xi32>
      %swap3A_2130 = vector.shape_cast %add3A_2126 : vector<16xi32> to vector<16xi32>
      tpu.vector_store %arg10[%swap3A_2127], %swap3A_2130 {strides = array<i32>} : memref<128xi32, #tpu.memory_space<vmem>>, vector<16xi32>,
      %mul3A_2131 = arith.constant 4 : i32
      %mul3A_2132 = vector.broadcast %mul3A_2131 : i32 to vector<16xi32>
      %mul3A_2133 = arith.muli %and3A_2116, %mul3A_2132 : vector<16xi32>
      %add3A_2134 = arith.addi %mul3A_2133, %shift_right_logical3A_2107 : vector<16xi32>
      %add3A_2135 = arith.constant 512 : i32
      %add3A_2136 = vector.broadcast %add3A_2135 : i32 to vector<16xi32>
      %add3A_2137 = arith.addi %add3A_2134, %add3A_2136 : vector<16xi32>
      %swap3A_2138 = arith.constant 16 : index
      %swap3A_2139 = tpu.vector_load %arg11[%swap3A_2138] {strides = array<i32>} : memref<128xi32, #tpu.memory_space<vmem>>, vector<16xi32>,
      %swap3A_2140 = vector.shape_cast %swap3A_2139 : vector<16xi32> to vector<16xi32>
      %swap3A_2141 = vector.shape_cast %add3A_2137 : vector<16xi32> to vector<16xi32>
      tpu.vector_store %arg11[%swap3A_2138], %swap3A_2141 {strides = array<i32>} : memref<128xi32, #tpu.memory_space<vmem>>, vector<16xi32>,
      %mul3A_2142 = arith.constant 4 : i32
      %mul3A_2143 = vector.broadcast %mul3A_2142 : i32 to vector<16xi32>
      %mul3A_2144 = arith.muli %and3A_2122, %mul3A_2143 : vector<16xi32>
      %add3A_2145 = arith.addi %mul3A_2144, %shift_right_logical3A_2107 : vector<16xi32>
      %add3A_2146 = arith.constant 1024 : i32
      %add3A_2147 = vector.broadcast %add3A_2146 : i32 to vector<16xi32>
      %add3A_2148 = arith.addi %add3A_2145, %add3A_2147 : vector<16xi32>
      %swap3A_2149 = arith.constant 16 : index
      %swap3A_2150 = tpu.vector_load %arg12[%swap3A_2149] {strides = array<i32>} : memref<128xi32, #tpu.memory_space<vmem>>, vector<16xi32>,
      %swap3A_2151 = vector.shape_cast %swap3A_2150 : vector<16xi32> to vector<16xi32>
      %swap3A_2152 = vector.shape_cast %add3A_2148 : vector<16xi32> to vector<16xi32>
      tpu.vector_store %arg12[%swap3A_2149], %swap3A_2152 {strides = array<i32>} : memref<128xi32, #tpu.memory_space<vmem>>, vector<16xi32>,
      %get3A_2153 = arith.index_cast %add3A_2048 : i32 to index
      %get3A_2154 = arith.constant 32 : index
      %get3A_2155 = tpu.vector_load %arg6[%get3A_2153, %get3A_2154] {strides = array<i32>} : memref<49x128xi32, #tpu.memory_space<vmem>>, vector<1x16xi32>,
      %get3A_2156 = vector.shape_cast %get3A_2155 : vector<1x16xi32> to vector<16xi32>
      %shift_right_logical3A_2157 = arith.constant 24 : i32
      %shift_right_logical3A_2158 = vector.broadcast %shift_right_logical3A_2157 : i32 to vector<16xi32>
      %shift_right_logical3A_2159 = arith.shrui %get3A_2156, %shift_right_logical3A_2158 : vector<16xi32>
      %and3A_2160 = arith.constant 255 : i32
      %and3A_2161 = vector.broadcast %and3A_2160 : i32 to vector<16xi32>
      %and3A_2162 = arith.andi %get3A_2156, %and3A_2161 : vector<16xi32>
      %shift_right_logical3A_2163 = arith.constant 8 : i32
      %shift_right_logical3A_2164 = vector.broadcast %shift_right_logical3A_2163 : i32 to vector<16xi32>
      %shift_right_logical3A_2165 = arith.shrui %get3A_2156, %shift_right_logical3A_2164 : vector<16xi32>
      %and3A_2166 = arith.constant 255 : i32
      %and3A_2167 = vector.broadcast %and3A_2166 : i32 to vector<16xi32>
      %and3A_2168 = arith.andi %shift_right_logical3A_2165, %and3A_2167 : vector<16xi32>
      %shift_right_logical3A_2169 = arith.constant 16 : i32
      %shift_right_logical3A_2170 = vector.broadcast %shift_right_logical3A_2169 : i32 to vector<16xi32>
      %shift_right_logical3A_2171 = arith.shrui %get3A_2156, %shift_right_logical3A_2170 : vector<16xi32>
      %and3A_2172 = arith.constant 255 : i32
      %and3A_2173 = vector.broadcast %and3A_2172 : i32 to vector<16xi32>
      %and3A_2174 = arith.andi %shift_right_logical3A_2171, %and3A_2173 : vector<16xi32>
      %mul3A_2175 = arith.constant 4 : i32
      %mul3A_2176 = vector.broadcast %mul3A_2175 : i32 to vector<16xi32>
      %mul3A_2177 = arith.muli %and3A_2162, %mul3A_2176 : vector<16xi32>
      %add3A_2178 = arith.addi %mul3A_2177, %shift_right_logical3A_2159 : vector<16xi32>
      %swap3A_2179 = arith.constant 32 : index
      %swap3A_2180 = tpu.vector_load %arg10[%swap3A_2179] {strides = array<i32>} : memref<128xi32, #tpu.memory_space<vmem>>, vector<16xi32>,
      %swap3A_2181 = vector.shape_cast %swap3A_2180 : vector<16xi32> to vector<16xi32>
      %swap3A_2182 = vector.shape_cast %add3A_2178 : vector<16xi32> to vector<16xi32>
      tpu.vector_store %arg10[%swap3A_2179], %swap3A_2182 {strides = array<i32>} : memref<128xi32, #tpu.memory_space<vmem>>, vector<16xi32>,
      %mul3A_2183 = arith.constant 4 : i32
      %mul3A_2184 = vector.broadcast %mul3A_2183 : i32 to vector<16xi32>
      %mul3A_2185 = arith.muli %and3A_2168, %mul3A_2184 : vector<16xi32>
      %add3A_2186 = arith.addi %mul3A_2185, %shift_right_logical3A_2159 : vector<16xi32>
      %add3A_2187 = arith.constant 512 : i32
      %add3A_2188 = vector.broadcast %add3A_2187 : i32 to vector<16xi32>
      %add3A_2189 = arith.addi %add3A_2186, %add3A_2188 : vector<16xi32>
      %swap3A_2190 = arith.constant 32 : index
      %swap3A_2191 = tpu.vector_load %arg11[%swap3A_2190] {strides = array<i32>} : memref<128xi32, #tpu.memory_space<vmem>>, vector<16xi32>,
      %swap3A_2192 = vector.shape_cast %swap3A_2191 : vector<16xi32> to vector<16xi32>
      %swap3A_2193 = vector.shape_cast %add3A_2189 : vector<16xi32> to vector<16xi32>
      tpu.vector_store %arg11[%swap3A_2190], %swap3A_2193 {strides = array<i32>} : memref<128xi32, #tpu.memory_space<vmem>>, vector<16xi32>,
      %mul3A_2194 = arith.constant 4 : i32
      %mul3A_2195 = vector.broadcast %mul3A_2194 : i32 to vector<16xi32>
      %mul3A_2196 = arith.muli %and3A_2174, %mul3A_2195 : vector<16xi32>
      %add3A_2197 = arith.addi %mul3A_2196, %shift_right_logical3A_2159 : vector<16xi32>
      %add3A_2198 = arith.constant 1024 : i32
      %add3A_2199 = vector.broadcast %add3A_2198 : i32 to vector<16xi32>
      %add3A_2200 = arith.addi %add3A_2197, %add3A_2199 : vector<16xi32>
      %swap3A_2201 = arith.constant 32 : index
      %swap3A_2202 = tpu.vector_load %arg12[%swap3A_2201] {strides = array<i32>} : memref<128xi32, #tpu.memory_space<vmem>>, vector<16xi32>,
      %swap3A_2203 = vector.shape_cast %swap3A_2202 : vector<16xi32> to vector<16xi32>
      %swap3A_2204 = vector.shape_cast %add3A_2200 : vector<16xi32> to vector<16xi32>
      tpu.vector_store %arg12[%swap3A_2201], %swap3A_2204 {strides = array<i32>} : memref<128xi32, #tpu.memory_space<vmem>>, vector<16xi32>,
      %get3A_2205 = arith.index_cast %add3A_2048 : i32 to index
      %get3A_2206 = arith.constant 48 : index
      %get3A_2207 = tpu.vector_load %arg6[%get3A_2205, %get3A_2206] {strides = array<i32>} : memref<49x128xi32, #tpu.memory_space<vmem>>, vector<1x16xi32>,
      %get3A_2208 = vector.shape_cast %get3A_2207 : vector<1x16xi32> to vector<16xi32>
      %shift_right_logical3A_2209 = arith.constant 24 : i32
      %shift_right_logical3A_2210 = vector.broadcast %shift_right_logical3A_2209 : i32 to vector<16xi32>
      %shift_right_logical3A_2211 = arith.shrui %get3A_2208, %shift_right_logical3A_2210 : vector<16xi32>
      %and3A_2212 = arith.constant 255 : i32
      %and3A_2213 = vector.broadcast %and3A_2212 : i32 to vector<16xi32>
      %and3A_2214 = arith.andi %get3A_2208, %and3A_2213 : vector<16xi32>
      %shift_right_logical3A_2215 = arith.constant 8 : i32
      %shift_right_logical3A_2216 = vector.broadcast %shift_right_logical3A_2215 : i32 to vector<16xi32>
      %shift_right_logical3A_2217 = arith.shrui %get3A_2208, %shift_right_logical3A_2216 : vector<16xi32>
      %and3A_2218 = arith.constant 255 : i32
      %and3A_2219 = vector.broadcast %and3A_2218 : i32 to vector<16xi32>
      %and3A_2220 = arith.andi %shift_right_logical3A_2217, %and3A_2219 : vector<16xi32>
      %shift_right_logical3A_2221 = arith.constant 16 : i32
      %shift_right_logical3A_2222 = vector.broadcast %shift_right_logical3A_2221 : i32 to vector<16xi32>
      %shift_right_logical3A_2223 = arith.shrui %get3A_2208, %shift_right_logical3A_2222 : vector<16xi32>
      %and3A_2224 = arith.constant 255 : i32
      %and3A_2225 = vector.broadcast %and3A_2224 : i32 to vector<16xi32>
      %and3A_2226 = arith.andi %shift_right_logical3A_2223, %and3A_2225 : vector<16xi32>
      %mul3A_2227 = arith.constant 4 : i32
      %mul3A_2228 = vector.broadcast %mul3A_2227 : i32 to vector<16xi32>
      %mul3A_2229 = arith.muli %and3A_2214, %mul3A_2228 : vector<16xi32>
      %add3A_2230 = arith.addi %mul3A_2229, %shift_right_logical3A_2211 : vector<16xi32>
      %swap3A_2231 = arith.constant 48 : index
      %swap3A_2232 = tpu.vector_load %arg10[%swap3A_2231] {strides = array<i32>} : memref<128xi32, #tpu.memory_space<vmem>>, vector<16xi32>,
      %swap3A_2233 = vector.shape_cast %swap3A_2232 : vector<16xi32> to vector<16xi32>
      %swap3A_2234 = vector.shape_cast %add3A_2230 : vector<16xi32> to vector<16xi32>
      tpu.vector_store %arg10[%swap3A_2231], %swap3A_2234 {strides = array<i32>} : memref<128xi32, #tpu.memory_space<vmem>>, vector<16xi32>,
      %mul3A_2235 = arith.constant 4 : i32
      %mul3A_2236 = vector.broadcast %mul3A_2235 : i32 to vector<16xi32>
      %mul3A_2237 = arith.muli %and3A_2220, %mul3A_2236 : vector<16xi32>
      %add3A_2238 = arith.addi %mul3A_2237, %shift_right_logical3A_2211 : vector<16xi32>
      %add3A_2239 = arith.constant 512 : i32
      %add3A_2240 = vector.broadcast %add3A_2239 : i32 to vector<16xi32>
      %add3A_2241 = arith.addi %add3A_2238, %add3A_2240 : vector<16xi32>
      %swap3A_2242 = arith.constant 48 : index
      %swap3A_2243 = tpu.vector_load %arg11[%swap3A_2242] {strides = array<i32>} : memref<128xi32, #tpu.memory_space<vmem>>, vector<16xi32>,
      %swap3A_2244 = vector.shape_cast %swap3A_2243 : vector<16xi32> to vector<16xi32>
      %swap3A_2245 = vector.shape_cast %add3A_2241 : vector<16xi32> to vector<16xi32>
      tpu.vector_store %arg11[%swap3A_2242], %swap3A_2245 {strides = array<i32>} : memref<128xi32, #tpu.memory_space<vmem>>, vector<16xi32>,
      %mul3A_2246 = arith.constant 4 : i32
      %mul3A_2247 = vector.broadcast %mul3A_2246 : i32 to vector<16xi32>
      %mul3A_2248 = arith.muli %and3A_2226, %mul3A_2247 : vector<16xi32>
      %add3A_2249 = arith.addi %mul3A_2248, %shift_right_logical3A_2211 : vector<16xi32>
      %add3A_2250 = arith.constant 1024 : i32
      %add3A_2251 = vector.broadcast %add3A_2250 : i32 to vector<16xi32>
      %add3A_2252 = arith.addi %add3A_2249, %add3A_2251 : vector<16xi32>
      %swap3A_2253 = arith.constant 48 : index
      %swap3A_2254 = tpu.vector_load %arg12[%swap3A_2253] {strides = array<i32>} : memref<128xi32, #tpu.memory_space<vmem>>, vector<16xi32>,
      %swap3A_2255 = vector.shape_cast %swap3A_2254 : vector<16xi32> to vector<16xi32>
      %swap3A_2256 = vector.shape_cast %add3A_2252 : vector<16xi32> to vector<16xi32>
      tpu.vector_store %arg12[%swap3A_2253], %swap3A_2256 {strides = array<i32>} : memref<128xi32, #tpu.memory_space<vmem>>, vector<16xi32>,
      %get3A_2257 = arith.index_cast %add3A_2048 : i32 to index
      %get3A_2258 = arith.constant 64 : index
      %get3A_2259 = tpu.vector_load %arg6[%get3A_2257, %get3A_2258] {strides = array<i32>} : memref<49x128xi32, #tpu.memory_space<vmem>>, vector<1x16xi32>,
      %get3A_2260 = vector.shape_cast %get3A_2259 : vector<1x16xi32> to vector<16xi32>
      %shift_right_logical3A_2261 = arith.constant 24 : i32
      %shift_right_logical3A_2262 = vector.broadcast %shift_right_logical3A_2261 : i32 to vector<16xi32>
      %shift_right_logical3A_2263 = arith.shrui %get3A_2260, %shift_right_logical3A_2262 : vector<16xi32>
      %and3A_2264 = arith.constant 255 : i32
      %and3A_2265 = vector.broadcast %and3A_2264 : i32 to vector<16xi32>
      %and3A_2266 = arith.andi %get3A_2260, %and3A_2265 : vector<16xi32>
      %shift_right_logical3A_2267 = arith.constant 8 : i32
      %shift_right_logical3A_2268 = vector.broadcast %shift_right_logical3A_2267 : i32 to vector<16xi32>
      %shift_right_logical3A_2269 = arith.shrui %get3A_2260, %shift_right_logical3A_2268 : vector<16xi32>
      %and3A_2270 = arith.constant 255 : i32
      %and3A_2271 = vector.broadcast %and3A_2270 : i32 to vector<16xi32>
      %and3A_2272 = arith.andi %shift_right_logical3A_2269, %and3A_2271 : vector<16xi32>
      %shift_right_logical3A_2273 = arith.constant 16 : i32
      %shift_right_logical3A_2274 = vector.broadcast %shift_right_logical3A_2273 : i32 to vector<16xi32>
      %shift_right_logical3A_2275 = arith.shrui %get3A_2260, %shift_right_logical3A_2274 : vector<16xi32>
      %and3A_2276 = arith.constant 255 : i32
      %and3A_2277 = vector.broadcast %and3A_2276 : i32 to vector<16xi32>
      %and3A_2278 = arith.andi %shift_right_logical3A_2275, %and3A_2277 : vector<16xi32>
      %mul3A_2279 = arith.constant 4 : i32
      %mul3A_2280 = vector.broadcast %mul3A_2279 : i32 to vector<16xi32>
      %mul3A_2281 = arith.muli %and3A_2266, %mul3A_2280 : vector<16xi32>
      %add3A_2282 = arith.addi %mul3A_2281, %shift_right_logical3A_2263 : vector<16xi32>
      %swap3A_2283 = arith.constant 64 : index
      %swap3A_2284 = tpu.vector_load %arg10[%swap3A_2283] {strides = array<i32>} : memref<128xi32, #tpu.memory_space<vmem>>, vector<16xi32>,
      %swap3A_2285 = vector.shape_cast %swap3A_2284 : vector<16xi32> to vector<16xi32>
      %swap3A_2286 = vector.shape_cast %add3A_2282 : vector<16xi32> to vector<16xi32>
      tpu.vector_store %arg10[%swap3A_2283], %swap3A_2286 {strides = array<i32>} : memref<128xi32, #tpu.memory_space<vmem>>, vector<16xi32>,
      %mul3A_2287 = arith.constant 4 : i32
      %mul3A_2288 = vector.broadcast %mul3A_2287 : i32 to vector<16xi32>
      %mul3A_2289 = arith.muli %and3A_2272, %mul3A_2288 : vector<16xi32>
      %add3A_2290 = arith.addi %mul3A_2289, %shift_right_logical3A_2263 : vector<16xi32>
      %add3A_2291 = arith.constant 512 : i32
      %add3A_2292 = vector.broadcast %add3A_2291 : i32 to vector<16xi32>
      %add3A_2293 = arith.addi %add3A_2290, %add3A_2292 : vector<16xi32>
      %swap3A_2294 = arith.constant 64 : index
      %swap3A_2295 = tpu.vector_load %arg11[%swap3A_2294] {strides = array<i32>} : memref<128xi32, #tpu.memory_space<vmem>>, vector<16xi32>,
      %swap3A_2296 = vector.shape_cast %swap3A_2295 : vector<16xi32> to vector<16xi32>
      %swap3A_2297 = vector.shape_cast %add3A_2293 : vector<16xi32> to vector<16xi32>
      tpu.vector_store %arg11[%swap3A_2294], %swap3A_2297 {strides = array<i32>} : memref<128xi32, #tpu.memory_space<vmem>>, vector<16xi32>,
      %mul3A_2298 = arith.constant 4 : i32
      %mul3A_2299 = vector.broadcast %mul3A_2298 : i32 to vector<16xi32>
      %mul3A_2300 = arith.muli %and3A_2278, %mul3A_2299 : vector<16xi32>
      %add3A_2301 = arith.addi %mul3A_2300, %shift_right_logical3A_2263 : vector<16xi32>
      %add3A_2302 = arith.constant 1024 : i32
      %add3A_2303 = vector.broadcast %add3A_2302 : i32 to vector<16xi32>
      %add3A_2304 = arith.addi %add3A_2301, %add3A_2303 : vector<16xi32>
      %swap3A_2305 = arith.constant 64 : index
      %swap3A_2306 = tpu.vector_load %arg12[%swap3A_2305] {strides = array<i32>} : memref<128xi32, #tpu.memory_space<vmem>>, vector<16xi32>,
      %swap3A_2307 = vector.shape_cast %swap3A_2306 : vector<16xi32> to vector<16xi32>
      %swap3A_2308 = vector.shape_cast %add3A_2304 : vector<16xi32> to vector<16xi32>
      tpu.vector_store %arg12[%swap3A_2305], %swap3A_2308 {strides = array<i32>} : memref<128xi32, #tpu.memory_space<vmem>>, vector<16xi32>,
      %get3A_2309 = arith.index_cast %add3A_2048 : i32 to index
      %get3A_2310 = arith.constant 80 : index
      %get3A_2311 = tpu.vector_load %arg6[%get3A_2309, %get3A_2310] {strides = array<i32>} : memref<49x128xi32, #tpu.memory_space<vmem>>, vector<1x16xi32>,
      %get3A_2312 = vector.shape_cast %get3A_2311 : vector<1x16xi32> to vector<16xi32>
      %shift_right_logical3A_2313 = arith.constant 24 : i32
      %shift_right_logical3A_2314 = vector.broadcast %shift_right_logical3A_2313 : i32 to vector<16xi32>
      %shift_right_logical3A_2315 = arith.shrui %get3A_2312, %shift_right_logical3A_2314 : vector<16xi32>
      %and3A_2316 = arith.constant 255 : i32
      %and3A_2317 = vector.broadcast %and3A_2316 : i32 to vector<16xi32>
      %and3A_2318 = arith.andi %get3A_2312, %and3A_2317 : vector<16xi32>
      %shift_right_logical3A_2319 = arith.constant 8 : i32
      %shift_right_logical3A_2320 = vector.broadcast %shift_right_logical3A_2319 : i32 to vector<16xi32>
      %shift_right_logical3A_2321 = arith.shrui %get3A_2312, %shift_right_logical3A_2320 : vector<16xi32>
      %and3A_2322 = arith.constant 255 : i32
      %and3A_2323 = vector.broadcast %and3A_2322 : i32 to vector<16xi32>
      %and3A_2324 = arith.andi %shift_right_logical3A_2321, %and3A_2323 : vector<16xi32>
      %shift_right_logical3A_2325 = arith.constant 16 : i32
      %shift_right_logical3A_2326 = vector.broadcast %shift_right_logical3A_2325 : i32 to vector<16xi32>
      %shift_right_logical3A_2327 = arith.shrui %get3A_2312, %shift_right_logical3A_2326 : vector<16xi32>
      %and3A_2328 = arith.constant 255 : i32
      %and3A_2329 = vector.broadcast %and3A_2328 : i32 to vector<16xi32>
      %and3A_2330 = arith.andi %shift_right_logical3A_2327, %and3A_2329 : vector<16xi32>
      %mul3A_2331 = arith.constant 4 : i32
      %mul3A_2332 = vector.broadcast %mul3A_2331 : i32 to vector<16xi32>
      %mul3A_2333 = arith.muli %and3A_2318, %mul3A_2332 : vector<16xi32>
      %add3A_2334 = arith.addi %mul3A_2333, %shift_right_logical3A_2315 : vector<16xi32>
      %swap3A_2335 = arith.constant 80 : index
      %swap3A_2336 = tpu.vector_load %arg10[%swap3A_2335] {strides = array<i32>} : memref<128xi32, #tpu.memory_space<vmem>>, vector<16xi32>,
      %swap3A_2337 = vector.shape_cast %swap3A_2336 : vector<16xi32> to vector<16xi32>
      %swap3A_2338 = vector.shape_cast %add3A_2334 : vector<16xi32> to vector<16xi32>
      tpu.vector_store %arg10[%swap3A_2335], %swap3A_2338 {strides = array<i32>} : memref<128xi32, #tpu.memory_space<vmem>>, vector<16xi32>,
      %mul3A_2339 = arith.constant 4 : i32
      %mul3A_2340 = vector.broadcast %mul3A_2339 : i32 to vector<16xi32>
      %mul3A_2341 = arith.muli %and3A_2324, %mul3A_2340 : vector<16xi32>
      %add3A_2342 = arith.addi %mul3A_2341, %shift_right_logical3A_2315 : vector<16xi32>
      %add3A_2343 = arith.constant 512 : i32
      %add3A_2344 = vector.broadcast %add3A_2343 : i32 to vector<16xi32>
      %add3A_2345 = arith.addi %add3A_2342, %add3A_2344 : vector<16xi32>
      %swap3A_2346 = arith.constant 80 : index
      %swap3A_2347 = tpu.vector_load %arg11[%swap3A_2346] {strides = array<i32>} : memref<128xi32, #tpu.memory_space<vmem>>, vector<16xi32>,
      %swap3A_2348 = vector.shape_cast %swap3A_2347 : vector<16xi32> to vector<16xi32>
      %swap3A_2349 = vector.shape_cast %add3A_2345 : vector<16xi32> to vector<16xi32>
      tpu.vector_store %arg11[%swap3A_2346], %swap3A_2349 {strides = array<i32>} : memref<128xi32, #tpu.memory_space<vmem>>, vector<16xi32>,
      %mul3A_2350 = arith.constant 4 : i32
      %mul3A_2351 = vector.broadcast %mul3A_2350 : i32 to vector<16xi32>
      %mul3A_2352 = arith.muli %and3A_2330, %mul3A_2351 : vector<16xi32>
      %add3A_2353 = arith.addi %mul3A_2352, %shift_right_logical3A_2315 : vector<16xi32>
      %add3A_2354 = arith.constant 1024 : i32
      %add3A_2355 = vector.broadcast %add3A_2354 : i32 to vector<16xi32>
      %add3A_2356 = arith.addi %add3A_2353, %add3A_2355 : vector<16xi32>
      %swap3A_2357 = arith.constant 80 : index
      %swap3A_2358 = tpu.vector_load %arg12[%swap3A_2357] {strides = array<i32>} : memref<128xi32, #tpu.memory_space<vmem>>, vector<16xi32>,
      %swap3A_2359 = vector.shape_cast %swap3A_2358 : vector<16xi32> to vector<16xi32>
      %swap3A_2360 = vector.shape_cast %add3A_2356 : vector<16xi32> to vector<16xi32>
      tpu.vector_store %arg12[%swap3A_2357], %swap3A_2360 {strides = array<i32>} : memref<128xi32, #tpu.memory_space<vmem>>, vector<16xi32>,
      %get3A_2361 = arith.index_cast %add3A_2048 : i32 to index
      %get3A_2362 = arith.constant 96 : index
      %get3A_2363 = tpu.vector_load %arg6[%get3A_2361, %get3A_2362] {strides = array<i32>} : memref<49x128xi32, #tpu.memory_space<vmem>>, vector<1x16xi32>,
      %get3A_2364 = vector.shape_cast %get3A_2363 : vector<1x16xi32> to vector<16xi32>
      %shift_right_logical3A_2365 = arith.constant 24 : i32
      %shift_right_logical3A_2366 = vector.broadcast %shift_right_logical3A_2365 : i32 to vector<16xi32>
      %shift_right_logical3A_2367 = arith.shrui %get3A_2364, %shift_right_logical3A_2366 : vector<16xi32>
      %and3A_2368 = arith.constant 255 : i32
      %and3A_2369 = vector.broadcast %and3A_2368 : i32 to vector<16xi32>
      %and3A_2370 = arith.andi %get3A_2364, %and3A_2369 : vector<16xi32>
      %shift_right_logical3A_2371 = arith.constant 8 : i32
      %shift_right_logical3A_2372 = vector.broadcast %shift_right_logical3A_2371 : i32 to vector<16xi32>
      %shift_right_logical3A_2373 = arith.shrui %get3A_2364, %shift_right_logical3A_2372 : vector<16xi32>
      %and3A_2374 = arith.constant 255 : i32
      %and3A_2375 = vector.broadcast %and3A_2374 : i32 to vector<16xi32>
      %and3A_2376 = arith.andi %shift_right_logical3A_2373, %and3A_2375 : vector<16xi32>
      %shift_right_logical3A_2377 = arith.constant 16 : i32
      %shift_right_logical3A_2378 = vector.broadcast %shift_right_logical3A_2377 : i32 to vector<16xi32>
      %shift_right_logical3A_2379 = arith.shrui %get3A_2364, %shift_right_logical3A_2378 : vector<16xi32>
      %and3A_2380 = arith.constant 255 : i32
      %and3A_2381 = vector.broadcast %and3A_2380 : i32 to vector<16xi32>
      %and3A_2382 = arith.andi %shift_right_logical3A_2379, %and3A_2381 : vector<16xi32>
      %mul3A_2383 = arith.constant 4 : i32
      %mul3A_2384 = vector.broadcast %mul3A_2383 : i32 to vector<16xi32>
      %mul3A_2385 = arith.muli %and3A_2370, %mul3A_2384 : vector<16xi32>
      %add3A_2386 = arith.addi %mul3A_2385, %shift_right_logical3A_2367 : vector<16xi32>
      %swap3A_2387 = arith.constant 96 : index
      %swap3A_2388 = tpu.vector_load %arg10[%swap3A_2387] {strides = array<i32>} : memref<128xi32, #tpu.memory_space<vmem>>, vector<16xi32>,
      %swap3A_2389 = vector.shape_cast %swap3A_2388 : vector<16xi32> to vector<16xi32>
      %swap3A_2390 = vector.shape_cast %add3A_2386 : vector<16xi32> to vector<16xi32>
      tpu.vector_store %arg10[%swap3A_2387], %swap3A_2390 {strides = array<i32>} : memref<128xi32, #tpu.memory_space<vmem>>, vector<16xi32>,
      %mul3A_2391 = arith.constant 4 : i32
      %mul3A_2392 = vector.broadcast %mul3A_2391 : i32 to vector<16xi32>
      %mul3A_2393 = arith.muli %and3A_2376, %mul3A_2392 : vector<16xi32>
      %add3A_2394 = arith.addi %mul3A_2393, %shift_right_logical3A_2367 : vector<16xi32>
      %add3A_2395 = arith.constant 512 : i32
      %add3A_2396 = vector.broadcast %add3A_2395 : i32 to vector<16xi32>
      %add3A_2397 = arith.addi %add3A_2394, %add3A_2396 : vector<16xi32>
      %swap3A_2398 = arith.constant 96 : index
      %swap3A_2399 = tpu.vector_load %arg11[%swap3A_2398] {strides = array<i32>} : memref<128xi32, #tpu.memory_space<vmem>>, vector<16xi32>,
      %swap3A_2400 = vector.shape_cast %swap3A_2399 : vector<16xi32> to vector<16xi32>
      %swap3A_2401 = vector.shape_cast %add3A_2397 : vector<16xi32> to vector<16xi32>
      tpu.vector_store %arg11[%swap3A_2398], %swap3A_2401 {strides = array<i32>} : memref<128xi32, #tpu.memory_space<vmem>>, vector<16xi32>,
      %mul3A_2402 = arith.constant 4 : i32
      %mul3A_2403 = vector.broadcast %mul3A_2402 : i32 to vector<16xi32>
      %mul3A_2404 = arith.muli %and3A_2382, %mul3A_2403 : vector<16xi32>
      %add3A_2405 = arith.addi %mul3A_2404, %shift_right_logical3A_2367 : vector<16xi32>
      %add3A_2406 = arith.constant 1024 : i32
      %add3A_2407 = vector.broadcast %add3A_2406 : i32 to vector<16xi32>
      %add3A_2408 = arith.addi %add3A_2405, %add3A_2407 : vector<16xi32>
      %swap3A_2409 = arith.constant 96 : index
      %swap3A_2410 = tpu.vector_load %arg12[%swap3A_2409] {strides = array<i32>} : memref<128xi32, #tpu.memory_space<vmem>>, vector<16xi32>,
      %swap3A_2411 = vector.shape_cast %swap3A_2410 : vector<16xi32> to vector<16xi32>
      %swap3A_2412 = vector.shape_cast %add3A_2408 : vector<16xi32> to vector<16xi32>
      tpu.vector_store %arg12[%swap3A_2409], %swap3A_2412 {strides = array<i32>} : memref<128xi32, #tpu.memory_space<vmem>>, vector<16xi32>,
      %get3A_2413 = arith.index_cast %add3A_2048 : i32 to index
      %get3A_2414 = arith.constant 112 : index
      %get3A_2415 = tpu.vector_load %arg6[%get3A_2413, %get3A_2414] {strides = array<i32>} : memref<49x128xi32, #tpu.memory_space<vmem>>, vector<1x16xi32>,
      %get3A_2416 = vector.shape_cast %get3A_2415 : vector<1x16xi32> to vector<16xi32>
      %shift_right_logical3A_2417 = arith.constant 24 : i32
      %shift_right_logical3A_2418 = vector.broadcast %shift_right_logical3A_2417 : i32 to vector<16xi32>
      %shift_right_logical3A_2419 = arith.shrui %get3A_2416, %shift_right_logical3A_2418 : vector<16xi32>
      %and3A_2420 = arith.constant 255 : i32
      %and3A_2421 = vector.broadcast %and3A_2420 : i32 to vector<16xi32>
      %and3A_2422 = arith.andi %get3A_2416, %and3A_2421 : vector<16xi32>
      %shift_right_logical3A_2423 = arith.constant 8 : i32
      %shift_right_logical3A_2424 = vector.broadcast %shift_right_logical3A_2423 : i32 to vector<16xi32>
      %shift_right_logical3A_2425 = arith.shrui %get3A_2416, %shift_right_logical3A_2424 : vector<16xi32>
      %and3A_2426 = arith.constant 255 : i32
      %and3A_2427 = vector.broadcast %and3A_2426 : i32 to vector<16xi32>
      %and3A_2428 = arith.andi %shift_right_logical3A_2425, %and3A_2427 : vector<16xi32>
      %shift_right_logical3A_2429 = arith.constant 16 : i32
      %shift_right_logical3A_2430 = vector.broadcast %shift_right_logical3A_2429 : i32 to vector<16xi32>
      %shift_right_logical3A_2431 = arith.shrui %get3A_2416, %shift_right_logical3A_2430 : vector<16xi32>
      %and3A_2432 = arith.constant 255 : i32
      %and3A_2433 = vector.broadcast %and3A_2432 : i32 to vector<16xi32>
      %and3A_2434 = arith.andi %shift_right_logical3A_2431, %and3A_2433 : vector<16xi32>
      %mul3A_2435 = arith.constant 4 : i32
      %mul3A_2436 = vector.broadcast %mul3A_2435 : i32 to vector<16xi32>
      %mul3A_2437 = arith.muli %and3A_2422, %mul3A_2436 : vector<16xi32>
      %add3A_2438 = arith.addi %mul3A_2437, %shift_right_logical3A_2419 : vector<16xi32>
      %swap3A_2439 = arith.constant 112 : index
      %swap3A_2440 = tpu.vector_load %arg10[%swap3A_2439] {strides = array<i32>} : memref<128xi32, #tpu.memory_space<vmem>>, vector<16xi32>,
      %swap3A_2441 = vector.shape_cast %swap3A_2440 : vector<16xi32> to vector<16xi32>
      %swap3A_2442 = vector.shape_cast %add3A_2438 : vector<16xi32> to vector<16xi32>
      tpu.vector_store %arg10[%swap3A_2439], %swap3A_2442 {strides = array<i32>} : memref<128xi32, #tpu.memory_space<vmem>>, vector<16xi32>,
      %mul3A_2443 = arith.constant 4 : i32
      %mul3A_2444 = vector.broadcast %mul3A_2443 : i32 to vector<16xi32>
      %mul3A_2445 = arith.muli %and3A_2428, %mul3A_2444 : vector<16xi32>
      %add3A_2446 = arith.addi %mul3A_2445, %shift_right_logical3A_2419 : vector<16xi32>
      %add3A_2447 = arith.constant 512 : i32
      %add3A_2448 = vector.broadcast %add3A_2447 : i32 to vector<16xi32>
      %add3A_2449 = arith.addi %add3A_2446, %add3A_2448 : vector<16xi32>
      %swap3A_2450 = arith.constant 112 : index
      %swap3A_2451 = tpu.vector_load %arg11[%swap3A_2450] {strides = array<i32>} : memref<128xi32, #tpu.memory_space<vmem>>, vector<16xi32>,
      %swap3A_2452 = vector.shape_cast %swap3A_2451 : vector<16xi32> to vector<16xi32>
      %swap3A_2453 = vector.shape_cast %add3A_2449 : vector<16xi32> to vector<16xi32>
      tpu.vector_store %arg11[%swap3A_2450], %swap3A_2453 {strides = array<i32>} : memref<128xi32, #tpu.memory_space<vmem>>, vector<16xi32>,
      %mul3A_2454 = arith.constant 4 : i32
      %mul3A_2455 = vector.broadcast %mul3A_2454 : i32 to vector<16xi32>
      %mul3A_2456 = arith.muli %and3A_2434, %mul3A_2455 : vector<16xi32>
      %add3A_2457 = arith.addi %mul3A_2456, %shift_right_logical3A_2419 : vector<16xi32>
      %add3A_2458 = arith.constant 1024 : i32
      %add3A_2459 = vector.broadcast %add3A_2458 : i32 to vector<16xi32>
      %add3A_2460 = arith.addi %add3A_2457, %add3A_2459 : vector<16xi32>
      %swap3A_2461 = arith.constant 112 : index
      %swap3A_2462 = tpu.vector_load %arg12[%swap3A_2461] {strides = array<i32>} : memref<128xi32, #tpu.memory_space<vmem>>, vector<16xi32>,
      %swap3A_2463 = vector.shape_cast %swap3A_2462 : vector<16xi32> to vector<16xi32>
      %swap3A_2464 = vector.shape_cast %add3A_2460 : vector<16xi32> to vector<16xi32>
      tpu.vector_store %arg12[%swap3A_2461], %swap3A_2464 {strides = array<i32>} : memref<128xi32, #tpu.memory_space<vmem>>, vector<16xi32>,
      %dma_start3A_2465 = arith.constant 0 : i32
      %dma_start3A_2466 = arith.constant 0 : i32
      %dma_start3A_2467 = tpu.memref_slice %arg5[%dma_start3A_2465, %dma_start3A_2466] : memref<1536x128xf32, #tpu.memory_space<vmem_shared>> -> memref<1536x128xf32, #tpu.memory_space<vmem_shared>>
      tpu.enqueue_indirect_dma source(%dma_start3A_2467 : memref<1536x128xf32, #tpu.memory_space<vmem_shared>>) target(%arg16 : memref<128x128xf32, #tpu.memory_space<vmem>>) offsets(%arg10 : memref<128xi32, #tpu.memory_space<vmem>>) semaphore(%arg23 : memref<!tpu.dma_semaphore, #tpu.memory_space<semaphore_mem>>)
      %dma_start3A_2468 = arith.constant 0 : i32
      %dma_start3A_2469 = arith.constant 0 : i32
      %dma_start3A_2470 = tpu.memref_slice %arg5[%dma_start3A_2468, %dma_start3A_2469] : memref<1536x128xf32, #tpu.memory_space<vmem_shared>> -> memref<1536x128xf32, #tpu.memory_space<vmem_shared>>
      tpu.enqueue_indirect_dma source(%dma_start3A_2470 : memref<1536x128xf32, #tpu.memory_space<vmem_shared>>) target(%arg17 : memref<128x128xf32, #tpu.memory_space<vmem>>) offsets(%arg11 : memref<128xi32, #tpu.memory_space<vmem>>) semaphore(%arg24 : memref<!tpu.dma_semaphore, #tpu.memory_space<semaphore_mem>>)
      %dma_start3A_2471 = arith.constant 0 : i32
      %dma_start3A_2472 = arith.constant 0 : i32
      %dma_start3A_2473 = tpu.memref_slice %arg5[%dma_start3A_2471, %dma_start3A_2472] : memref<1536x128xf32, #tpu.memory_space<vmem_shared>> -> memref<1536x128xf32, #tpu.memory_space<vmem_shared>>
      tpu.enqueue_indirect_dma source(%dma_start3A_2473 : memref<1536x128xf32, #tpu.memory_space<vmem_shared>>) target(%arg18 : memref<128x128xf32, #tpu.memory_space<vmem>>) offsets(%arg12 : memref<128xi32, #tpu.memory_space<vmem>>) semaphore(%arg25 : memref<!tpu.dma_semaphore, #tpu.memory_space<semaphore_mem>>)
      %add3A_2474 = arith.constant 1 : i32
      %add3A_2475 = arith.addi %mul3A_1521, %add3A_2474 : i32
      %mul3A_2476 = arith.constant 49 : i32
      %mul3A_2477 = arith.muli %add3A, %mul3A_2476 : i32
      %add3A_2478 = arith.addi %mul3A_2477, %add3A_2475 : i32
      %min3A_2479 = arith.constant 1562 : i32
      %min3A_2480 = arith.minsi %add3A_2478, %min3A_2479 : i32
      %mul3A_2481 = arith.constant 128 : i32
      %mul3A_2482 = arith.muli %min3A_2480, %mul3A_2481 : i32
      %eq3A_2483 = arith.constant 1562 : i32
      %eq3A_2484 = arith.cmpi eq, %add3A_2478, %eq3A_2483 : i32
      %jit3A_2485 = arith.constant 64 : i32
      %jit3A_2486 = arith.constant 0 : i32
      %select_n3A_2487 = arith.select %eq3A_2484, %jit3A_2485, %jit3A_2486 : i32
      %sub3A_2488 = arith.subi %mul3A_2482, %select_n3A_2487 : i32
      %gt3A_2489 = arith.constant 1562 : i32
      %gt3A_2490 = arith.cmpi sgt, %add3A_2478, %gt3A_2489 : i32
      %jit3A_2491 = arith.constant 0 : i32
      %select_n3A_2492 = arith.select %gt3A_2490, %jit3A_2491, %sub3A_2488 : i32
      %dma_wait3A_2493 = arith.constant 0 : i32
      %dma_wait3A_2494 = arith.constant 0 : i32
      %dma_wait3A_2495 = tpu.memref_slice %arg5[%dma_wait3A_2493, %dma_wait3A_2494] : memref<1536x128xf32, #tpu.memory_space<vmem_shared>> -> memref<1536x128xf32, #tpu.memory_space<vmem_shared>>
      tpu.wait_indirect_dma semaphore(%arg23 : memref<!tpu.dma_semaphore, #tpu.memory_space<semaphore_mem>>) src(%dma_wait3A_2495 : memref<1536x128xf32, #tpu.memory_space<vmem_shared>>) dst(%arg16 : memref<128x128xf32, #tpu.memory_space<vmem>>)
      %dma_start3A_2496 = arith.constant 0 : i32
      %dma_start3A_2497 = tpu.memref_slice %arg4[%select_n3A_2492, %dma_start3A_2496] : memref<200000x384xf32, #tpu.memory_space<hbm>> -> memref<128x128xf32, #tpu.memory_space<hbm>>
      %dma_start3A_2498 = arith.constant 0 : i32
      %dma_start3A_2499 = tpu.memref_slice %arg4[%select_n3A_2492, %dma_start3A_2498] : memref<200000x384xf32, #tpu.memory_space<hbm>> -> memref<128x128xf32, #tpu.memory_space<hbm>>
      tpu.enqueue_dma source(%arg16 : memref<128x128xf32, #tpu.memory_space<vmem>>) target(%dma_start3A_2499 : memref<128x128xf32, #tpu.memory_space<hbm>>) target_semaphore(%arg27 : memref<!tpu.dma_semaphore, #tpu.memory_space<semaphore_mem>>)
      %dma_wait3A_2500 = arith.constant 0 : i32
      %dma_wait3A_2501 = arith.constant 0 : i32
      %dma_wait3A_2502 = tpu.memref_slice %arg5[%dma_wait3A_2500, %dma_wait3A_2501] : memref<1536x128xf32, #tpu.memory_space<vmem_shared>> -> memref<1536x128xf32, #tpu.memory_space<vmem_shared>>
      tpu.wait_indirect_dma semaphore(%arg24 : memref<!tpu.dma_semaphore, #tpu.memory_space<semaphore_mem>>) src(%dma_wait3A_2502 : memref<1536x128xf32, #tpu.memory_space<vmem_shared>>) dst(%arg17 : memref<128x128xf32, #tpu.memory_space<vmem>>)
      %dma_start3A_2503 = arith.constant 128 : i32
      %dma_start3A_2504 = tpu.memref_slice %arg4[%select_n3A_2492, %dma_start3A_2503] : memref<200000x384xf32, #tpu.memory_space<hbm>> -> memref<128x128xf32, #tpu.memory_space<hbm>>
      %dma_start3A_2505 = arith.constant 128 : i32
      %dma_start3A_2506 = tpu.memref_slice %arg4[%select_n3A_2492, %dma_start3A_2505] : memref<200000x384xf32, #tpu.memory_space<hbm>> -> memref<128x128xf32, #tpu.memory_space<hbm>>
      tpu.enqueue_dma source(%arg17 : memref<128x128xf32, #tpu.memory_space<vmem>>) target(%dma_start3A_2506 : memref<128x128xf32, #tpu.memory_space<hbm>>) target_semaphore(%arg27 : memref<!tpu.dma_semaphore, #tpu.memory_space<semaphore_mem>>)
      %dma_wait3A_2507 = arith.constant 0 : i32
      %dma_wait3A_2508 = arith.constant 0 : i32
      %dma_wait3A_2509 = tpu.memref_slice %arg5[%dma_wait3A_2507, %dma_wait3A_2508] : memref<1536x128xf32, #tpu.memory_space<vmem_shared>> -> memref<1536x128xf32, #tpu.memory_space<vmem_shared>>
      tpu.wait_indirect_dma semaphore(%arg25 : memref<!tpu.dma_semaphore, #tpu.memory_space<semaphore_mem>>) src(%dma_wait3A_2509 : memref<1536x128xf32, #tpu.memory_space<vmem_shared>>) dst(%arg18 : memref<128x128xf32, #tpu.memory_space<vmem>>)
      %dma_start3A_2510 = arith.constant 256 : i32
      %dma_start3A_2511 = tpu.memref_slice %arg4[%select_n3A_2492, %dma_start3A_2510] : memref<200000x384xf32, #tpu.memory_space<hbm>> -> memref<128x128xf32, #tpu.memory_space<hbm>>
      %dma_start3A_2512 = arith.constant 256 : i32
      %dma_start3A_2513 = tpu.memref_slice %arg4[%select_n3A_2492, %dma_start3A_2512] : memref<200000x384xf32, #tpu.memory_space<hbm>> -> memref<128x128xf32, #tpu.memory_space<hbm>>
      tpu.enqueue_dma source(%arg18 : memref<128x128xf32, #tpu.memory_space<vmem>>) target(%dma_start3A_2513 : memref<128x128xf32, #tpu.memory_space<hbm>>) target_semaphore(%arg27 : memref<!tpu.dma_semaphore, #tpu.memory_space<semaphore_mem>>)
    }
    %scan3A_956 = arith.constant 23 : i32
    %mul3A_957 = arith.constant 49 : i32
    %mul3A_958 = arith.muli %add3A, %mul3A_957 : i32
    %add3A_959 = arith.constant 46 : i32
    %add3A_960 = arith.addi %mul3A_958, %add3A_959 : i32
    %min3A_961 = arith.constant 1562 : i32
    %min3A_962 = arith.minsi %add3A_960, %min3A_961 : i32
    %mul3A_963 = arith.constant 128 : i32
    %mul3A_964 = arith.muli %min3A_962, %mul3A_963 : i32
    %eq3A_965 = arith.constant 1562 : i32
    %eq3A_966 = arith.cmpi eq, %add3A_960, %eq3A_965 : i32
    %jit3A_967 = arith.constant 64 : i32
    %jit3A_968 = arith.constant 0 : i32
    %select_n3A_969 = arith.select %eq3A_966, %jit3A_967, %jit3A_968 : i32
    %sub3A_970 = arith.subi %mul3A_964, %select_n3A_969 : i32
    %gt3A_971 = arith.constant 1562 : i32
    %gt3A_972 = arith.cmpi sgt, %add3A_960, %gt3A_971 : i32
    %jit3A_973 = arith.constant 0 : i32
    %select_n3A_974 = arith.select %gt3A_972, %jit3A_973, %sub3A_970 : i32
    %dma_wait3A_975 = arith.constant 0 : i32
    %dma_wait3A_976 = tpu.memref_slice %arg4[%select_n3A_974, %dma_wait3A_975] : memref<200000x384xf32, #tpu.memory_space<hbm>> -> memref<128x128xf32, #tpu.memory_space<hbm>>
    %dma_wait3A_977 = arith.constant 0 : i32
    %dma_wait3A_978 = tpu.memref_slice %arg4[%select_n3A_974, %dma_wait3A_977] : memref<200000x384xf32, #tpu.memory_space<hbm>> -> memref<128x128xf32, #tpu.memory_space<hbm>>
    tpu.wait_dma2 semaphore(%arg26 : memref<!tpu.dma_semaphore, #tpu.memory_space<semaphore_mem>>) src(%arg13 : memref<128x128xf32, #tpu.memory_space<vmem>>) dst(%dma_wait3A_978 : memref<128x128xf32, #tpu.memory_space<hbm>>)
    %dma_wait3A_979 = arith.constant 128 : i32
    %dma_wait3A_980 = tpu.memref_slice %arg4[%select_n3A_974, %dma_wait3A_979] : memref<200000x384xf32, #tpu.memory_space<hbm>> -> memref<128x128xf32, #tpu.memory_space<hbm>>
    %dma_wait3A_981 = arith.constant 128 : i32
    %dma_wait3A_982 = tpu.memref_slice %arg4[%select_n3A_974, %dma_wait3A_981] : memref<200000x384xf32, #tpu.memory_space<hbm>> -> memref<128x128xf32, #tpu.memory_space<hbm>>
    tpu.wait_dma2 semaphore(%arg26 : memref<!tpu.dma_semaphore, #tpu.memory_space<semaphore_mem>>) src(%arg14 : memref<128x128xf32, #tpu.memory_space<vmem>>) dst(%dma_wait3A_982 : memref<128x128xf32, #tpu.memory_space<hbm>>)
    %dma_wait3A_983 = arith.constant 256 : i32
    %dma_wait3A_984 = tpu.memref_slice %arg4[%select_n3A_974, %dma_wait3A_983] : memref<200000x384xf32, #tpu.memory_space<hbm>> -> memref<128x128xf32, #tpu.memory_space<hbm>>
    %dma_wait3A_985 = arith.constant 256 : i32
    %dma_wait3A_986 = tpu.memref_slice %arg4[%select_n3A_974, %dma_wait3A_985] : memref<200000x384xf32, #tpu.memory_space<hbm>> -> memref<128x128xf32, #tpu.memory_space<hbm>>
    tpu.wait_dma2 semaphore(%arg26 : memref<!tpu.dma_semaphore, #tpu.memory_space<semaphore_mem>>) src(%arg15 : memref<128x128xf32, #tpu.memory_space<vmem>>) dst(%dma_wait3A_986 : memref<128x128xf32, #tpu.memory_space<hbm>>)
    %get3A_987 = arith.constant 48 : i32
    %get3A_988 = arith.index_cast %get3A_987 : i32 to index
    %get3A_989 = arith.constant 0 : index
    %get3A_990 = tpu.vector_load %arg6[%get3A_988, %get3A_989] {strides = array<i32>} : memref<49x128xi32, #tpu.memory_space<vmem>>, vector<1x16xi32>,
    %get3A_991 = vector.shape_cast %get3A_990 : vector<1x16xi32> to vector<16xi32>
    %shift_right_logical3A_992 = arith.constant 24 : i32
    %shift_right_logical3A_993 = vector.broadcast %shift_right_logical3A_992 : i32 to vector<16xi32>
    %shift_right_logical3A_994 = arith.shrui %get3A_991, %shift_right_logical3A_993 : vector<16xi32>
    %and3A_995 = arith.constant 255 : i32
    %and3A_996 = vector.broadcast %and3A_995 : i32 to vector<16xi32>
    %and3A_997 = arith.andi %get3A_991, %and3A_996 : vector<16xi32>
    %shift_right_logical3A_998 = arith.constant 8 : i32
    %shift_right_logical3A_999 = vector.broadcast %shift_right_logical3A_998 : i32 to vector<16xi32>
    %shift_right_logical3A_1000 = arith.shrui %get3A_991, %shift_right_logical3A_999 : vector<16xi32>
    %and3A_1001 = arith.constant 255 : i32
    %and3A_1002 = vector.broadcast %and3A_1001 : i32 to vector<16xi32>
    %and3A_1003 = arith.andi %shift_right_logical3A_1000, %and3A_1002 : vector<16xi32>
    %shift_right_logical3A_1004 = arith.constant 16 : i32
    %shift_right_logical3A_1005 = vector.broadcast %shift_right_logical3A_1004 : i32 to vector<16xi32>
    %shift_right_logical3A_1006 = arith.shrui %get3A_991, %shift_right_logical3A_1005 : vector<16xi32>
    %and3A_1007 = arith.constant 255 : i32
    %and3A_1008 = vector.broadcast %and3A_1007 : i32 to vector<16xi32>
    %and3A_1009 = arith.andi %shift_right_logical3A_1006, %and3A_1008 : vector<16xi32>
    %mul3A_1010 = arith.constant 4 : i32
    %mul3A_1011 = vector.broadcast %mul3A_1010 : i32 to vector<16xi32>
    %mul3A_1012 = arith.muli %and3A_997, %mul3A_1011 : vector<16xi32>
    %add3A_1013 = arith.addi %mul3A_1012, %shift_right_logical3A_994 : vector<16xi32>
    %swap3A_1014 = arith.constant 0 : index
    %swap3A_1015 = tpu.vector_load %arg7[%swap3A_1014] {strides = array<i32>} : memref<128xi32, #tpu.memory_space<vmem>>, vector<16xi32>,
    %swap3A_1016 = vector.shape_cast %swap3A_1015 : vector<16xi32> to vector<16xi32>
    %swap3A_1017 = vector.shape_cast %add3A_1013 : vector<16xi32> to vector<16xi32>
    tpu.vector_store %arg7[%swap3A_1014], %swap3A_1017 {strides = array<i32>} : memref<128xi32, #tpu.memory_space<vmem>>, vector<16xi32>,
    %mul3A_1018 = arith.constant 4 : i32
    %mul3A_1019 = vector.broadcast %mul3A_1018 : i32 to vector<16xi32>
    %mul3A_1020 = arith.muli %and3A_1003, %mul3A_1019 : vector<16xi32>
    %add3A_1021 = arith.addi %mul3A_1020, %shift_right_logical3A_994 : vector<16xi32>
    %add3A_1022 = arith.constant 512 : i32
    %add3A_1023 = vector.broadcast %add3A_1022 : i32 to vector<16xi32>
    %add3A_1024 = arith.addi %add3A_1021, %add3A_1023 : vector<16xi32>
    %swap3A_1025 = arith.constant 0 : index
    %swap3A_1026 = tpu.vector_load %arg8[%swap3A_1025] {strides = array<i32>} : memref<128xi32, #tpu.memory_space<vmem>>, vector<16xi32>,
    %swap3A_1027 = vector.shape_cast %swap3A_1026 : vector<16xi32> to vector<16xi32>
    %swap3A_1028 = vector.shape_cast %add3A_1024 : vector<16xi32> to vector<16xi32>
    tpu.vector_store %arg8[%swap3A_1025], %swap3A_1028 {strides = array<i32>} : memref<128xi32, #tpu.memory_space<vmem>>, vector<16xi32>,
    %mul3A_1029 = arith.constant 4 : i32
    %mul3A_1030 = vector.broadcast %mul3A_1029 : i32 to vector<16xi32>
    %mul3A_1031 = arith.muli %and3A_1009, %mul3A_1030 : vector<16xi32>
    %add3A_1032 = arith.addi %mul3A_1031, %shift_right_logical3A_994 : vector<16xi32>
    %add3A_1033 = arith.constant 1024 : i32
    %add3A_1034 = vector.broadcast %add3A_1033 : i32 to vector<16xi32>
    %add3A_1035 = arith.addi %add3A_1032, %add3A_1034 : vector<16xi32>
    %swap3A_1036 = arith.constant 0 : index
    %swap3A_1037 = tpu.vector_load %arg9[%swap3A_1036] {strides = array<i32>} : memref<128xi32, #tpu.memory_space<vmem>>, vector<16xi32>,
    %swap3A_1038 = vector.shape_cast %swap3A_1037 : vector<16xi32> to vector<16xi32>
    %swap3A_1039 = vector.shape_cast %add3A_1035 : vector<16xi32> to vector<16xi32>
    tpu.vector_store %arg9[%swap3A_1036], %swap3A_1039 {strides = array<i32>} : memref<128xi32, #tpu.memory_space<vmem>>, vector<16xi32>,
    %get3A_1040 = arith.constant 48 : i32
    %get3A_1041 = arith.index_cast %get3A_1040 : i32 to index
    %get3A_1042 = arith.constant 16 : index
    %get3A_1043 = tpu.vector_load %arg6[%get3A_1041, %get3A_1042] {strides = array<i32>} : memref<49x128xi32, #tpu.memory_space<vmem>>, vector<1x16xi32>,
    %get3A_1044 = vector.shape_cast %get3A_1043 : vector<1x16xi32> to vector<16xi32>
    %shift_right_logical3A_1045 = arith.constant 24 : i32
    %shift_right_logical3A_1046 = vector.broadcast %shift_right_logical3A_1045 : i32 to vector<16xi32>
    %shift_right_logical3A_1047 = arith.shrui %get3A_1044, %shift_right_logical3A_1046 : vector<16xi32>
    %and3A_1048 = arith.constant 255 : i32
    %and3A_1049 = vector.broadcast %and3A_1048 : i32 to vector<16xi32>
    %and3A_1050 = arith.andi %get3A_1044, %and3A_1049 : vector<16xi32>
    %shift_right_logical3A_1051 = arith.constant 8 : i32
    %shift_right_logical3A_1052 = vector.broadcast %shift_right_logical3A_1051 : i32 to vector<16xi32>
    %shift_right_logical3A_1053 = arith.shrui %get3A_1044, %shift_right_logical3A_1052 : vector<16xi32>
    %and3A_1054 = arith.constant 255 : i32
    %and3A_1055 = vector.broadcast %and3A_1054 : i32 to vector<16xi32>
    %and3A_1056 = arith.andi %shift_right_logical3A_1053, %and3A_1055 : vector<16xi32>
    %shift_right_logical3A_1057 = arith.constant 16 : i32
    %shift_right_logical3A_1058 = vector.broadcast %shift_right_logical3A_1057 : i32 to vector<16xi32>
    %shift_right_logical3A_1059 = arith.shrui %get3A_1044, %shift_right_logical3A_1058 : vector<16xi32>
    %and3A_1060 = arith.constant 255 : i32
    %and3A_1061 = vector.broadcast %and3A_1060 : i32 to vector<16xi32>
    %and3A_1062 = arith.andi %shift_right_logical3A_1059, %and3A_1061 : vector<16xi32>
    %mul3A_1063 = arith.constant 4 : i32
    %mul3A_1064 = vector.broadcast %mul3A_1063 : i32 to vector<16xi32>
    %mul3A_1065 = arith.muli %and3A_1050, %mul3A_1064 : vector<16xi32>
    %add3A_1066 = arith.addi %mul3A_1065, %shift_right_logical3A_1047 : vector<16xi32>
    %swap3A_1067 = arith.constant 16 : index
    %swap3A_1068 = tpu.vector_load %arg7[%swap3A_1067] {strides = array<i32>} : memref<128xi32, #tpu.memory_space<vmem>>, vector<16xi32>,
    %swap3A_1069 = vector.shape_cast %swap3A_1068 : vector<16xi32> to vector<16xi32>
    %swap3A_1070 = vector.shape_cast %add3A_1066 : vector<16xi32> to vector<16xi32>
    tpu.vector_store %arg7[%swap3A_1067], %swap3A_1070 {strides = array<i32>} : memref<128xi32, #tpu.memory_space<vmem>>, vector<16xi32>,
    %mul3A_1071 = arith.constant 4 : i32
    %mul3A_1072 = vector.broadcast %mul3A_1071 : i32 to vector<16xi32>
    %mul3A_1073 = arith.muli %and3A_1056, %mul3A_1072 : vector<16xi32>
    %add3A_1074 = arith.addi %mul3A_1073, %shift_right_logical3A_1047 : vector<16xi32>
    %add3A_1075 = arith.constant 512 : i32
    %add3A_1076 = vector.broadcast %add3A_1075 : i32 to vector<16xi32>
    %add3A_1077 = arith.addi %add3A_1074, %add3A_1076 : vector<16xi32>
    %swap3A_1078 = arith.constant 16 : index
    %swap3A_1079 = tpu.vector_load %arg8[%swap3A_1078] {strides = array<i32>} : memref<128xi32, #tpu.memory_space<vmem>>, vector<16xi32>,
    %swap3A_1080 = vector.shape_cast %swap3A_1079 : vector<16xi32> to vector<16xi32>
    %swap3A_1081 = vector.shape_cast %add3A_1077 : vector<16xi32> to vector<16xi32>
    tpu.vector_store %arg8[%swap3A_1078], %swap3A_1081 {strides = array<i32>} : memref<128xi32, #tpu.memory_space<vmem>>, vector<16xi32>,
    %mul3A_1082 = arith.constant 4 : i32
    %mul3A_1083 = vector.broadcast %mul3A_1082 : i32 to vector<16xi32>
    %mul3A_1084 = arith.muli %and3A_1062, %mul3A_1083 : vector<16xi32>
    %add3A_1085 = arith.addi %mul3A_1084, %shift_right_logical3A_1047 : vector<16xi32>
    %add3A_1086 = arith.constant 1024 : i32
    %add3A_1087 = vector.broadcast %add3A_1086 : i32 to vector<16xi32>
    %add3A_1088 = arith.addi %add3A_1085, %add3A_1087 : vector<16xi32>
    %swap3A_1089 = arith.constant 16 : index
    %swap3A_1090 = tpu.vector_load %arg9[%swap3A_1089] {strides = array<i32>} : memref<128xi32, #tpu.memory_space<vmem>>, vector<16xi32>,
    %swap3A_1091 = vector.shape_cast %swap3A_1090 : vector<16xi32> to vector<16xi32>
    %swap3A_1092 = vector.shape_cast %add3A_1088 : vector<16xi32> to vector<16xi32>
    tpu.vector_store %arg9[%swap3A_1089], %swap3A_1092 {strides = array<i32>} : memref<128xi32, #tpu.memory_space<vmem>>, vector<16xi32>,
    %get3A_1093 = arith.constant 48 : i32
    %get3A_1094 = arith.index_cast %get3A_1093 : i32 to index
    %get3A_1095 = arith.constant 32 : index
    %get3A_1096 = tpu.vector_load %arg6[%get3A_1094, %get3A_1095] {strides = array<i32>} : memref<49x128xi32, #tpu.memory_space<vmem>>, vector<1x16xi32>,
    %get3A_1097 = vector.shape_cast %get3A_1096 : vector<1x16xi32> to vector<16xi32>
    %shift_right_logical3A_1098 = arith.constant 24 : i32
    %shift_right_logical3A_1099 = vector.broadcast %shift_right_logical3A_1098 : i32 to vector<16xi32>
    %shift_right_logical3A_1100 = arith.shrui %get3A_1097, %shift_right_logical3A_1099 : vector<16xi32>
    %and3A_1101 = arith.constant 255 : i32
    %and3A_1102 = vector.broadcast %and3A_1101 : i32 to vector<16xi32>
    %and3A_1103 = arith.andi %get3A_1097, %and3A_1102 : vector<16xi32>
    %shift_right_logical3A_1104 = arith.constant 8 : i32
    %shift_right_logical3A_1105 = vector.broadcast %shift_right_logical3A_1104 : i32 to vector<16xi32>
    %shift_right_logical3A_1106 = arith.shrui %get3A_1097, %shift_right_logical3A_1105 : vector<16xi32>
    %and3A_1107 = arith.constant 255 : i32
    %and3A_1108 = vector.broadcast %and3A_1107 : i32 to vector<16xi32>
    %and3A_1109 = arith.andi %shift_right_logical3A_1106, %and3A_1108 : vector<16xi32>
    %shift_right_logical3A_1110 = arith.constant 16 : i32
    %shift_right_logical3A_1111 = vector.broadcast %shift_right_logical3A_1110 : i32 to vector<16xi32>
    %shift_right_logical3A_1112 = arith.shrui %get3A_1097, %shift_right_logical3A_1111 : vector<16xi32>
    %and3A_1113 = arith.constant 255 : i32
    %and3A_1114 = vector.broadcast %and3A_1113 : i32 to vector<16xi32>
    %and3A_1115 = arith.andi %shift_right_logical3A_1112, %and3A_1114 : vector<16xi32>
    %mul3A_1116 = arith.constant 4 : i32
    %mul3A_1117 = vector.broadcast %mul3A_1116 : i32 to vector<16xi32>
    %mul3A_1118 = arith.muli %and3A_1103, %mul3A_1117 : vector<16xi32>
    %add3A_1119 = arith.addi %mul3A_1118, %shift_right_logical3A_1100 : vector<16xi32>
    %swap3A_1120 = arith.constant 32 : index
    %swap3A_1121 = tpu.vector_load %arg7[%swap3A_1120] {strides = array<i32>} : memref<128xi32, #tpu.memory_space<vmem>>, vector<16xi32>,
    %swap3A_1122 = vector.shape_cast %swap3A_1121 : vector<16xi32> to vector<16xi32>
    %swap3A_1123 = vector.shape_cast %add3A_1119 : vector<16xi32> to vector<16xi32>
    tpu.vector_store %arg7[%swap3A_1120], %swap3A_1123 {strides = array<i32>} : memref<128xi32, #tpu.memory_space<vmem>>, vector<16xi32>,
    %mul3A_1124 = arith.constant 4 : i32
    %mul3A_1125 = vector.broadcast %mul3A_1124 : i32 to vector<16xi32>
    %mul3A_1126 = arith.muli %and3A_1109, %mul3A_1125 : vector<16xi32>
    %add3A_1127 = arith.addi %mul3A_1126, %shift_right_logical3A_1100 : vector<16xi32>
    %add3A_1128 = arith.constant 512 : i32
    %add3A_1129 = vector.broadcast %add3A_1128 : i32 to vector<16xi32>
    %add3A_1130 = arith.addi %add3A_1127, %add3A_1129 : vector<16xi32>
    %swap3A_1131 = arith.constant 32 : index
    %swap3A_1132 = tpu.vector_load %arg8[%swap3A_1131] {strides = array<i32>} : memref<128xi32, #tpu.memory_space<vmem>>, vector<16xi32>,
    %swap3A_1133 = vector.shape_cast %swap3A_1132 : vector<16xi32> to vector<16xi32>
    %swap3A_1134 = vector.shape_cast %add3A_1130 : vector<16xi32> to vector<16xi32>
    tpu.vector_store %arg8[%swap3A_1131], %swap3A_1134 {strides = array<i32>} : memref<128xi32, #tpu.memory_space<vmem>>, vector<16xi32>,
    %mul3A_1135 = arith.constant 4 : i32
    %mul3A_1136 = vector.broadcast %mul3A_1135 : i32 to vector<16xi32>
    %mul3A_1137 = arith.muli %and3A_1115, %mul3A_1136 : vector<16xi32>
    %add3A_1138 = arith.addi %mul3A_1137, %shift_right_logical3A_1100 : vector<16xi32>
    %add3A_1139 = arith.constant 1024 : i32
    %add3A_1140 = vector.broadcast %add3A_1139 : i32 to vector<16xi32>
    %add3A_1141 = arith.addi %add3A_1138, %add3A_1140 : vector<16xi32>
    %swap3A_1142 = arith.constant 32 : index
    %swap3A_1143 = tpu.vector_load %arg9[%swap3A_1142] {strides = array<i32>} : memref<128xi32, #tpu.memory_space<vmem>>, vector<16xi32>,
    %swap3A_1144 = vector.shape_cast %swap3A_1143 : vector<16xi32> to vector<16xi32>
    %swap3A_1145 = vector.shape_cast %add3A_1141 : vector<16xi32> to vector<16xi32>
    tpu.vector_store %arg9[%swap3A_1142], %swap3A_1145 {strides = array<i32>} : memref<128xi32, #tpu.memory_space<vmem>>, vector<16xi32>,
    %get3A_1146 = arith.constant 48 : i32
    %get3A_1147 = arith.index_cast %get3A_1146 : i32 to index
    %get3A_1148 = arith.constant 48 : index
    %get3A_1149 = tpu.vector_load %arg6[%get3A_1147, %get3A_1148] {strides = array<i32>} : memref<49x128xi32, #tpu.memory_space<vmem>>, vector<1x16xi32>,
    %get3A_1150 = vector.shape_cast %get3A_1149 : vector<1x16xi32> to vector<16xi32>
    %shift_right_logical3A_1151 = arith.constant 24 : i32
    %shift_right_logical3A_1152 = vector.broadcast %shift_right_logical3A_1151 : i32 to vector<16xi32>
    %shift_right_logical3A_1153 = arith.shrui %get3A_1150, %shift_right_logical3A_1152 : vector<16xi32>
    %and3A_1154 = arith.constant 255 : i32
    %and3A_1155 = vector.broadcast %and3A_1154 : i32 to vector<16xi32>
    %and3A_1156 = arith.andi %get3A_1150, %and3A_1155 : vector<16xi32>
    %shift_right_logical3A_1157 = arith.constant 8 : i32
    %shift_right_logical3A_1158 = vector.broadcast %shift_right_logical3A_1157 : i32 to vector<16xi32>
    %shift_right_logical3A_1159 = arith.shrui %get3A_1150, %shift_right_logical3A_1158 : vector<16xi32>
    %and3A_1160 = arith.constant 255 : i32
    %and3A_1161 = vector.broadcast %and3A_1160 : i32 to vector<16xi32>
    %and3A_1162 = arith.andi %shift_right_logical3A_1159, %and3A_1161 : vector<16xi32>
    %shift_right_logical3A_1163 = arith.constant 16 : i32
    %shift_right_logical3A_1164 = vector.broadcast %shift_right_logical3A_1163 : i32 to vector<16xi32>
    %shift_right_logical3A_1165 = arith.shrui %get3A_1150, %shift_right_logical3A_1164 : vector<16xi32>
    %and3A_1166 = arith.constant 255 : i32
    %and3A_1167 = vector.broadcast %and3A_1166 : i32 to vector<16xi32>
    %and3A_1168 = arith.andi %shift_right_logical3A_1165, %and3A_1167 : vector<16xi32>
    %mul3A_1169 = arith.constant 4 : i32
    %mul3A_1170 = vector.broadcast %mul3A_1169 : i32 to vector<16xi32>
    %mul3A_1171 = arith.muli %and3A_1156, %mul3A_1170 : vector<16xi32>
    %add3A_1172 = arith.addi %mul3A_1171, %shift_right_logical3A_1153 : vector<16xi32>
    %swap3A_1173 = arith.constant 48 : index
    %swap3A_1174 = tpu.vector_load %arg7[%swap3A_1173] {strides = array<i32>} : memref<128xi32, #tpu.memory_space<vmem>>, vector<16xi32>,
    %swap3A_1175 = vector.shape_cast %swap3A_1174 : vector<16xi32> to vector<16xi32>
    %swap3A_1176 = vector.shape_cast %add3A_1172 : vector<16xi32> to vector<16xi32>
    tpu.vector_store %arg7[%swap3A_1173], %swap3A_1176 {strides = array<i32>} : memref<128xi32, #tpu.memory_space<vmem>>, vector<16xi32>,
    %mul3A_1177 = arith.constant 4 : i32
    %mul3A_1178 = vector.broadcast %mul3A_1177 : i32 to vector<16xi32>
    %mul3A_1179 = arith.muli %and3A_1162, %mul3A_1178 : vector<16xi32>
    %add3A_1180 = arith.addi %mul3A_1179, %shift_right_logical3A_1153 : vector<16xi32>
    %add3A_1181 = arith.constant 512 : i32
    %add3A_1182 = vector.broadcast %add3A_1181 : i32 to vector<16xi32>
    %add3A_1183 = arith.addi %add3A_1180, %add3A_1182 : vector<16xi32>
    %swap3A_1184 = arith.constant 48 : index
    %swap3A_1185 = tpu.vector_load %arg8[%swap3A_1184] {strides = array<i32>} : memref<128xi32, #tpu.memory_space<vmem>>, vector<16xi32>,
    %swap3A_1186 = vector.shape_cast %swap3A_1185 : vector<16xi32> to vector<16xi32>
    %swap3A_1187 = vector.shape_cast %add3A_1183 : vector<16xi32> to vector<16xi32>
    tpu.vector_store %arg8[%swap3A_1184], %swap3A_1187 {strides = array<i32>} : memref<128xi32, #tpu.memory_space<vmem>>, vector<16xi32>,
    %mul3A_1188 = arith.constant 4 : i32
    %mul3A_1189 = vector.broadcast %mul3A_1188 : i32 to vector<16xi32>
    %mul3A_1190 = arith.muli %and3A_1168, %mul3A_1189 : vector<16xi32>
    %add3A_1191 = arith.addi %mul3A_1190, %shift_right_logical3A_1153 : vector<16xi32>
    %add3A_1192 = arith.constant 1024 : i32
    %add3A_1193 = vector.broadcast %add3A_1192 : i32 to vector<16xi32>
    %add3A_1194 = arith.addi %add3A_1191, %add3A_1193 : vector<16xi32>
    %swap3A_1195 = arith.constant 48 : index
    %swap3A_1196 = tpu.vector_load %arg9[%swap3A_1195] {strides = array<i32>} : memref<128xi32, #tpu.memory_space<vmem>>, vector<16xi32>,
    %swap3A_1197 = vector.shape_cast %swap3A_1196 : vector<16xi32> to vector<16xi32>
    %swap3A_1198 = vector.shape_cast %add3A_1194 : vector<16xi32> to vector<16xi32>
    tpu.vector_store %arg9[%swap3A_1195], %swap3A_1198 {strides = array<i32>} : memref<128xi32, #tpu.memory_space<vmem>>, vector<16xi32>,
    %get3A_1199 = arith.constant 48 : i32
    %get3A_1200 = arith.index_cast %get3A_1199 : i32 to index
    %get3A_1201 = arith.constant 64 : index
    %get3A_1202 = tpu.vector_load %arg6[%get3A_1200, %get3A_1201] {strides = array<i32>} : memref<49x128xi32, #tpu.memory_space<vmem>>, vector<1x16xi32>,
    %get3A_1203 = vector.shape_cast %get3A_1202 : vector<1x16xi32> to vector<16xi32>
    %shift_right_logical3A_1204 = arith.constant 24 : i32
    %shift_right_logical3A_1205 = vector.broadcast %shift_right_logical3A_1204 : i32 to vector<16xi32>
    %shift_right_logical3A_1206 = arith.shrui %get3A_1203, %shift_right_logical3A_1205 : vector<16xi32>
    %and3A_1207 = arith.constant 255 : i32
    %and3A_1208 = vector.broadcast %and3A_1207 : i32 to vector<16xi32>
    %and3A_1209 = arith.andi %get3A_1203, %and3A_1208 : vector<16xi32>
    %shift_right_logical3A_1210 = arith.constant 8 : i32
    %shift_right_logical3A_1211 = vector.broadcast %shift_right_logical3A_1210 : i32 to vector<16xi32>
    %shift_right_logical3A_1212 = arith.shrui %get3A_1203, %shift_right_logical3A_1211 : vector<16xi32>
    %and3A_1213 = arith.constant 255 : i32
    %and3A_1214 = vector.broadcast %and3A_1213 : i32 to vector<16xi32>
    %and3A_1215 = arith.andi %shift_right_logical3A_1212, %and3A_1214 : vector<16xi32>
    %shift_right_logical3A_1216 = arith.constant 16 : i32
    %shift_right_logical3A_1217 = vector.broadcast %shift_right_logical3A_1216 : i32 to vector<16xi32>
    %shift_right_logical3A_1218 = arith.shrui %get3A_1203, %shift_right_logical3A_1217 : vector<16xi32>
    %and3A_1219 = arith.constant 255 : i32
    %and3A_1220 = vector.broadcast %and3A_1219 : i32 to vector<16xi32>
    %and3A_1221 = arith.andi %shift_right_logical3A_1218, %and3A_1220 : vector<16xi32>
    %mul3A_1222 = arith.constant 4 : i32
    %mul3A_1223 = vector.broadcast %mul3A_1222 : i32 to vector<16xi32>
    %mul3A_1224 = arith.muli %and3A_1209, %mul3A_1223 : vector<16xi32>
    %add3A_1225 = arith.addi %mul3A_1224, %shift_right_logical3A_1206 : vector<16xi32>
    %swap3A_1226 = arith.constant 64 : index
    %swap3A_1227 = tpu.vector_load %arg7[%swap3A_1226] {strides = array<i32>} : memref<128xi32, #tpu.memory_space<vmem>>, vector<16xi32>,
    %swap3A_1228 = vector.shape_cast %swap3A_1227 : vector<16xi32> to vector<16xi32>
    %swap3A_1229 = vector.shape_cast %add3A_1225 : vector<16xi32> to vector<16xi32>
    tpu.vector_store %arg7[%swap3A_1226], %swap3A_1229 {strides = array<i32>} : memref<128xi32, #tpu.memory_space<vmem>>, vector<16xi32>,
    %mul3A_1230 = arith.constant 4 : i32
    %mul3A_1231 = vector.broadcast %mul3A_1230 : i32 to vector<16xi32>
    %mul3A_1232 = arith.muli %and3A_1215, %mul3A_1231 : vector<16xi32>
    %add3A_1233 = arith.addi %mul3A_1232, %shift_right_logical3A_1206 : vector<16xi32>
    %add3A_1234 = arith.constant 512 : i32
    %add3A_1235 = vector.broadcast %add3A_1234 : i32 to vector<16xi32>
    %add3A_1236 = arith.addi %add3A_1233, %add3A_1235 : vector<16xi32>
    %swap3A_1237 = arith.constant 64 : index
    %swap3A_1238 = tpu.vector_load %arg8[%swap3A_1237] {strides = array<i32>} : memref<128xi32, #tpu.memory_space<vmem>>, vector<16xi32>,
    %swap3A_1239 = vector.shape_cast %swap3A_1238 : vector<16xi32> to vector<16xi32>
    %swap3A_1240 = vector.shape_cast %add3A_1236 : vector<16xi32> to vector<16xi32>
    tpu.vector_store %arg8[%swap3A_1237], %swap3A_1240 {strides = array<i32>} : memref<128xi32, #tpu.memory_space<vmem>>, vector<16xi32>,
    %mul3A_1241 = arith.constant 4 : i32
    %mul3A_1242 = vector.broadcast %mul3A_1241 : i32 to vector<16xi32>
    %mul3A_1243 = arith.muli %and3A_1221, %mul3A_1242 : vector<16xi32>
    %add3A_1244 = arith.addi %mul3A_1243, %shift_right_logical3A_1206 : vector<16xi32>
    %add3A_1245 = arith.constant 1024 : i32
    %add3A_1246 = vector.broadcast %add3A_1245 : i32 to vector<16xi32>
    %add3A_1247 = arith.addi %add3A_1244, %add3A_1246 : vector<16xi32>
    %swap3A_1248 = arith.constant 64 : index
    %swap3A_1249 = tpu.vector_load %arg9[%swap3A_1248] {strides = array<i32>} : memref<128xi32, #tpu.memory_space<vmem>>, vector<16xi32>,
    %swap3A_1250 = vector.shape_cast %swap3A_1249 : vector<16xi32> to vector<16xi32>
    %swap3A_1251 = vector.shape_cast %add3A_1247 : vector<16xi32> to vector<16xi32>
    tpu.vector_store %arg9[%swap3A_1248], %swap3A_1251 {strides = array<i32>} : memref<128xi32, #tpu.memory_space<vmem>>, vector<16xi32>,
    %get3A_1252 = arith.constant 48 : i32
    %get3A_1253 = arith.index_cast %get3A_1252 : i32 to index
    %get3A_1254 = arith.constant 80 : index
    %get3A_1255 = tpu.vector_load %arg6[%get3A_1253, %get3A_1254] {strides = array<i32>} : memref<49x128xi32, #tpu.memory_space<vmem>>, vector<1x16xi32>,
    %get3A_1256 = vector.shape_cast %get3A_1255 : vector<1x16xi32> to vector<16xi32>
    %shift_right_logical3A_1257 = arith.constant 24 : i32
    %shift_right_logical3A_1258 = vector.broadcast %shift_right_logical3A_1257 : i32 to vector<16xi32>
    %shift_right_logical3A_1259 = arith.shrui %get3A_1256, %shift_right_logical3A_1258 : vector<16xi32>
    %and3A_1260 = arith.constant 255 : i32
    %and3A_1261 = vector.broadcast %and3A_1260 : i32 to vector<16xi32>
    %and3A_1262 = arith.andi %get3A_1256, %and3A_1261 : vector<16xi32>
    %shift_right_logical3A_1263 = arith.constant 8 : i32
    %shift_right_logical3A_1264 = vector.broadcast %shift_right_logical3A_1263 : i32 to vector<16xi32>
    %shift_right_logical3A_1265 = arith.shrui %get3A_1256, %shift_right_logical3A_1264 : vector<16xi32>
    %and3A_1266 = arith.constant 255 : i32
    %and3A_1267 = vector.broadcast %and3A_1266 : i32 to vector<16xi32>
    %and3A_1268 = arith.andi %shift_right_logical3A_1265, %and3A_1267 : vector<16xi32>
    %shift_right_logical3A_1269 = arith.constant 16 : i32
    %shift_right_logical3A_1270 = vector.broadcast %shift_right_logical3A_1269 : i32 to vector<16xi32>
    %shift_right_logical3A_1271 = arith.shrui %get3A_1256, %shift_right_logical3A_1270 : vector<16xi32>
    %and3A_1272 = arith.constant 255 : i32
    %and3A_1273 = vector.broadcast %and3A_1272 : i32 to vector<16xi32>
    %and3A_1274 = arith.andi %shift_right_logical3A_1271, %and3A_1273 : vector<16xi32>
    %mul3A_1275 = arith.constant 4 : i32
    %mul3A_1276 = vector.broadcast %mul3A_1275 : i32 to vector<16xi32>
    %mul3A_1277 = arith.muli %and3A_1262, %mul3A_1276 : vector<16xi32>
    %add3A_1278 = arith.addi %mul3A_1277, %shift_right_logical3A_1259 : vector<16xi32>
    %swap3A_1279 = arith.constant 80 : index
    %swap3A_1280 = tpu.vector_load %arg7[%swap3A_1279] {strides = array<i32>} : memref<128xi32, #tpu.memory_space<vmem>>, vector<16xi32>,
    %swap3A_1281 = vector.shape_cast %swap3A_1280 : vector<16xi32> to vector<16xi32>
    %swap3A_1282 = vector.shape_cast %add3A_1278 : vector<16xi32> to vector<16xi32>
    tpu.vector_store %arg7[%swap3A_1279], %swap3A_1282 {strides = array<i32>} : memref<128xi32, #tpu.memory_space<vmem>>, vector<16xi32>,
    %mul3A_1283 = arith.constant 4 : i32
    %mul3A_1284 = vector.broadcast %mul3A_1283 : i32 to vector<16xi32>
    %mul3A_1285 = arith.muli %and3A_1268, %mul3A_1284 : vector<16xi32>
    %add3A_1286 = arith.addi %mul3A_1285, %shift_right_logical3A_1259 : vector<16xi32>
    %add3A_1287 = arith.constant 512 : i32
    %add3A_1288 = vector.broadcast %add3A_1287 : i32 to vector<16xi32>
    %add3A_1289 = arith.addi %add3A_1286, %add3A_1288 : vector<16xi32>
    %swap3A_1290 = arith.constant 80 : index
    %swap3A_1291 = tpu.vector_load %arg8[%swap3A_1290] {strides = array<i32>} : memref<128xi32, #tpu.memory_space<vmem>>, vector<16xi32>,
    %swap3A_1292 = vector.shape_cast %swap3A_1291 : vector<16xi32> to vector<16xi32>
    %swap3A_1293 = vector.shape_cast %add3A_1289 : vector<16xi32> to vector<16xi32>
    tpu.vector_store %arg8[%swap3A_1290], %swap3A_1293 {strides = array<i32>} : memref<128xi32, #tpu.memory_space<vmem>>, vector<16xi32>,
    %mul3A_1294 = arith.constant 4 : i32
    %mul3A_1295 = vector.broadcast %mul3A_1294 : i32 to vector<16xi32>
    %mul3A_1296 = arith.muli %and3A_1274, %mul3A_1295 : vector<16xi32>
    %add3A_1297 = arith.addi %mul3A_1296, %shift_right_logical3A_1259 : vector<16xi32>
    %add3A_1298 = arith.constant 1024 : i32
    %add3A_1299 = vector.broadcast %add3A_1298 : i32 to vector<16xi32>
    %add3A_1300 = arith.addi %add3A_1297, %add3A_1299 : vector<16xi32>
    %swap3A_1301 = arith.constant 80 : index
    %swap3A_1302 = tpu.vector_load %arg9[%swap3A_1301] {strides = array<i32>} : memref<128xi32, #tpu.memory_space<vmem>>, vector<16xi32>,
    %swap3A_1303 = vector.shape_cast %swap3A_1302 : vector<16xi32> to vector<16xi32>
    %swap3A_1304 = vector.shape_cast %add3A_1300 : vector<16xi32> to vector<16xi32>
    tpu.vector_store %arg9[%swap3A_1301], %swap3A_1304 {strides = array<i32>} : memref<128xi32, #tpu.memory_space<vmem>>, vector<16xi32>,
    %get3A_1305 = arith.constant 48 : i32
    %get3A_1306 = arith.index_cast %get3A_1305 : i32 to index
    %get3A_1307 = arith.constant 96 : index
    %get3A_1308 = tpu.vector_load %arg6[%get3A_1306, %get3A_1307] {strides = array<i32>} : memref<49x128xi32, #tpu.memory_space<vmem>>, vector<1x16xi32>,
    %get3A_1309 = vector.shape_cast %get3A_1308 : vector<1x16xi32> to vector<16xi32>
    %shift_right_logical3A_1310 = arith.constant 24 : i32
    %shift_right_logical3A_1311 = vector.broadcast %shift_right_logical3A_1310 : i32 to vector<16xi32>
    %shift_right_logical3A_1312 = arith.shrui %get3A_1309, %shift_right_logical3A_1311 : vector<16xi32>
    %and3A_1313 = arith.constant 255 : i32
    %and3A_1314 = vector.broadcast %and3A_1313 : i32 to vector<16xi32>
    %and3A_1315 = arith.andi %get3A_1309, %and3A_1314 : vector<16xi32>
    %shift_right_logical3A_1316 = arith.constant 8 : i32
    %shift_right_logical3A_1317 = vector.broadcast %shift_right_logical3A_1316 : i32 to vector<16xi32>
    %shift_right_logical3A_1318 = arith.shrui %get3A_1309, %shift_right_logical3A_1317 : vector<16xi32>
    %and3A_1319 = arith.constant 255 : i32
    %and3A_1320 = vector.broadcast %and3A_1319 : i32 to vector<16xi32>
    %and3A_1321 = arith.andi %shift_right_logical3A_1318, %and3A_1320 : vector<16xi32>
    %shift_right_logical3A_1322 = arith.constant 16 : i32
    %shift_right_logical3A_1323 = vector.broadcast %shift_right_logical3A_1322 : i32 to vector<16xi32>
    %shift_right_logical3A_1324 = arith.shrui %get3A_1309, %shift_right_logical3A_1323 : vector<16xi32>
    %and3A_1325 = arith.constant 255 : i32
    %and3A_1326 = vector.broadcast %and3A_1325 : i32 to vector<16xi32>
    %and3A_1327 = arith.andi %shift_right_logical3A_1324, %and3A_1326 : vector<16xi32>
    %mul3A_1328 = arith.constant 4 : i32
    %mul3A_1329 = vector.broadcast %mul3A_1328 : i32 to vector<16xi32>
    %mul3A_1330 = arith.muli %and3A_1315, %mul3A_1329 : vector<16xi32>
    %add3A_1331 = arith.addi %mul3A_1330, %shift_right_logical3A_1312 : vector<16xi32>
    %swap3A_1332 = arith.constant 96 : index
    %swap3A_1333 = tpu.vector_load %arg7[%swap3A_1332] {strides = array<i32>} : memref<128xi32, #tpu.memory_space<vmem>>, vector<16xi32>,
    %swap3A_1334 = vector.shape_cast %swap3A_1333 : vector<16xi32> to vector<16xi32>
    %swap3A_1335 = vector.shape_cast %add3A_1331 : vector<16xi32> to vector<16xi32>
    tpu.vector_store %arg7[%swap3A_1332], %swap3A_1335 {strides = array<i32>} : memref<128xi32, #tpu.memory_space<vmem>>, vector<16xi32>,
    %mul3A_1336 = arith.constant 4 : i32
    %mul3A_1337 = vector.broadcast %mul3A_1336 : i32 to vector<16xi32>
    %mul3A_1338 = arith.muli %and3A_1321, %mul3A_1337 : vector<16xi32>
    %add3A_1339 = arith.addi %mul3A_1338, %shift_right_logical3A_1312 : vector<16xi32>
    %add3A_1340 = arith.constant 512 : i32
    %add3A_1341 = vector.broadcast %add3A_1340 : i32 to vector<16xi32>
    %add3A_1342 = arith.addi %add3A_1339, %add3A_1341 : vector<16xi32>
    %swap3A_1343 = arith.constant 96 : index
    %swap3A_1344 = tpu.vector_load %arg8[%swap3A_1343] {strides = array<i32>} : memref<128xi32, #tpu.memory_space<vmem>>, vector<16xi32>,
    %swap3A_1345 = vector.shape_cast %swap3A_1344 : vector<16xi32> to vector<16xi32>
    %swap3A_1346 = vector.shape_cast %add3A_1342 : vector<16xi32> to vector<16xi32>
    tpu.vector_store %arg8[%swap3A_1343], %swap3A_1346 {strides = array<i32>} : memref<128xi32, #tpu.memory_space<vmem>>, vector<16xi32>,
    %mul3A_1347 = arith.constant 4 : i32
    %mul3A_1348 = vector.broadcast %mul3A_1347 : i32 to vector<16xi32>
    %mul3A_1349 = arith.muli %and3A_1327, %mul3A_1348 : vector<16xi32>
    %add3A_1350 = arith.addi %mul3A_1349, %shift_right_logical3A_1312 : vector<16xi32>
    %add3A_1351 = arith.constant 1024 : i32
    %add3A_1352 = vector.broadcast %add3A_1351 : i32 to vector<16xi32>
    %add3A_1353 = arith.addi %add3A_1350, %add3A_1352 : vector<16xi32>
    %swap3A_1354 = arith.constant 96 : index
    %swap3A_1355 = tpu.vector_load %arg9[%swap3A_1354] {strides = array<i32>} : memref<128xi32, #tpu.memory_space<vmem>>, vector<16xi32>,
    %swap3A_1356 = vector.shape_cast %swap3A_1355 : vector<16xi32> to vector<16xi32>
    %swap3A_1357 = vector.shape_cast %add3A_1353 : vector<16xi32> to vector<16xi32>
    tpu.vector_store %arg9[%swap3A_1354], %swap3A_1357 {strides = array<i32>} : memref<128xi32, #tpu.memory_space<vmem>>, vector<16xi32>,
    %get3A_1358 = arith.constant 48 : i32
    %get3A_1359 = arith.index_cast %get3A_1358 : i32 to index
    %get3A_1360 = arith.constant 112 : index
    %get3A_1361 = tpu.vector_load %arg6[%get3A_1359, %get3A_1360] {strides = array<i32>} : memref<49x128xi32, #tpu.memory_space<vmem>>, vector<1x16xi32>,
    %get3A_1362 = vector.shape_cast %get3A_1361 : vector<1x16xi32> to vector<16xi32>
    %shift_right_logical3A_1363 = arith.constant 24 : i32
    %shift_right_logical3A_1364 = vector.broadcast %shift_right_logical3A_1363 : i32 to vector<16xi32>
    %shift_right_logical3A_1365 = arith.shrui %get3A_1362, %shift_right_logical3A_1364 : vector<16xi32>
    %and3A_1366 = arith.constant 255 : i32
    %and3A_1367 = vector.broadcast %and3A_1366 : i32 to vector<16xi32>
    %and3A_1368 = arith.andi %get3A_1362, %and3A_1367 : vector<16xi32>
    %shift_right_logical3A_1369 = arith.constant 8 : i32
    %shift_right_logical3A_1370 = vector.broadcast %shift_right_logical3A_1369 : i32 to vector<16xi32>
    %shift_right_logical3A_1371 = arith.shrui %get3A_1362, %shift_right_logical3A_1370 : vector<16xi32>
    %and3A_1372 = arith.constant 255 : i32
    %and3A_1373 = vector.broadcast %and3A_1372 : i32 to vector<16xi32>
    %and3A_1374 = arith.andi %shift_right_logical3A_1371, %and3A_1373 : vector<16xi32>
    %shift_right_logical3A_1375 = arith.constant 16 : i32
    %shift_right_logical3A_1376 = vector.broadcast %shift_right_logical3A_1375 : i32 to vector<16xi32>
    %shift_right_logical3A_1377 = arith.shrui %get3A_1362, %shift_right_logical3A_1376 : vector<16xi32>
    %and3A_1378 = arith.constant 255 : i32
    %and3A_1379 = vector.broadcast %and3A_1378 : i32 to vector<16xi32>
    %and3A_1380 = arith.andi %shift_right_logical3A_1377, %and3A_1379 : vector<16xi32>
    %mul3A_1381 = arith.constant 4 : i32
    %mul3A_1382 = vector.broadcast %mul3A_1381 : i32 to vector<16xi32>
    %mul3A_1383 = arith.muli %and3A_1368, %mul3A_1382 : vector<16xi32>
    %add3A_1384 = arith.addi %mul3A_1383, %shift_right_logical3A_1365 : vector<16xi32>
    %swap3A_1385 = arith.constant 112 : index
    %swap3A_1386 = tpu.vector_load %arg7[%swap3A_1385] {strides = array<i32>} : memref<128xi32, #tpu.memory_space<vmem>>, vector<16xi32>,
    %swap3A_1387 = vector.shape_cast %swap3A_1386 : vector<16xi32> to vector<16xi32>
    %swap3A_1388 = vector.shape_cast %add3A_1384 : vector<16xi32> to vector<16xi32>
    tpu.vector_store %arg7[%swap3A_1385], %swap3A_1388 {strides = array<i32>} : memref<128xi32, #tpu.memory_space<vmem>>, vector<16xi32>,
    %mul3A_1389 = arith.constant 4 : i32
    %mul3A_1390 = vector.broadcast %mul3A_1389 : i32 to vector<16xi32>
    %mul3A_1391 = arith.muli %and3A_1374, %mul3A_1390 : vector<16xi32>
    %add3A_1392 = arith.addi %mul3A_1391, %shift_right_logical3A_1365 : vector<16xi32>
    %add3A_1393 = arith.constant 512 : i32
    %add3A_1394 = vector.broadcast %add3A_1393 : i32 to vector<16xi32>
    %add3A_1395 = arith.addi %add3A_1392, %add3A_1394 : vector<16xi32>
    %swap3A_1396 = arith.constant 112 : index
    %swap3A_1397 = tpu.vector_load %arg8[%swap3A_1396] {strides = array<i32>} : memref<128xi32, #tpu.memory_space<vmem>>, vector<16xi32>,
    %swap3A_1398 = vector.shape_cast %swap3A_1397 : vector<16xi32> to vector<16xi32>
    %swap3A_1399 = vector.shape_cast %add3A_1395 : vector<16xi32> to vector<16xi32>
    tpu.vector_store %arg8[%swap3A_1396], %swap3A_1399 {strides = array<i32>} : memref<128xi32, #tpu.memory_space<vmem>>, vector<16xi32>,
    %mul3A_1400 = arith.constant 4 : i32
    %mul3A_1401 = vector.broadcast %mul3A_1400 : i32 to vector<16xi32>
    %mul3A_1402 = arith.muli %and3A_1380, %mul3A_1401 : vector<16xi32>
    %add3A_1403 = arith.addi %mul3A_1402, %shift_right_logical3A_1365 : vector<16xi32>
    %add3A_1404 = arith.constant 1024 : i32
    %add3A_1405 = vector.broadcast %add3A_1404 : i32 to vector<16xi32>
    %add3A_1406 = arith.addi %add3A_1403, %add3A_1405 : vector<16xi32>
    %swap3A_1407 = arith.constant 112 : index
    %swap3A_1408 = tpu.vector_load %arg9[%swap3A_1407] {strides = array<i32>} : memref<128xi32, #tpu.memory_space<vmem>>, vector<16xi32>,
    %swap3A_1409 = vector.shape_cast %swap3A_1408 : vector<16xi32> to vector<16xi32>
    %swap3A_1410 = vector.shape_cast %add3A_1406 : vector<16xi32> to vector<16xi32>
    tpu.vector_store %arg9[%swap3A_1407], %swap3A_1410 {strides = array<i32>} : memref<128xi32, #tpu.memory_space<vmem>>, vector<16xi32>,
    %dma_start3A_1411 = arith.constant 0 : i32
    %dma_start3A_1412 = arith.constant 0 : i32
    %dma_start3A_1413 = tpu.memref_slice %arg5[%dma_start3A_1411, %dma_start3A_1412] : memref<1536x128xf32, #tpu.memory_space<vmem_shared>> -> memref<1536x128xf32, #tpu.memory_space<vmem_shared>>
    tpu.enqueue_indirect_dma source(%dma_start3A_1413 : memref<1536x128xf32, #tpu.memory_space<vmem_shared>>) target(%arg13 : memref<128x128xf32, #tpu.memory_space<vmem>>) offsets(%arg7 : memref<128xi32, #tpu.memory_space<vmem>>) semaphore(%arg20 : memref<!tpu.dma_semaphore, #tpu.memory_space<semaphore_mem>>)
    %dma_start3A_1414 = arith.constant 0 : i32
    %dma_start3A_1415 = arith.constant 0 : i32
    %dma_start3A_1416 = tpu.memref_slice %arg5[%dma_start3A_1414, %dma_start3A_1415] : memref<1536x128xf32, #tpu.memory_space<vmem_shared>> -> memref<1536x128xf32, #tpu.memory_space<vmem_shared>>
    tpu.enqueue_indirect_dma source(%dma_start3A_1416 : memref<1536x128xf32, #tpu.memory_space<vmem_shared>>) target(%arg14 : memref<128x128xf32, #tpu.memory_space<vmem>>) offsets(%arg8 : memref<128xi32, #tpu.memory_space<vmem>>) semaphore(%arg21 : memref<!tpu.dma_semaphore, #tpu.memory_space<semaphore_mem>>)
    %dma_start3A_1417 = arith.constant 0 : i32
    %dma_start3A_1418 = arith.constant 0 : i32
    %dma_start3A_1419 = tpu.memref_slice %arg5[%dma_start3A_1417, %dma_start3A_1418] : memref<1536x128xf32, #tpu.memory_space<vmem_shared>> -> memref<1536x128xf32, #tpu.memory_space<vmem_shared>>
    tpu.enqueue_indirect_dma source(%dma_start3A_1419 : memref<1536x128xf32, #tpu.memory_space<vmem_shared>>) target(%arg15 : memref<128x128xf32, #tpu.memory_space<vmem>>) offsets(%arg9 : memref<128xi32, #tpu.memory_space<vmem>>) semaphore(%arg22 : memref<!tpu.dma_semaphore, #tpu.memory_space<semaphore_mem>>)
    %mul3A_1420 = arith.constant 49 : i32
    %mul3A_1421 = arith.muli %add3A, %mul3A_1420 : i32
    %add3A_1422 = arith.constant 48 : i32
    %add3A_1423 = arith.addi %mul3A_1421, %add3A_1422 : i32
    %min3A_1424 = arith.constant 1562 : i32
    %min3A_1425 = arith.minsi %add3A_1423, %min3A_1424 : i32
    %mul3A_1426 = arith.constant 128 : i32
    %mul3A_1427 = arith.muli %min3A_1425, %mul3A_1426 : i32
    %eq3A_1428 = arith.constant 1562 : i32
    %eq3A_1429 = arith.cmpi eq, %add3A_1423, %eq3A_1428 : i32
    %jit3A_1430 = arith.constant 64 : i32
    %jit3A_1431 = arith.constant 0 : i32
    %select_n3A_1432 = arith.select %eq3A_1429, %jit3A_1430, %jit3A_1431 : i32
    %sub3A_1433 = arith.subi %mul3A_1427, %select_n3A_1432 : i32
    %gt3A_1434 = arith.constant 1562 : i32
    %gt3A_1435 = arith.cmpi sgt, %add3A_1423, %gt3A_1434 : i32
    %jit3A_1436 = arith.constant 0 : i32
    %select_n3A_1437 = arith.select %gt3A_1435, %jit3A_1436, %sub3A_1433 : i32
    %dma_wait3A_1438 = arith.constant 0 : i32
    %dma_wait3A_1439 = arith.constant 0 : i32
    %dma_wait3A_1440 = tpu.memref_slice %arg5[%dma_wait3A_1438, %dma_wait3A_1439] : memref<1536x128xf32, #tpu.memory_space<vmem_shared>> -> memref<1536x128xf32, #tpu.memory_space<vmem_shared>>
    tpu.wait_indirect_dma semaphore(%arg20 : memref<!tpu.dma_semaphore, #tpu.memory_space<semaphore_mem>>) src(%dma_wait3A_1440 : memref<1536x128xf32, #tpu.memory_space<vmem_shared>>) dst(%arg13 : memref<128x128xf32, #tpu.memory_space<vmem>>)
    %dma_start3A_1441 = arith.constant 0 : i32
    %dma_start3A_1442 = tpu.memref_slice %arg4[%select_n3A_1437, %dma_start3A_1441] : memref<200000x384xf32, #tpu.memory_space<hbm>> -> memref<128x128xf32, #tpu.memory_space<hbm>>
    %dma_start3A_1443 = arith.constant 0 : i32
    %dma_start3A_1444 = tpu.memref_slice %arg4[%select_n3A_1437, %dma_start3A_1443] : memref<200000x384xf32, #tpu.memory_space<hbm>> -> memref<128x128xf32, #tpu.memory_space<hbm>>
    tpu.enqueue_dma source(%arg13 : memref<128x128xf32, #tpu.memory_space<vmem>>) target(%dma_start3A_1444 : memref<128x128xf32, #tpu.memory_space<hbm>>) target_semaphore(%arg26 : memref<!tpu.dma_semaphore, #tpu.memory_space<semaphore_mem>>)
    %dma_wait3A_1445 = arith.constant 0 : i32
    %dma_wait3A_1446 = arith.constant 0 : i32
    %dma_wait3A_1447 = tpu.memref_slice %arg5[%dma_wait3A_1445, %dma_wait3A_1446] : memref<1536x128xf32, #tpu.memory_space<vmem_shared>> -> memref<1536x128xf32, #tpu.memory_space<vmem_shared>>
    tpu.wait_indirect_dma semaphore(%arg21 : memref<!tpu.dma_semaphore, #tpu.memory_space<semaphore_mem>>) src(%dma_wait3A_1447 : memref<1536x128xf32, #tpu.memory_space<vmem_shared>>) dst(%arg14 : memref<128x128xf32, #tpu.memory_space<vmem>>)
    %dma_start3A_1448 = arith.constant 128 : i32
    %dma_start3A_1449 = tpu.memref_slice %arg4[%select_n3A_1437, %dma_start3A_1448] : memref<200000x384xf32, #tpu.memory_space<hbm>> -> memref<128x128xf32, #tpu.memory_space<hbm>>
    %dma_start3A_1450 = arith.constant 128 : i32
    %dma_start3A_1451 = tpu.memref_slice %arg4[%select_n3A_1437, %dma_start3A_1450] : memref<200000x384xf32, #tpu.memory_space<hbm>> -> memref<128x128xf32, #tpu.memory_space<hbm>>
    tpu.enqueue_dma source(%arg14 : memref<128x128xf32, #tpu.memory_space<vmem>>) target(%dma_start3A_1451 : memref<128x128xf32, #tpu.memory_space<hbm>>) target_semaphore(%arg26 : memref<!tpu.dma_semaphore, #tpu.memory_space<semaphore_mem>>)
    %dma_wait3A_1452 = arith.constant 0 : i32
    %dma_wait3A_1453 = arith.constant 0 : i32
    %dma_wait3A_1454 = tpu.memref_slice %arg5[%dma_wait3A_1452, %dma_wait3A_1453] : memref<1536x128xf32, #tpu.memory_space<vmem_shared>> -> memref<1536x128xf32, #tpu.memory_space<vmem_shared>>
    tpu.wait_indirect_dma semaphore(%arg22 : memref<!tpu.dma_semaphore, #tpu.memory_space<semaphore_mem>>) src(%dma_wait3A_1454 : memref<1536x128xf32, #tpu.memory_space<vmem_shared>>) dst(%arg15 : memref<128x128xf32, #tpu.memory_space<vmem>>)
    %dma_start3A_1455 = arith.constant 256 : i32
    %dma_start3A_1456 = tpu.memref_slice %arg4[%select_n3A_1437, %dma_start3A_1455] : memref<200000x384xf32, #tpu.memory_space<hbm>> -> memref<128x128xf32, #tpu.memory_space<hbm>>
    %dma_start3A_1457 = arith.constant 256 : i32
    %dma_start3A_1458 = tpu.memref_slice %arg4[%select_n3A_1437, %dma_start3A_1457] : memref<200000x384xf32, #tpu.memory_space<hbm>> -> memref<128x128xf32, #tpu.memory_space<hbm>>
    tpu.enqueue_dma source(%arg15 : memref<128x128xf32, #tpu.memory_space<vmem>>) target(%dma_start3A_1458 : memref<128x128xf32, #tpu.memory_space<hbm>>) target_semaphore(%arg26 : memref<!tpu.dma_semaphore, #tpu.memory_space<semaphore_mem>>)
    %mul3A_1459 = arith.constant 49 : i32
    %mul3A_1460 = arith.muli %add3A, %mul3A_1459 : i32
    %add3A_1461 = arith.constant 47 : i32
    %add3A_1462 = arith.addi %mul3A_1460, %add3A_1461 : i32
    %min3A_1463 = arith.constant 1562 : i32
    %min3A_1464 = arith.minsi %add3A_1462, %min3A_1463 : i32
    %mul3A_1465 = arith.constant 128 : i32
    %mul3A_1466 = arith.muli %min3A_1464, %mul3A_1465 : i32
    %eq3A_1467 = arith.constant 1562 : i32
    %eq3A_1468 = arith.cmpi eq, %add3A_1462, %eq3A_1467 : i32
    %jit3A_1469 = arith.constant 64 : i32
    %jit3A_1470 = arith.constant 0 : i32
    %select_n3A_1471 = arith.select %eq3A_1468, %jit3A_1469, %jit3A_1470 : i32
    %sub3A_1472 = arith.subi %mul3A_1466, %select_n3A_1471 : i32
    %gt3A_1473 = arith.constant 1562 : i32
    %gt3A_1474 = arith.cmpi sgt, %add3A_1462, %gt3A_1473 : i32
    %jit3A_1475 = arith.constant 0 : i32
    %select_n3A_1476 = arith.select %gt3A_1474, %jit3A_1475, %sub3A_1472 : i32
    %dma_wait3A_1477 = arith.constant 0 : i32
    %dma_wait3A_1478 = tpu.memref_slice %arg4[%select_n3A_1476, %dma_wait3A_1477] : memref<200000x384xf32, #tpu.memory_space<hbm>> -> memref<128x128xf32, #tpu.memory_space<hbm>>
    %dma_wait3A_1479 = arith.constant 0 : i32
    %dma_wait3A_1480 = tpu.memref_slice %arg4[%select_n3A_1476, %dma_wait3A_1479] : memref<200000x384xf32, #tpu.memory_space<hbm>> -> memref<128x128xf32, #tpu.memory_space<hbm>>
    tpu.wait_dma2 semaphore(%arg27 : memref<!tpu.dma_semaphore, #tpu.memory_space<semaphore_mem>>) src(%arg16 : memref<128x128xf32, #tpu.memory_space<vmem>>) dst(%dma_wait3A_1480 : memref<128x128xf32, #tpu.memory_space<hbm>>)
    %dma_wait3A_1481 = arith.constant 128 : i32
    %dma_wait3A_1482 = tpu.memref_slice %arg4[%select_n3A_1476, %dma_wait3A_1481] : memref<200000x384xf32, #tpu.memory_space<hbm>> -> memref<128x128xf32, #tpu.memory_space<hbm>>
    %dma_wait3A_1483 = arith.constant 128 : i32
    %dma_wait3A_1484 = tpu.memref_slice %arg4[%select_n3A_1476, %dma_wait3A_1483] : memref<200000x384xf32, #tpu.memory_space<hbm>> -> memref<128x128xf32, #tpu.memory_space<hbm>>
    tpu.wait_dma2 semaphore(%arg27 : memref<!tpu.dma_semaphore, #tpu.memory_space<semaphore_mem>>) src(%arg17 : memref<128x128xf32, #tpu.memory_space<vmem>>) dst(%dma_wait3A_1484 : memref<128x128xf32, #tpu.memory_space<hbm>>)
    %dma_wait3A_1485 = arith.constant 256 : i32
    %dma_wait3A_1486 = tpu.memref_slice %arg4[%select_n3A_1476, %dma_wait3A_1485] : memref<200000x384xf32, #tpu.memory_space<hbm>> -> memref<128x128xf32, #tpu.memory_space<hbm>>
    %dma_wait3A_1487 = arith.constant 256 : i32
    %dma_wait3A_1488 = tpu.memref_slice %arg4[%select_n3A_1476, %dma_wait3A_1487] : memref<200000x384xf32, #tpu.memory_space<hbm>> -> memref<128x128xf32, #tpu.memory_space<hbm>>
    tpu.wait_dma2 semaphore(%arg27 : memref<!tpu.dma_semaphore, #tpu.memory_space<semaphore_mem>>) src(%arg18 : memref<128x128xf32, #tpu.memory_space<vmem>>) dst(%dma_wait3A_1488 : memref<128x128xf32, #tpu.memory_space<hbm>>)
    %mul3A_1489 = arith.constant 49 : i32
    %mul3A_1490 = arith.muli %add3A, %mul3A_1489 : i32
    %add3A_1491 = arith.constant 48 : i32
    %add3A_1492 = arith.addi %mul3A_1490, %add3A_1491 : i32
    %min3A_1493 = arith.constant 1562 : i32
    %min3A_1494 = arith.minsi %add3A_1492, %min3A_1493 : i32
    %mul3A_1495 = arith.constant 128 : i32
    %mul3A_1496 = arith.muli %min3A_1494, %mul3A_1495 : i32
    %eq3A_1497 = arith.constant 1562 : i32
    %eq3A_1498 = arith.cmpi eq, %add3A_1492, %eq3A_1497 : i32
    %jit3A_1499 = arith.constant 64 : i32
    %jit3A_1500 = arith.constant 0 : i32
    %select_n3A_1501 = arith.select %eq3A_1498, %jit3A_1499, %jit3A_1500 : i32
    %sub3A_1502 = arith.subi %mul3A_1496, %select_n3A_1501 : i32
    %gt3A_1503 = arith.constant 1562 : i32
    %gt3A_1504 = arith.cmpi sgt, %add3A_1492, %gt3A_1503 : i32
    %jit3A_1505 = arith.constant 0 : i32
    %select_n3A_1506 = arith.select %gt3A_1504, %jit3A_1505, %sub3A_1502 : i32
    %dma_wait3A_1507 = arith.constant 0 : i32
    %dma_wait3A_1508 = tpu.memref_slice %arg4[%select_n3A_1506, %dma_wait3A_1507] : memref<200000x384xf32, #tpu.memory_space<hbm>> -> memref<128x128xf32, #tpu.memory_space<hbm>>
    %dma_wait3A_1509 = arith.constant 0 : i32
    %dma_wait3A_1510 = tpu.memref_slice %arg4[%select_n3A_1506, %dma_wait3A_1509] : memref<200000x384xf32, #tpu.memory_space<hbm>> -> memref<128x128xf32, #tpu.memory_space<hbm>>
    tpu.wait_dma2 semaphore(%arg26 : memref<!tpu.dma_semaphore, #tpu.memory_space<semaphore_mem>>) src(%arg13 : memref<128x128xf32, #tpu.memory_space<vmem>>) dst(%dma_wait3A_1510 : memref<128x128xf32, #tpu.memory_space<hbm>>)
    %dma_wait3A_1511 = arith.constant 128 : i32
    %dma_wait3A_1512 = tpu.memref_slice %arg4[%select_n3A_1506, %dma_wait3A_1511] : memref<200000x384xf32, #tpu.memory_space<hbm>> -> memref<128x128xf32, #tpu.memory_space<hbm>>
    %dma_wait3A_1513 = arith.constant 128 : i32
    %dma_wait3A_1514 = tpu.memref_slice %arg4[%select_n3A_1506, %dma_wait3A_1513] : memref<200000x384xf32, #tpu.memory_space<hbm>> -> memref<128x128xf32, #tpu.memory_space<hbm>>
    tpu.wait_dma2 semaphore(%arg26 : memref<!tpu.dma_semaphore, #tpu.memory_space<semaphore_mem>>) src(%arg14 : memref<128x128xf32, #tpu.memory_space<vmem>>) dst(%dma_wait3A_1514 : memref<128x128xf32, #tpu.memory_space<hbm>>)
    %dma_wait3A_1515 = arith.constant 256 : i32
    %dma_wait3A_1516 = tpu.memref_slice %arg4[%select_n3A_1506, %dma_wait3A_1515] : memref<200000x384xf32, #tpu.memory_space<hbm>> -> memref<128x128xf32, #tpu.memory_space<hbm>>
    %dma_wait3A_1517 = arith.constant 256 : i32
    %dma_wait3A_1518 = tpu.memref_slice %arg4[%select_n3A_1506, %dma_wait3A_1517] : memref<200000x384xf32, #tpu.memory_space<hbm>> -> memref<128x128xf32, #tpu.memory_space<hbm>>
    tpu.wait_dma2 semaphore(%arg26 : memref<!tpu.dma_semaphore, #tpu.memory_space<semaphore_mem>>) src(%arg15 : memref<128x128xf32, #tpu.memory_space<vmem>>) dst(%dma_wait3A_1518 : memref<128x128xf32, #tpu.memory_space<hbm>>)
    return
  }
}

</mosaic_0001>

<sc_bundles>
// kernel: _run.3.cloned.1.call-start
scs
__scs_entry_jumppad:
0x0: {  	(pc) =	sbr.rel $0x88, $3  }
0x1: {  	(tag) =	ssettag $0x0;
	lr =	simm.s32 $0x1  }
0x2: {  	[smem:$0x3F9F] =	sst lr;
	_ =	strace $0xD0000000  }
0x3: {  	_ = 	snop  }
0x4: {  	_ = 	snop  }
0x5: {  	_ = 	snop  }
0x6: {  	_ = 	snop  }
0x7: {  	_ = 	snop  }
__scs_overlays_trampoline_lowered:
0x8: {  	[smem:$0x3FAE] =	sst s0  }
0x9: {  	[smem:$0x3FAF] =	sst s1  }
0xa: {  	[smem:$0x3FB0] =	sst s2  }
0xb: {  	[smem:$0x3FB1] =	sst s3  }
0xc: {  	[smem:$0x3FB2] =	sst s4  }
0xd: {  	[smem:$0x3FB3] =	sst s5  }
0xe: {  	[smem:$0x3FB4] =	sst s6  }
0xf: {  	[smem:$0x3FB5] =	sst s7  }
0x10: {  	[smem:$0x3FB6] =	sst s8  }
0x11: {  	[smem:$0x3FB7] =	sst s9;
	s0 =	simm.s32 @!p0 $0x0  }
0x12: {  	s1 =	sld [smem:$0x3F9D];
	s0 =	simm.s32 @p0 $0x1  }
0x13: {  	[smem:$0x3FB8] =	sst s0;
	s0 =	simm.s32 @!p1 $0x0  }
0x14: {  	s2 =	sld [smem:$0x3F9C];
	s0 =	simm.s32 @p1 $0x1  }
0x15: {  	[smem:$0x3FB9] =	sst s0;
	s0 =	simm.s32 @!p2 $0x0  }
0x16: {  	s3 =	sld [smem:$0x3FDB];
	s0 =	simm.s32 @p2 $0x1  }
0x17: {  	s4 =	simm.s32 $0x1BF5;
	[smem:$0x3FBB] =	sst s0  }
0x18: {  	s0 =	sld [smem:$0x3F9E];
	_ =	swait.ge [sflag:s4], $0x0  }
0x19: {  	s7 =	sld [smem:$0x3F9F]  }
0x1a: {  	s8 =	sadd.s32 $0xFFFFE003, lr  }
0x1b: {  	s9 =	sadd.s32 $0xFFFFFEF7, lr;
	s5 =	simm.s32 $0xFFFFFFFF;
	p2 =	slt.u32 s8, $0xFFFFF086  }
0x1c: {  	p1 =	slt.u32 s9, $0xF7A;
	s5 =	simm.s32 @!p2 $0x0  }
0x1d: {  	s5 =	simm.s32 @p1 $0x1;
	p0 =	seq.s32 s7, s2  }
0x1e: {  	s7 =	smul.u32 @!p0 $0xF7A, s2;
	p2 =	seq.s32 @!p0 s5, $0x0  }
0x1f: {  	s9 =	smul.u32 $0xF7A, s1;
	s8 =	simm.s32 @!p0 $0x1BF5;
	p2 =	por !p2, p0  }
0x20: {  	[sflag:s8] =	ssyncset.s32 @!p0 $0xFFFFF086;
	s6 =	sadd.s32 @!p0 s3, s7;
	s7 =	simm.s32 @!p0 $0x108  }
0x21: {  	s3 =	sadd.s32 s3, s9;
	s6 =	sadd.s32 @!p0 $0x88, s6;
	s7 =	simm.s32 @p2 $0x1082  }
0x22: {  	[simem:s7], [sflag:s8] =	dma.local @!p0 [hbm:s6], $0xF7A  }
0x23: {  	s9 =	sor.u32 $0xD0000000, s2;
	s6 =	simm.s32 $0x108;
	_ =	swait.ge @!p0 [sflag:s8], $0x0  }
0x24: {  	s3 =	sadd.s32 $0x88, s3;
	s6 =	simm.s32 @!p1 $0x1082;
	[sflag:s4] =	ssyncset.s32 $0xFFFFF086  }
0x25: {  	[simem:s6], [sflag:s4] =	dma.local [hbm:s3], $0xF7A  }
0x26: {  	[smem:$0x3F9F] =	sst s1;
	(tag) =	ssettag s2;
	_ =	strace s9  }
0x27: {  	s1 =	sld [smem:$0x3FAF]  }
0x28: {  	s2 =	sld [smem:$0x3FB0]  }
0x29: {  	s4 =	sld [smem:$0x3FB2]  }
0x2a: {  	p0 =	seq.s32 s5, $0x0;
	s5 =	sld [smem:$0x3FB3]  }
0x2b: {  	s6 =	sld [smem:$0x3FB4]  }
0x2c: {  	s7 =	sld [smem:$0x3FB5]  }
0x2d: {  	s3 =	simm.s32 $0x108;
	s8 =	sld [smem:$0x3FB6]  }
0x2e: {  	s3 =	simm.s32 @!p0 $0x1082;
	s9 =	sld [smem:$0x3FB7]  }
0x2f: {  	lr =	sadd.s32 s0, s3;
	s0 =	sld [smem:$0x3FAE]  }
0x30: {  	s3 =	sld [smem:$0x3FB1]  }
0x31: {  	[smem:$0x3FBA] =	sst s10  }
0x32: {  	s10 =	sld [smem:$0x3FB8];
	_ =	sdelay $0x3  }
0x33: {  	p0 =	seq.s32 s10, $0x1;
	s10 =	sld [smem:$0x3FBA];
	_ =	sdelay $0x3  }
0x34: {  	[smem:$0x3FBA] =	sst s10  }
0x35: {  	s10 =	sld [smem:$0x3FB9];
	_ =	sdelay $0x3  }
0x36: {  	p1 =	seq.s32 s10, $0x1;
	s10 =	sld [smem:$0x3FBA];
	_ =	sdelay $0x3  }
0x37: {  	[smem:$0x3FBA] =	sst s10  }
0x38: {  	s10 =	sld [smem:$0x3FBB]  }
0x39: {  	_ = 	snop;
	(pc) =	sbr.ind lr, $3  }
0x3a: {  	_ = 	snop  }
0x3b: {  	_ = 	snop  }
0x3c: {  	p2 =	seq.s32 s10, $0x1;
	s10 =	sld [smem:$0x3FBA]  }
0x3d: {  	_ =	shalt  }
0x3e: {  	_ =	shalt  }
0x3f: {  	_ =	shalt  }
0x40: {  	_ =	shalt  }
0x41: {  	_ =	shalt  }
0x42: {  	_ =	shalt  }
0x43: {  	_ =	shalt  }
0x44: {  	_ =	shalt  }
0x45: {  	_ =	shalt  }
0x46: {  	_ =	shalt  }
0x47: {  	_ =	shalt  }
0x48: {  	_ =	shalt  }
0x49: {  	_ =	shalt  }
0x4a: {  	_ =	shalt  }
0x4b: {  	_ =	shalt  }
0x4c: {  	_ =	shalt  }
0x4d: {  	_ =	shalt  }
0x4e: {  	_ =	shalt  }
0x4f: {  	_ =	shalt  }
0x50: {  	_ =	shalt  }
0x51: {  	_ =	shalt  }
0x52: {  	_ =	shalt  }
0x53: {  	_ =	shalt  }
0x54: {  	_ =	shalt  }
0x55: {  	_ =	shalt  }
0x56: {  	_ =	shalt  }
0x57: {  	_ =	shalt  }
0x58: {  	_ =	shalt  }
0x59: {  	_ =	shalt  }
0x5a: {  	_ =	shalt  }
0x5b: {  	_ =	shalt  }
0x5c: {  	_ =	shalt  }
0x5d: {  	_ =	shalt  }
0x5e: {  	_ =	shalt  }
0x5f: {  	_ =	shalt  }
0x60: {  	_ =	shalt  }
0x61: {  	_ =	shalt  }
0x62: {  	_ =	shalt  }
0x63: {  	_ =	shalt  }
0x64: {  	_ =	shalt  }
0x65: {  	_ =	shalt  }
0x66: {  	_ =	shalt  }
0x67: {  	_ =	shalt  }
0x68: {  	_ =	shalt  }
0x69: {  	_ =	shalt  }
0x6a: {  	_ =	shalt  }
0x6b: {  	_ =	shalt  }
0x6c: {  	_ =	shalt  }
0x6d: {  	_ =	shalt  }
0x6e: {  	_ =	shalt  }
0x6f: {  	_ =	shalt  }
0x70: {  	_ =	shalt  }
0x71: {  	_ =	shalt  }
0x72: {  	_ =	shalt  }
0x73: {  	_ =	shalt  }
0x74: {  	_ =	shalt  }
0x75: {  	_ =	shalt  }
0x76: {  	_ =	shalt  }
0x77: {  	_ =	shalt  }
0x78: {  	_ =	shalt  }
0x79: {  	_ =	shalt  }
0x7a: {  	_ =	shalt  }
0x7b: {  	_ =	shalt  }
0x7c: {  	_ =	shalt  }
0x7d: {  	_ =	shalt  }
0x7e: {  	_ =	shalt  }
0x7f: {  	_ =	shalt  }
0x80: {  	_ =	shalt  }
0x81: {  	_ =	shalt  }
0x82: {  	_ =	shalt  }
0x83: {  	_ =	shalt  }
0x84: {  	_ =	shalt  }
0x85: {  	_ =	shalt  }
0x86: {  	_ =	shalt  }
0x87: {  	_ =	shalt  }
.Lfunc_end0:
.L_simem_size_0:
called_computation_lowered:
.L_overlay_start_0:
0x88: {  	s2 =	sld [smem:$0x3FD9]  }
0x89: {  	s3 =	sld [smem:$0x3FFE];
	_ =	sdelay $0x1  }
0x8a: {  	s1 =	srdreg.scid  }
0x8b: {  	s0 =	sand.u32 $0x1, s1  }
0x8c: {  	s17 =	sshll.u32 s0, $0xA;
	s2 =	sadd.s32 s3, s2  }
0x8d: {  	s2 =	sadd.s32 s2, s17  }
0x8e: {  	[smem:$0x3FC6] =	sst s2  }
0x8f: {  	_ = 	snop  }
0x90: {  	s2 =	sld [smem:$0x3FC9]  }
0x91: {  	s18 =	sld [smem:$0x3FD0];
	(tm) =	ssettm $0x1  }
0x92: {  	s4 =	sld [smem:$0x3FFB];
	_ =	sdelay $0x3  }
0x93: {  	_ =	strace s4  }
0x94: {  	s4 =	sld [smem:$0x3FFC];
	_ =	sdelay $0x3  }
0x95: {  	_ =	strace s4  }
0x96: {  	s4 =	sld [smem:$0x3FFD];
	_ =	sdelay $0x3  }
0x97: {  	_ =	strace s4  }
0x98: {  	_ =	strace $0x8FFFFFFF  }
0x99: {  	s19 =	sld [smem:$0x3FDB];
	_ =	sdelay $0x1  }
0x9a: {  	s5 =	simm.s32 $_scs_section_size  }
0x9b: {  	s6 =	simm.s32 $_size__tile_overlayer_lowered;
	s7 =	simm.s32 $_tile_overlayer_lowered  }
0x9c: {  	s22 =	simm.s32 $0x1BFF;
	s21 =	sshll.u32 s7, $0x1;
	s4 =	sadd.s32 s5, s19  }
0x9d: {  	s8 =	simm.s32 $0x0;
	s20 =	sshll.u32 s6, $0x1;
	s6 =	sadd.s32 s21, s4  }
0x9e: {  	[timem:s8], [sflag:s22] =	dma.local [hbm:s6], s20  }
0x9f: {  	_ =	swait.ge [sflag:s22], s20  }
0xa0: {  	s5 =	ssub.s32 $0x0, s20;
	[sflag:s22] =	ssyncset.done $0x0  }
0xa1: {  	[sflag:s22] =	ssyncadd.s32 s5;
	_ =	sdelay $0x1  }
0xa2: {  	s23 =	simm.s32 $0x1B8B  }
0xa3: {  	_ =	swait.ge [sflag:s23], $0x1  }
0xa4: {  	[sflag:s23] =	ssyncset.done $0x0  }
0xa5: {  	s25 =	simm.s32 $0x1B8E;
	s24 =	sld [smem:$0x3FFE];
	[sflag:s23] =	ssyncadd.s32 $0xFFFFFFFF  }
0xa6: {  	s26 =	simm.s32 $execute0_lowered;
	[smem:$0x3FD2] =	sst s25  }
0xa7: {  	s6 =	sshll.u32 s26, $0x1;
	_ =	strace $0x80000046;
	[dreg:$0x1] =	wrdreg $0xFFFFFFFF  }
0xa8: {  	s28 =	simm.s32 $_size_execute0_lowered;
	s4 =	sadd.s32 s4, s6;
	[dreg:$0x0] =	wrdreg $0x0  }
0xa9: {  	s6 =	sshll.u32 s28, $0x1;
	[dreg:$0x2] =	wrdreg s4  }
0xaa: {  	[dreg:$0x3] =	wrdreg s6  }
0xab: {  	[dreg:$0x4] =	wrdreg $0xC0  }
0xac: {  	_ =	task [dreg:s8], $0x5FFFF  }
0xad: {  	[dreg:$0x1] =	wrdreg $0xFFFFFFFF  }
0xae: {  	[dreg:$0x0] =	wrdreg $0x60  }
0xaf: {  	[dreg:$0x2] =	wrdreg s2  }
0xb0: {  	[dreg:$0x3] =	wrdreg s24  }
0xb1: {  	[dreg:$0x4] =	wrdreg s18  }
0xb2: {  	[dreg:$0x5] =	wrdreg $0x0  }
0xb3: {  	[dreg:$0x6] =	wrdreg $0x9  }
0xb4: {  	_ =	task.clear_ibuf [dreg:s8], $0x7FFFF;
	_ =	strace $0x90000046  }
0xb5: {  	s29 =	simm.s32 $0x9;
	_ =	strace $0x80000048  }
0xb6: {  	_ =	swait.ge [sflag:s29], $0x1  }
0xb7: {  	[sflag:s29] =	ssyncadd.s32 $0xFFFFFFFF  }
0xb8: {  	_ =	strace $0x90000048  }
0xb9: {  	_ =	sfence  }
0xba: {  	s30 =	sld [smem:$0x0];
	_ =	sdelay $0x2  }
0xbb: {  	s31 =	sshll.u32 s1, $0xD;
	s1 =	sshrl.u32 s1, $0x2  }
0xbc: {  	s3 =	sand.u32 $0x4000, s31;
	s1 =	sadd.s32 s1, s30  }
0xbd: {  	s0 =	sor.u32 s3, s0;
	s1 =	sshll.u32 s1, $0x11  }
0xbe: {  	s0 =	sor.u32 s1, s0  }
0xbf: {  	s0 =	sadd.s32 $0x8F2B, s0  }
0xc0: {  	[sflag:s0] =	ssyncadd.remote.s32 $0x1  }
0xc1: {  	_ =	sfence.sel $0xFFFF  }
0xc2: {  	[dreg:$0x0] =	wrdreg $0xFFFFFFFF;
	(pc) =	sbr.abs _section_cstart, $3  }
0xc3: {  	[dreg:$0x1] =	wrdreg $0xFFFFFFFF  }
0xc4: {  	_ =	task.clear_ibuf [dreg:s8], $0x2FFFF;
	_ =	strace $0x9FFFFFFF  }
0xc5: {  	(tm) =	ssettm $0x7FFFFFFF  }
tec
execute0_lowered:
.L_overlay_start_1:
0x0: {  	(tag) =	ssettag $0x1  }
0x1: {  	s0 =	rddreg [dreg:$0x1]  }
0x2: {  	s1 =	rddreg [dreg:$0x2];
	s2 =	srdreg.scid  }
0x3: {  	s4 =	stileid.u32;
	s3 =	rddreg [dreg:$0x3];
	s8 =	simm.s32 $0x0  }
0x4: {  	s2 =	sand.u32 $0x1, s2;
	s5 =	sshll.u32 s4, $0x1;
	s19 =	smul.u32 $0x62, s4  }
0x5: {  	s5 =	sor.u32 s2, s5;
	s7 =	ssub.s32 $0x2, s2;
	s2 =	smul.u32 $0x31, s2  }
0x6: {  	s28 =	simm.s32 $0xCF00;
	s29 =	simm.s32 $0x4D80;
	s6 =	smul.u32 $0x380, s5  }
0x7: {  	s30 =	simm.s32 $0x10F00;
	s31 =	simm.s32 $0x4E00;
	s9 =	smul.u32 $0x31, s5  }
0x8: {  	[smem:$0x7FF] =	sst s8;
	s11 =	sshrl.u32 s7, $0x1;
	s13 =	smul.u32 $0x49800, s5  }
0x9: {  	_ =	strace $0x80000047;
	s10 =	smul.u32 $0x24C000, s5;
	s12 =	ssub.s32 s7, s11  }
0xa: {  	s7 =	sadd.s32 $0x80, s1;
	s25 =	sadd.s32 s2, s19;
	s2 =	simm.s32 $0x14F00  }
0xb: {  	s11 =	simm.s32 $0x5;
	s0 =	sadd.s32 s6, s0;
	s14 =	sadd.s32 $0x30, s9  }
0xc: {  	s9 =	simm.s32 $0xFFFFFFC0;
	s16 =	sadd.s32 s1, s13;
	s17 =	sadd.s32 s13, s7  }
0xd: {  	s18 =	sshrl.u32 s10, $0x3;
	s26 =	smax.u32 s12, $0x1;
	[dreg:$0x5] =	wrdreg s25  }
0xe: {  	s25 =	simm.s32 $0x8F00;
	s6 =	simm.s32 $0xC00;
	s10 =	simm.s32 $0x4  }
0xf: {  	s12 =	simm.s32 $0x6;
	s0 =	sadd.s32 $0x400, s0;
	[dreg:$0x7] =	wrdreg s16  }
0x10: {  	s15 =	smin.u32 s14, $0x61A;
	p0 =	seq.s32 s14, $0x61A;
	[dreg:$0x8] =	wrdreg s17  }
0x11: {  	[dreg:$0x10] =	wrdreg s26;
	s26 =	simm.s32 $0x4D00;
	s14 =	simm.s32 $0x8  }
0x12: {  	s17 =	simm.s32 $0x0;
	s8 =	sshll.u32 s15, $0x7;
	s9 =	simm.s32 @!p0 $0x0  }
0x13: {  	[dreg:$0x6] =	wrdreg s0;
	s8 =	sadd.s32 s8, s9;
	s9 =	sadd.s32 $0x100, s1  }
0x14: {  	p0 =	seq.s32 s5, $0x1F;
	s5 =	simm.s32 $0x400;
	s0 =	sadd.s32 s13, s9  }
0x15: {  	s8 =	sshrl.u32 s8, $0x3;
	[dreg:$0x9] =	wrdreg s0;
	s0 =	sadd.s32 $0x1800, s18  }
0x16: {  	s15 =	simm.s32 $0x9;
	s8 =	smul.u32 $0x180, s8;
	s20 =	sadd.s32 s1, s0  }
0x17: {  	s13 =	simm.s32 $0x7;
	s21 =	sadd.s32 s0, s7;
	[dreg:$0xa] =	wrdreg s20  }
0x18: {  	s0 =	sadd.s32 s0, s9;
	s8 =	simm.s32 @p0 $0x0;
	[dreg:$0xb] =	wrdreg s21  }
0x19: {  	s18 =	simm.s32 $0x2;
	[dreg:$0xc] =	wrdreg s0;
	s22 =	sadd.s32 s1, s8  }
0x1a: {  	p0 =	sne.s32 s4, $0x0;
	s23 =	sadd.s32 s8, s7;
	[dreg:$0xd] =	wrdreg s22  }
0x1b: {  	s21 =	simm.s32 $0x80;
	s24 =	sadd.s32 s8, s9;
	[dreg:$0xe] =	wrdreg s23  }
0x1c: {  	s4 =	simm.s32 $0x18F00;
	s0 =	sshrl.u32 @!p0 s3, $0x3;
	[dreg:$0xf] =	wrdreg s24  }
0x1d: {  	s8 =	simm.s32 $0x3;
	[dreg:$0x11] =	wrdreg s0;
	s22 =	simm.s32 $0x4C00  }
0x1e: {  	s23 =	simm.s32 $0x4F00;
	s24 =	simm.s32 $0x4C80;
	s0 =	simm.s32 $0x4E80  }
.LBB2_1:
0x1f: {  	[dreg:$0x12] =	wrdreg s17  }
0x20: {  	s16 =	simm.s32 $0x0;
	s20 =	rddreg [dreg:$0x6];
	s19 =	simm.s32 $0x3000  }
0x21: {  	[tilespmem:s19], [sflag:$0x1] =	stream.linear.gather [hbm4b:s20+s16], $0x1880, $0x38;
	[tilespmem:$0x1CF00] =	vst v63  }
0x22: {  	s16 =	rddreg [dreg:$0x0]  }
0x23: {  	s17 =	simm.s32 @!p0 $0x1C0A;
	s19 =	rddreg [dreg:$0x11]  }
0x24: {  	[spmem:s19], [sflag:s17] =	dma.local @!p0 [hbm:s16], $0x6000  }
0x25: {  	s17 =	simm.s32 @!p0 $0xA  }
0x26: {  	_ =	swait.ge @!p0 [sflag:s17], $0x6000  }
0x27: {  	[sflag:s17] =	ssyncset.done @!p0 $0x0  }
0x28: {  	[sflag:s17] =	ssyncadd.s32 @!p0 $0xFFFFA000  }
0x29: {  	s19 =	simm.s32 $0x1;
	[bflag:$0x0] =	sbarrier.arrive $0xFFFF  }
0x2a: {  	_ =	swait.ge [sflag:s19], $0x1880  }
0x2b: {  	[sflag:s19] =	ssyncset.done $0x0  }
0x2c: {  	[sflag:s19] =	ssyncadd.s32 $0xFFFFE780  }
0x2d: {  	v0 =	vld [tilespmem:$0x3000]  }
0x2e: {  	v1 =	vld [tilespmem:$0x3010]  }
0x2f: {  	v33 =	vld [tilespmem:$0x3020]  }
0x30: {  	v36 =	vld [tilespmem:$0x3030];
	_ =	sdelay $0x1  }
0x31: {  	v42 =	vld [tilespmem:$0x3040];
	v2 =	vshrl.u32 v0, $0x18;
	v3 =	vshrl.u32 v0, $0x6;
	v4 =	vshrl.u32 v0, $0xE  }
0x32: {  	v53 =	vld [tilespmem:$0x3050];
	v0 =	vshll.u32 v0, $0x2;
	v5 =	vshrl.u32 v1, $0x18;
	v6 =	vshrl.u32 v1, $0x6  }
0x33: {  	v63 =	vld [tilespmem:$0x3060];
	v7 =	vshrl.u32 v1, $0xE;
	v1 =	vshll.u32 v1, $0x2;
	v8 =	vshrl.u32 v33, $0x18  }
0x34: {  	v9 =	vshrl.u32 v33, $0x6;
	v10 =	vshrl.u32 v33, $0xE;
	v43 =	vshrl.u32 v36, $0x18  }
0x35: {  	v44 =	vshrl.u32 v36, $0x6;
	v45 =	vshrl.u32 v36, $0xE;
	v46 =	vshll.u32 v36, $0x2  }
0x36: {  	v54 =	vshrl.u32 v42, $0x18;
	v55 =	vshrl.u32 v42, $0x6;
	v56 =	vshrl.u32 v42, $0xE  }
0x37: {  	v57 =	vshll.u32 v42, $0x2;
	v12 =	vshrl.u32 v53, $0x18;
	v13 =	vshrl.u32 v53, $0x6  }
0x38: {  	v14 =	vshrl.u32 v53, $0xE;
	v15 =	vshll.u32 v53, $0x2;
	v24 =	vshrl.u32 v63, $0x18  }
0x39: {  	v25 =	vshrl.u32 v63, $0x6;
	v26 =	vshrl.u32 v63, $0xE;
	v0 =	vand.u32 $0x3FC, v0  }
0x3a: {  	v3 =	vand.u32 $0x3FC, v3;
	v1 =	vand.u32 $0x3FC, v1;
	v0 =	vadd.s32 v2, v0  }
0x3b: {  	v4 =	vand.u32 $0x3FC, v4;
	v3 =	vadd.s32 v2, v3;
	v1 =	vadd.s32 v5, v1;
	[tilespmem:$0x4C00] =	vst v0  }
0x3c: {  	v6 =	vand.u32 $0x3FC, v6;
	v4 =	vadd.s32 v2, v4;
	v31 =	vadd.s32 $0x200, v3;
	[tilespmem:$0x4C10] =	vst v1  }
0x3d: {  	v7 =	vand.u32 $0x3FC, v7;
	v6 =	vadd.s32 v5, v6;
	v32 =	vadd.s32 $0x400, v4;
	[tilespmem:$0x4C80] =	vst v31  }
0x3e: {  	v9 =	vand.u32 $0x3FC, v9;
	v7 =	vadd.s32 v5, v7;
	v34 =	vadd.s32 $0x200, v6;
	[tilespmem:$0x4D00] =	vst v32  }
0x3f: {  	v10 =	vand.u32 $0x3FC, v10;
	v38 =	vadd.s32 v8, v9;
	v35 =	vadd.s32 $0x400, v7;
	[tilespmem:$0x4C90] =	vst v34  }
0x40: {  	v47 =	vand.u32 $0x3FC, v44;
	v39 =	vadd.s32 v8, v10;
	v40 =	vadd.s32 $0x200, v38;
	[tilespmem:$0x4D10] =	vst v35  }
0x41: {  	v48 =	vand.u32 $0x3FC, v45;
	v49 =	vadd.s32 v43, v47;
	v41 =	vadd.s32 $0x400, v39;
	[tilespmem:$0x4CA0] =	vst v40  }
0x42: {  	v58 =	vand.u32 $0x3FC, v56;
	v50 =	vadd.s32 v43, v48;
	v51 =	vadd.s32 $0x200, v49;
	[tilespmem:$0x4D20] =	vst v41  }
0x43: {  	v16 =	vand.u32 $0x3FC, v13;
	v60 =	vadd.s32 v54, v58;
	v52 =	vadd.s32 $0x400, v50;
	[tilespmem:$0x4CB0] =	vst v51  }
0x44: {  	v17 =	vand.u32 $0x3FC, v14;
	v19 =	vadd.s32 v12, v16;
	v62 =	vadd.s32 $0x400, v60;
	[tilespmem:$0x4D30] =	vst v52  }
0x45: {  	v27 =	vshll.u32 v63, $0x2;
	v20 =	vadd.s32 v12, v17;
	v21 =	vadd.s32 $0x200, v19;
	[tilespmem:$0x4D40] =	vst v62  }
0x46: {  	v23 =	vld [tilespmem:$0x3070];
	v4 =	vshll.u32 v33, $0x2;
	v1 =	vand.u32 $0x3FC, v46;
	v22 =	vadd.s32 $0x400, v20;
	[tilespmem:$0x4CD0] =	vst v21  }
0x47: {  	v7 =	vand.u32 $0x3FC, v55;
	v37 =	vand.u32 $0x3FC, v4;
	v1 =	vadd.s32 v43, v1;
	[tilespmem:$0x4D50] =	vst v22  }
0x48: {  	v28 =	vand.u32 $0x3FC, v25;
	v59 =	vadd.s32 v54, v7;
	v0 =	vadd.s32 v8, v37;
	[tilespmem:$0x4C30] =	vst v1  }
0x49: {  	v29 =	vand.u32 $0x3FC, v26;
	v30 =	vadd.s32 v24, v28;
	v61 =	vadd.s32 $0x200, v59;
	[tilespmem:$0x4C20] =	vst v0  }
0x4a: {  	v18 =	vand.u32 $0x3FC, v15;
	v31 =	vadd.s32 v24, v29;
	v1 =	vadd.s32 $0x200, v30;
	[tilespmem:$0x4CC0] =	vst v61  }
0x4b: {  	v2 =	vand.u32 $0x3FC, v57;
	v33 =	vshrl.u32 v23, $0x18;
	v32 =	vadd.s32 $0x400, v31;
	[tilespmem:$0x4CE0] =	vst v1  }
0x4c: {  	v38 =	vshrl.u32 v23, $0xE;
	v34 =	vshll.u32 v23, $0x2;
	v0 =	vadd.s32 v54, v2;
	[tilespmem:$0x4D60] =	vst v32  }
0x4d: {  	v35 =	vshrl.u32 v23, $0x6;
	v36 =	vand.u32 $0x3FC, v34;
	[tilespmem:$0x4C40] =	vst v0;
	v0 =	vadd.s32 v12, v18  }
0x4e: {  	v37 =	vand.u32 $0x3FC, v35;
	v1 =	vadd.s32 v33, v36;
	[tilespmem:$0x4C50] =	vst v0;
	v0 =	vand.u32 $0x3FC, v27  }
0x4f: {  	v40 =	vand.u32 $0x3FC, v38;
	v39 =	vadd.s32 v33, v37;
	[tilespmem:$0x4C70] =	vst v1;
	v0 =	vadd.s32 v24, v0  }
0x50: {  	v41 =	vadd.s32 $0x200, v39;
	[tilespmem:$0x4C60] =	vst v0;
	v0 =	vadd.s32 v33, v40  }
0x51: {  	[tilespmem:$0x4CF0] =	vst v41;
	v0 =	vadd.s32 $0x400, v0  }
0x52: {  	[tilespmem:$0x4D70] =	vst v0  }
0x53: {  	[tilespmem:s23], [sflag:$0x2] =	stream.indirect.gather [spmem:s3], $0x80, s22, s21, $0xb8;
	[tilespmem:$0x1CF00] =	vst v63  }
0x54: {  	_ = 	snop  }
0x55: {  	[tilespmem:s25], [sflag:$0x3] =	stream.indirect.gather [spmem:s3], $0x80, s24, s21, $0xb8;
	[tilespmem:$0x1CF00] =	vst v63  }
0x56: {  	_ = 	snop  }
0x57: {  	[tilespmem:s28], [sflag:$0x4] =	stream.indirect.gather [spmem:s3], $0x80, s26, s21, $0xb8;
	[tilespmem:$0x1CF00] =	vst v63  }
0x58: {  	v42 =	vld [tilespmem:$0x3080]  }
0x59: {  	v43 =	vld [tilespmem:$0x3090]  }
0x5a: {  	v49 =	vld [tilespmem:$0x30A0]  }
0x5b: {  	v55 =	vld [tilespmem:$0x30B0];
	_ =	sdelay $0x1  }
0x5c: {  	v12 =	vld [tilespmem:$0x30C0];
	v44 =	vshrl.u32 v42, $0x18;
	v45 =	vshrl.u32 v42, $0x6;
	v46 =	vshrl.u32 v42, $0xE  }
0x5d: {  	v23 =	vld [tilespmem:$0x30D0];
	v0 =	vshll.u32 v42, $0x2;
	v50 =	vshrl.u32 v43, $0x18;
	v51 =	vshrl.u32 v43, $0x6  }
0x5e: {  	v52 =	vshrl.u32 v43, $0xE;
	v1 =	vshll.u32 v43, $0x2;
	v56 =	vshrl.u32 v49, $0x18  }
0x5f: {  	v57 =	vshrl.u32 v49, $0x6;
	v58 =	vshrl.u32 v49, $0xE;
	v13 =	vshrl.u32 v55, $0x18  }
0x60: {  	v14 =	vshrl.u32 v55, $0x6;
	v15 =	vshrl.u32 v55, $0xE;
	v16 =	vshll.u32 v55, $0x2  }
0x61: {  	v24 =	vshrl.u32 v12, $0x18;
	v25 =	vshrl.u32 v12, $0x6;
	v26 =	vshrl.u32 v12, $0xE  }
0x62: {  	v27 =	vshll.u32 v12, $0x2;
	v34 =	vshrl.u32 v23, $0x18;
	v35 =	vshrl.u32 v23, $0x6  }
0x63: {  	v36 =	vshrl.u32 v23, $0xE;
	v37 =	vshll.u32 v23, $0x2;
	v3 =	vand.u32 $0x3FC, v45  }
0x64: {  	v4 =	vand.u32 $0x3FC, v46;
	v0 =	vand.u32 $0x3FC, v0;
	v6 =	vand.u32 $0x3FC, v51  }
0x65: {  	v7 =	vand.u32 $0x3FC, v52;
	v1 =	vand.u32 $0x3FC, v1;
	v0 =	vadd.s32 v44, v0  }
0x66: {  	v9 =	vand.u32 $0x3FC, v57;
	v3 =	vadd.s32 v44, v3;
	v1 =	vadd.s32 v50, v1;
	[tilespmem:$0x4D80] =	vst v0  }
0x67: {  	v10 =	vand.u32 $0x3FC, v58;
	v4 =	vadd.s32 v44, v4;
	v47 =	vadd.s32 $0x200, v3;
	[tilespmem:$0x4D90] =	vst v1  }
0x68: {  	v17 =	vand.u32 $0x3FC, v14;
	v6 =	vadd.s32 v50, v6;
	v48 =	vadd.s32 $0x400, v4;
	[tilespmem:$0x4E00] =	vst v47  }
0x69: {  	v18 =	vand.u32 $0x3FC, v15;
	v7 =	vadd.s32 v50, v7;
	v53 =	vadd.s32 $0x200, v6;
	[tilespmem:$0x4E80] =	vst v48  }
0x6a: {  	v33 =	vld [tilespmem:$0x30E0];
	v28 =	vand.u32 $0x3FC, v26;
	v60 =	vadd.s32 v56, v9;
	v54 =	vadd.s32 $0x400, v7;
	[tilespmem:$0x4E10] =	vst v53  }
0x6b: {  	v2 =	vand.u32 $0x3FC, v27;
	v61 =	vadd.s32 v56, v10;
	v62 =	vadd.s32 $0x200, v60;
	[tilespmem:$0x4E90] =	vst v54  }
0x6c: {  	v38 =	vand.u32 $0x3FC, v35;
	v19 =	vadd.s32 v13, v17;
	v63 =	vadd.s32 $0x400, v61;
	[tilespmem:$0x4E20] =	vst v62  }
0x6d: {  	v39 =	vand.u32 $0x3FC, v36;
	v20 =	vadd.s32 v13, v18;
	v21 =	vadd.s32 $0x200, v19;
	[tilespmem:$0x4EA0] =	vst v63  }
0x6e: {  	v40 =	vand.u32 $0x3FC, v37;
	v30 =	vadd.s32 v24, v28;
	v22 =	vadd.s32 $0x400, v20;
	[tilespmem:$0x4E30] =	vst v21  }
0x6f: {  	v46 =	vshrl.u32 v33, $0x18;
	v41 =	vadd.s32 v34, v38;
	v32 =	vadd.s32 $0x400, v30;
	[tilespmem:$0x4EB0] =	vst v22  }
0x70: {  	v42 =	vadd.s32 v34, v39;
	v4 =	vshll.u32 v49, $0x2;
	v43 =	vadd.s32 $0x200, v41;
	[tilespmem:$0x4EC0] =	vst v32  }
0x71: {  	v45 =	vld [tilespmem:$0x30F0];
	v1 =	vand.u32 $0x3FC, v16;
	v7 =	vand.u32 $0x3FC, v25;
	v44 =	vadd.s32 $0x400, v42;
	[tilespmem:$0x4E50] =	vst v43  }
0x72: {  	v49 =	vshll.u32 v33, $0x2;
	v59 =	vand.u32 $0x3FC, v4;
	v1 =	vadd.s32 v13, v1;
	[tilespmem:$0x4ED0] =	vst v44  }
0x73: {  	v29 =	vadd.s32 v24, v7;
	v47 =	vshrl.u32 v33, $0x6;
	v0 =	vadd.s32 v56, v59;
	[tilespmem:$0x4DB0] =	vst v1  }
0x74: {  	v48 =	vshrl.u32 v33, $0xE;
	v31 =	vadd.s32 $0x200, v29;
	v50 =	vand.u32 $0x3FC, v47;
	[tilespmem:$0x4DA0] =	vst v0  }
0x75: {  	v51 =	vand.u32 $0x3FC, v48;
	v0 =	vadd.s32 v24, v2;
	[tilespmem:$0x4E40] =	vst v31;
	v52 =	vadd.s32 v46, v50  }
0x76: {  	v53 =	vadd.s32 v46, v51;
	v55 =	vshrl.u32 v45, $0x18;
	[tilespmem:$0x4DC0] =	vst v0;
	v0 =	vadd.s32 v34, v40  }
0x77: {  	v56 =	vshll.u32 v45, $0x2;
	v57 =	vshrl.u32 v45, $0x6;
	v1 =	vadd.s32 $0x200, v52;
	[tilespmem:$0x4DD0] =	vst v0  }
0x78: {  	v60 =	vshrl.u32 v45, $0xE;
	v54 =	vadd.s32 $0x400, v53;
	v58 =	vand.u32 $0x3FC, v56;
	[tilespmem:$0x4E60] =	vst v1  }
0x79: {  	v59 =	vand.u32 $0x3FC, v57;
	v0 =	vand.u32 $0x3FC, v49;
	[tilespmem:$0x4EE0] =	vst v54;
	v1 =	vadd.s32 v55, v58  }
0x7a: {  	v62 =	vand.u32 $0x3FC, v60;
	v61 =	vadd.s32 v55, v59;
	v0 =	vadd.s32 v46, v0;
	[tilespmem:$0x4DF0] =	vst v1  }
0x7b: {  	v63 =	vadd.s32 $0x200, v61;
	[tilespmem:$0x4DE0] =	vst v0;
	v0 =	vadd.s32 v55, v62  }
0x7c: {  	[tilespmem:$0x4E70] =	vst v63;
	v0 =	vadd.s32 $0x400, v0  }
0x7d: {  	[tilespmem:$0x4EF0] =	vst v0  }
0x7e: {  	[tilespmem:s30], [sflag:$0x5] =	stream.indirect.gather [spmem:s3], $0x80, s29, s21, $0xb8;
	[tilespmem:$0x1CF00] =	vst v63  }
0x7f: {  	_ = 	snop  }
0x80: {  	[tilespmem:s2], [sflag:$0x6] =	stream.indirect.gather [spmem:s3], $0x80, s31, s21, $0xb8;
	[tilespmem:$0x1CF00] =	vst v63  }
0x81: {  	_ = 	snop  }
0x82: {  	[tilespmem:s4], [sflag:$0x7] =	stream.indirect.gather [spmem:s3], $0x80, s0, s21, $0xb8;
	[tilespmem:$0x1CF00] =	vst v63  }
0x83: {  	_ =	swait.ge [sflag:s18], $0x4000  }
0x84: {  	[sflag:s18] =	ssyncset.done $0x0  }
0x85: {  	s20 =	rddreg [dreg:$0x7];
	[sflag:s18] =	ssyncadd.s32 $0xFFFFC000  }
0x86: {  	[hbm4b:s20+s5] =	stream.strided.scatter [tilespmem:s23], [sflag:$0x8], $0x4000, s6, s5, $0x38;
	[tilespmem:$0x1CF00] =	vst v63  }
0x87: {  	_ =	swait.ge [sflag:s8], $0x4000  }
0x88: {  	[sflag:s8] =	ssyncset.done $0x0  }
0x89: {  	s29 =	rddreg [dreg:$0x8];
	[sflag:s8] =	ssyncadd.s32 $0xFFFFC000  }
0x8a: {  	[hbm4b:s29+s5] =	stream.strided.scatter [tilespmem:s25], [sflag:$0x8], $0x4000, s6, s5, $0x38;
	[tilespmem:$0x1CF00] =	vst v63  }
0x8b: {  	_ =	swait.ge [sflag:s10], $0x4000  }
0x8c: {  	[sflag:s10] =	ssyncset.done $0x0  }
0x8d: {  	s17 =	rddreg [dreg:$0x9];
	[sflag:s10] =	ssyncadd.s32 $0xFFFFC000  }
0x8e: {  	[hbm4b:s17+s5] =	stream.strided.scatter [tilespmem:s28], [sflag:$0x8], $0x4000, s6, s5, $0x38;
	[tilespmem:$0x1CF00] =	vst v63  }
0x8f: {  	_ =	swait.ge [sflag:s11], $0x4000  }
0x90: {  	[sflag:s11] =	ssyncset.done $0x0  }
0x91: {  	s19 =	rddreg [dreg:$0xa];
	[sflag:s11] =	ssyncadd.s32 $0xFFFFC000  }
0x92: {  	[hbm4b:s19+s5] =	stream.strided.scatter [tilespmem:s30], [sflag:$0x9], $0x4000, s6, s5, $0x38;
	[tilespmem:$0x1CF00] =	vst v63  }
0x93: {  	_ =	swait.ge [sflag:s12], $0x4000  }
0x94: {  	[sflag:s12] =	ssyncset.done $0x0  }
0x95: {  	s20 =	rddreg [dreg:$0xb];
	[sflag:s12] =	ssyncadd.s32 $0xFFFFC000  }
0x96: {  	[hbm4b:s20+s5] =	stream.strided.scatter [tilespmem:s2], [sflag:$0x9], $0x4000, s6, s5, $0x38;
	[tilespmem:$0x1CF00] =	vst v63  }
0x97: {  	_ =	swait.ge [sflag:s13], $0x4000  }
0x98: {  	s17 =	simm.s32 $0x31F0;
	[sflag:s13] =	ssyncset.done $0x0  }
0x99: {  	s19 =	simm.s32 $0x0;
	s29 =	rddreg [dreg:$0xc];
	[sflag:s13] =	ssyncadd.s32 $0xFFFFC000  }
0x9a: {  	[hbm4b:s29+s5] =	stream.strided.scatter [tilespmem:s4], [sflag:$0x9], $0x4000, s6, s5, $0x38;
	[tilespmem:$0x1CF00] =	vst v63  }
.LBB2_2:
0x9b: {  	_ =	swait.ge [sflag:s14], $0x4000  }
0x9c: {  	[sflag:s14] =	ssyncset.done $0x0  }
0x9d: {  	[sflag:s14] =	ssyncadd.s32 $0xFFFFC000  }
0x9e: {  	_ =	swait.ge [sflag:s14], $0x4000  }
0x9f: {  	[sflag:s14] =	ssyncset.done $0x0  }
0xa0: {  	[sflag:s14] =	ssyncadd.s32 $0xFFFFC000  }
0xa1: {  	_ =	swait.ge [sflag:s14], $0x4000  }
0xa2: {  	[sflag:s14] =	ssyncset.done $0x0  }
0xa3: {  	[sflag:s14] =	ssyncadd.s32 $0xFFFFC000  }
0xa4: {  	v0 =	vld [tilespmem:s17+$0xFFFFFF10];
	_ =	sdelay $0x4  }
0xa5: {  	v1 =	vshrl.u32 v0, $0x18;
	v2 =	vshll.u32 v0, $0x2;
	v3 =	vshrl.u32 v0, $0x6  }
0xa6: {  	v0 =	vshrl.u32 v0, $0xE;
	v2 =	vand.u32 $0x3FC, v2;
	v3 =	vand.u32 $0x3FC, v3  }
0xa7: {  	v0 =	vand.u32 $0x3FC, v0;
	v2 =	vadd.s32 v1, v2;
	v3 =	vadd.s32 v1, v3  }
0xa8: {  	v0 =	vadd.s32 v1, v0;
	[tilespmem:$0x4C00] =	vst v2;
	v60 =	vadd.s32 $0x200, v3  }
0xa9: {  	v0 =	vadd.s32 $0x400, v0;
	[tilespmem:$0x4C80] =	vst v60  }
0xaa: {  	[tilespmem:$0x4D00] =	vst v0  }
0xab: {  	v0 =	vld [tilespmem:s17+$0xFFFFFF20];
	_ =	sdelay $0x4  }
0xac: {  	v61 =	vshrl.u32 v0, $0x18;
	v62 =	vshll.u32 v0, $0x2;
	v63 =	vshrl.u32 v0, $0x6  }
0xad: {  	v0 =	vshrl.u32 v0, $0xE;
	v2 =	vand.u32 $0x3FC, v62;
	v3 =	vand.u32 $0x3FC, v63  }
0xae: {  	v0 =	vand.u32 $0x3FC, v0;
	v2 =	vadd.s32 v61, v2;
	v3 =	vadd.s32 v61, v3  }
0xaf: {  	v0 =	vadd.s32 v61, v0;
	[tilespmem:$0x4C10] =	vst v2;
	v6 =	vadd.s32 $0x200, v3  }
0xb0: {  	v0 =	vadd.s32 $0x400, v0;
	[tilespmem:$0x4C90] =	vst v6  }
0xb1: {  	[tilespmem:$0x4D10] =	vst v0  }
0xb2: {  	v0 =	vld [tilespmem:s17+$0xFFFFFF30];
	_ =	sdelay $0x4  }
0xb3: {  	v7 =	vshrl.u32 v0, $0x18;
	v8 =	vshll.u32 v0, $0x2;
	v9 =	vshrl.u32 v0, $0x6  }
0xb4: {  	v0 =	vshrl.u32 v0, $0xE;
	v2 =	vand.u32 $0x3FC, v8;
	v3 =	vand.u32 $0x3FC, v9  }
0xb5: {  	v0 =	vand.u32 $0x3FC, v0;
	v2 =	vadd.s32 v7, v2;
	v3 =	vadd.s32 v7, v3  }
0xb6: {  	v0 =	vadd.s32 v7, v0;
	[tilespmem:$0x4C20] =	vst v2;
	v10 =	vadd.s32 $0x200, v3  }
0xb7: {  	v0 =	vadd.s32 $0x400, v0;
	[tilespmem:$0x4CA0] =	vst v10  }
0xb8: {  	[tilespmem:$0x4D20] =	vst v0  }
0xb9: {  	v0 =	vld [tilespmem:s17+$0xFFFFFF40];
	_ =	sdelay $0x4  }
0xba: {  	v11 =	vshrl.u32 v0, $0x18;
	v12 =	vshll.u32 v0, $0x2;
	v13 =	vshrl.u32 v0, $0x6  }
0xbb: {  	v0 =	vshrl.u32 v0, $0xE;
	v2 =	vand.u32 $0x3FC, v12;
	v3 =	vand.u32 $0x3FC, v13  }
0xbc: {  	v0 =	vand.u32 $0x3FC, v0;
	v2 =	vadd.s32 v11, v2;
	v3 =	vadd.s32 v11, v3  }
0xbd: {  	v0 =	vadd.s32 v11, v0;
	[tilespmem:$0x4C30] =	vst v2;
	v14 =	vadd.s32 $0x200, v3  }
0xbe: {  	v0 =	vadd.s32 $0x400, v0;
	[tilespmem:$0x4CB0] =	vst v14  }
0xbf: {  	[tilespmem:$0x4D30] =	vst v0  }
0xc0: {  	v0 =	vld [tilespmem:s17+$0xFFFFFF50];
	_ =	sdelay $0x4  }
0xc1: {  	v15 =	vshrl.u32 v0, $0x18;
	v16 =	vshll.u32 v0, $0x2;
	v17 =	vshrl.u32 v0, $0x6  }
0xc2: {  	v0 =	vshrl.u32 v0, $0xE;
	v2 =	vand.u32 $0x3FC, v16;
	v3 =	vand.u32 $0x3FC, v17  }
0xc3: {  	v0 =	vand.u32 $0x3FC, v0;
	v2 =	vadd.s32 v15, v2;
	v3 =	vadd.s32 v15, v3  }
0xc4: {  	v0 =	vadd.s32 v15, v0;
	[tilespmem:$0x4C40] =	vst v2;
	v18 =	vadd.s32 $0x200, v3  }
0xc5: {  	v0 =	vadd.s32 $0x400, v0;
	[tilespmem:$0x4CC0] =	vst v18  }
0xc6: {  	[tilespmem:$0x4D40] =	vst v0  }
0xc7: {  	v0 =	vld [tilespmem:s17+$0xFFFFFF60];
	_ =	sdelay $0x4  }
0xc8: {  	v19 =	vshrl.u32 v0, $0x18;
	v20 =	vshll.u32 v0, $0x2;
	v21 =	vshrl.u32 v0, $0x6  }
0xc9: {  	v0 =	vshrl.u32 v0, $0xE;
	v2 =	vand.u32 $0x3FC, v20;
	v3 =	vand.u32 $0x3FC, v21  }
0xca: {  	v0 =	vand.u32 $0x3FC, v0;
	v2 =	vadd.s32 v19, v2;
	v3 =	vadd.s32 v19, v3  }
0xcb: {  	v0 =	vadd.s32 v19, v0;
	[tilespmem:$0x4C50] =	vst v2;
	v22 =	vadd.s32 $0x200, v3  }
0xcc: {  	v0 =	vadd.s32 $0x400, v0;
	[tilespmem:$0x4CD0] =	vst v22  }
0xcd: {  	[tilespmem:$0x4D50] =	vst v0  }
0xce: {  	v0 =	vld [tilespmem:s17+$0xFFFFFF70];
	_ =	sdelay $0x4  }
0xcf: {  	v23 =	vshrl.u32 v0, $0x18;
	v24 =	vshll.u32 v0, $0x2;
	v25 =	vshrl.u32 v0, $0x6  }
0xd0: {  	v0 =	vshrl.u32 v0, $0xE;
	v2 =	vand.u32 $0x3FC, v24;
	v3 =	vand.u32 $0x3FC, v25  }
0xd1: {  	v0 =	vand.u32 $0x3FC, v0;
	v2 =	vadd.s32 v23, v2;
	v3 =	vadd.s32 v23, v3  }
0xd2: {  	v0 =	vadd.s32 v23, v0;
	[tilespmem:$0x4C60] =	vst v2;
	v26 =	vadd.s32 $0x200, v3  }
0xd3: {  	v0 =	vadd.s32 $0x400, v0;
	[tilespmem:$0x4CE0] =	vst v26  }
0xd4: {  	[tilespmem:$0x4D60] =	vst v0  }
0xd5: {  	v0 =	vld [tilespmem:s17+$0xFFFFFF80];
	_ =	sdelay $0x3  }
0xd6: {  	s20 =	rddreg [dreg:$0x5]  }
0xd7: {  	s20 =	sadd.s32 s19, s20;
	v27 =	vshrl.u32 v0, $0x18;
	v28 =	vshll.u32 v0, $0x2;
	v29 =	vshrl.u32 v0, $0x6  }
0xd8: {  	s16 =	sadd.s32 $0x2, s20;
	v0 =	vshrl.u32 v0, $0xE;
	v2 =	vand.u32 $0x3FC, v28;
	v3 =	vand.u32 $0x3FC, v29  }
0xd9: {  	s29 =	simm.s32 $0xFFFFFFC0;
	p1 =	slt.s32 s16, $0x61A;
	v0 =	vand.u32 $0x3FC, v0;
	v2 =	vadd.s32 v27, v2;
	v3 =	vadd.s32 v27, v3  }
0xda: {  	p2 =	sgt.u32 s16, $0x61A;
	s16 =	simm.s32 @!p1 $0x61A;
	p1 =	seq.s32 s20, $0x618;
	v0 =	vadd.s32 v27, v0;
	[tilespmem:$0x4C70] =	vst v2;
	v30 =	vadd.s32 $0x200, v3  }
0xdb: {  	s16 =	sshll.u32 s16, $0x7;
	s29 =	simm.s32 @!p1 $0x0;
	v0 =	vadd.s32 $0x400, v0;
	[tilespmem:$0x4CF0] =	vst v30  }
0xdc: {  	s16 =	sadd.s32 s16, s29;
	[tilespmem:$0x4D70] =	vst v0  }
0xdd: {  	[tilespmem:s23], [sflag:$0x2] =	stream.indirect.gather [spmem:s3], $0x80, s22, s21, $0xb8;
	[tilespmem:$0x1CF00] =	vst v63  }
0xde: {  	s16 =	sshrl.u32 s16, $0x3  }
0xdf: {  	[tilespmem:s25], [sflag:$0x3] =	stream.indirect.gather [spmem:s3], $0x80, s24, s21, $0xb8;
	[tilespmem:$0x1CF00] =	vst v63  }
0xe0: {  	s16 =	smul.u32 $0x180, s16  }
0xe1: {  	[tilespmem:s28], [sflag:$0x4] =	stream.indirect.gather [spmem:s3], $0x80, s26, s21, $0xb8;
	[tilespmem:$0x1CF00] =	vst v63  }
0xe2: {  	_ =	swait.ge [sflag:s18], $0x4000  }
0xe3: {  	s16 =	simm.s32 @p2 $0x0;
	[sflag:s18] =	ssyncset.done $0x0  }
0xe4: {  	s29 =	sadd.s32 s1, s16;
	[sflag:s18] =	ssyncadd.s32 $0xFFFFC000  }
0xe5: {  	[hbm4b:s29+s5] =	stream.strided.scatter [tilespmem:s23], [sflag:$0x8], $0x4000, s6, s5, $0x38;
	[tilespmem:$0x1CF00] =	vst v63  }
0xe6: {  	_ =	swait.ge [sflag:s8], $0x4000  }
0xe7: {  	[sflag:s8] =	ssyncset.done $0x0  }
0xe8: {  	s29 =	sadd.s32 s16, s7;
	[sflag:s8] =	ssyncadd.s32 $0xFFFFC000  }
0xe9: {  	[hbm4b:s29+s5] =	stream.strided.scatter [tilespmem:s25], [sflag:$0x8], $0x4000, s6, s5, $0x38;
	[tilespmem:$0x1CF00] =	vst v63  }
0xea: {  	_ =	swait.ge [sflag:s10], $0x4000  }
0xeb: {  	[sflag:s10] =	ssyncset.done $0x0  }
0xec: {  	s16 =	sadd.s32 s16, s9;
	[sflag:s10] =	ssyncadd.s32 $0xFFFFC000  }
0xed: {  	[hbm4b:s16+s5] =	stream.strided.scatter [tilespmem:s28], [sflag:$0x8], $0x4000, s6, s5, $0x38;
	[tilespmem:$0x1CF00] =	vst v63  }
0xee: {  	_ =	swait.ge [sflag:s15], $0x4000  }
0xef: {  	[sflag:s15] =	ssyncset.done $0x0  }
0xf0: {  	[sflag:s15] =	ssyncadd.s32 $0xFFFFC000  }
0xf1: {  	_ =	swait.ge [sflag:s15], $0x4000  }
0xf2: {  	[sflag:s15] =	ssyncset.done $0x0  }
0xf3: {  	[sflag:s15] =	ssyncadd.s32 $0xFFFFC000  }
0xf4: {  	_ =	swait.ge [sflag:s15], $0x4000  }
0xf5: {  	[sflag:s15] =	ssyncset.done $0x0  }
0xf6: {  	[sflag:s15] =	ssyncadd.s32 $0xFFFFC000  }
0xf7: {  	v31 =	vld [tilespmem:s17+$0xFFFFFF90];
	_ =	sdelay $0x4  }
0xf8: {  	v32 =	vshrl.u32 v31, $0x18;
	v33 =	vshll.u32 v31, $0x2;
	v34 =	vshrl.u32 v31, $0x6  }
0xf9: {  	v0 =	vshrl.u32 v31, $0xE;
	v2 =	vand.u32 $0x3FC, v33;
	v3 =	vand.u32 $0x3FC, v34  }
0xfa: {  	v0 =	vand.u32 $0x3FC, v0;
	v2 =	vadd.s32 v32, v2;
	v3 =	vadd.s32 v32, v3  }
0xfb: {  	v0 =	vadd.s32 v32, v0;
	[tilespmem:$0x4D80] =	vst v2;
	v35 =	vadd.s32 $0x200, v3  }
0xfc: {  	v0 =	vadd.s32 $0x400, v0;
	[tilespmem:$0x4E00] =	vst v35  }
0xfd: {  	[tilespmem:$0x4E80] =	vst v0  }
0xfe: {  	v0 =	vld [tilespmem:s17+$0xFFFFFFA0];
	_ =	sdelay $0x4  }
0xff: {  	v36 =	vshrl.u32 v0, $0x18;
	v37 =	vshll.u32 v0, $0x2;
	v38 =	vshrl.u32 v0, $0x6  }
0x100: {  	v0 =	vshrl.u32 v0, $0xE;
	v2 =	vand.u32 $0x3FC, v37;
	v3 =	vand.u32 $0x3FC, v38  }
0x101: {  	v0 =	vand.u32 $0x3FC, v0;
	v2 =	vadd.s32 v36, v2;
	v3 =	vadd.s32 v36, v3  }
0x102: {  	v0 =	vadd.s32 v36, v0;
	[tilespmem:$0x4D90] =	vst v2;
	v39 =	vadd.s32 $0x200, v3  }
0x103: {  	v0 =	vadd.s32 $0x400, v0;
	[tilespmem:$0x4E10] =	vst v39  }
0x104: {  	[tilespmem:$0x4E90] =	vst v0  }
0x105: {  	v0 =	vld [tilespmem:s17+$0xFFFFFFB0];
	_ =	sdelay $0x4  }
0x106: {  	v40 =	vshrl.u32 v0, $0x18;
	v41 =	vshll.u32 v0, $0x2;
	v42 =	vshrl.u32 v0, $0x6  }
0x107: {  	v0 =	vshrl.u32 v0, $0xE;
	v2 =	vand.u32 $0x3FC, v41;
	v3 =	vand.u32 $0x3FC, v42  }
0x108: {  	v0 =	vand.u32 $0x3FC, v0;
	v2 =	vadd.s32 v40, v2;
	v3 =	vadd.s32 v40, v3  }
0x109: {  	v0 =	vadd.s32 v40, v0;
	[tilespmem:$0x4DA0] =	vst v2;
	v43 =	vadd.s32 $0x200, v3  }
0x10a: {  	v0 =	vadd.s32 $0x400, v0;
	[tilespmem:$0x4E20] =	vst v43  }
0x10b: {  	[tilespmem:$0x4EA0] =	vst v0  }
0x10c: {  	v0 =	vld [tilespmem:s17+$0xFFFFFFC0];
	_ =	sdelay $0x4  }
0x10d: {  	v44 =	vshrl.u32 v0, $0x18;
	v45 =	vshll.u32 v0, $0x2;
	v46 =	vshrl.u32 v0, $0x6  }
0x10e: {  	v0 =	vshrl.u32 v0, $0xE;
	v2 =	vand.u32 $0x3FC, v45;
	v3 =	vand.u32 $0x3FC, v46  }
0x10f: {  	v0 =	vand.u32 $0x3FC, v0;
	v2 =	vadd.s32 v44, v2;
	v3 =	vadd.s32 v44, v3  }
0x110: {  	v0 =	vadd.s32 v44, v0;
	[tilespmem:$0x4DB0] =	vst v2;
	v47 =	vadd.s32 $0x200, v3  }
0x111: {  	v0 =	vadd.s32 $0x400, v0;
	[tilespmem:$0x4E30] =	vst v47  }
0x112: {  	[tilespmem:$0x4EB0] =	vst v0  }
0x113: {  	v0 =	vld [tilespmem:s17+$0xFFFFFFD0];
	_ =	sdelay $0x4  }
0x114: {  	v48 =	vshrl.u32 v0, $0x18;
	v49 =	vshll.u32 v0, $0x2;
	v50 =	vshrl.u32 v0, $0x6  }
0x115: {  	v0 =	vshrl.u32 v0, $0xE;
	v2 =	vand.u32 $0x3FC, v49;
	v3 =	vand.u32 $0x3FC, v50  }
0x116: {  	v0 =	vand.u32 $0x3FC, v0;
	v2 =	vadd.s32 v48, v2;
	v3 =	vadd.s32 v48, v3  }
0x117: {  	v0 =	vadd.s32 v48, v0;
	[tilespmem:$0x4DC0] =	vst v2;
	v51 =	vadd.s32 $0x200, v3  }
0x118: {  	v0 =	vadd.s32 $0x400, v0;
	[tilespmem:$0x4E40] =	vst v51  }
0x119: {  	[tilespmem:$0x4EC0] =	vst v0  }
0x11a: {  	v0 =	vld [tilespmem:s17+$0xFFFFFFE0];
	_ =	sdelay $0x4  }
0x11b: {  	v52 =	vshrl.u32 v0, $0x18;
	v53 =	vshll.u32 v0, $0x2;
	v54 =	vshrl.u32 v0, $0x6  }
0x11c: {  	v0 =	vshrl.u32 v0, $0xE;
	v2 =	vand.u32 $0x3FC, v53;
	v3 =	vand.u32 $0x3FC, v54  }
0x11d: {  	v0 =	vand.u32 $0x3FC, v0;
	v2 =	vadd.s32 v52, v2;
	v3 =	vadd.s32 v52, v3  }
0x11e: {  	v0 =	vadd.s32 v52, v0;
	[tilespmem:$0x4DD0] =	vst v2;
	v55 =	vadd.s32 $0x200, v3  }
0x11f: {  	v0 =	vadd.s32 $0x400, v0;
	[tilespmem:$0x4E50] =	vst v55  }
0x120: {  	[tilespmem:$0x4ED0] =	vst v0  }
0x121: {  	v0 =	vld [tilespmem:s17+$0xFFFFFFF0];
	_ =	sdelay $0x4  }
0x122: {  	v56 =	vshrl.u32 v0, $0x18;
	v57 =	vshll.u32 v0, $0x2;
	v58 =	vshrl.u32 v0, $0x6  }
0x123: {  	v0 =	vshrl.u32 v0, $0xE;
	v2 =	vand.u32 $0x3FC, v57;
	v3 =	vand.u32 $0x3FC, v58  }
0x124: {  	v0 =	vand.u32 $0x3FC, v0;
	v2 =	vadd.s32 v56, v2;
	v3 =	vadd.s32 v56, v3  }
0x125: {  	v0 =	vadd.s32 v56, v0;
	[tilespmem:$0x4DE0] =	vst v2;
	v59 =	vadd.s32 $0x200, v3  }
0x126: {  	v0 =	vadd.s32 $0x400, v0;
	[tilespmem:$0x4E60] =	vst v59  }
0x127: {  	[tilespmem:$0x4EE0] =	vst v0  }
0x128: {  	v0 =	vld [tilespmem:s17+$0x0];
	_ =	sdelay $0x4  }
0x129: {  	v60 =	vshrl.u32 v0, $0x18;
	v61 =	vshll.u32 v0, $0x2;
	v62 =	vshrl.u32 v0, $0x6  }
0x12a: {  	s16 =	sadd.s32 $0x3, s20;
	v0 =	vshrl.u32 v0, $0xE;
	v2 =	vand.u32 $0x3FC, v61;
	v3 =	vand.u32 $0x3FC, v62  }
0x12b: {  	p1 =	slt.s32 s16, $0x61A;
	p2 =	sgt.u32 s16, $0x61A;
	v0 =	vand.u32 $0x3FC, v0;
	v2 =	vadd.s32 v60, v2;
	v3 =	vadd.s32 v60, v3  }
0x12c: {  	s16 =	simm.s32 @!p1 $0x61A;
	p1 =	seq.s32 s20, $0x617;
	s20 =	simm.s32 $0xFFFFFFC0;
	v0 =	vadd.s32 v60, v0;
	[tilespmem:$0x4DF0] =	vst v2;
	v63 =	vadd.s32 $0x200, v3  }
0x12d: {  	s16 =	sshll.u32 s16, $0x7;
	s20 =	simm.s32 @!p1 $0x0;
	v0 =	vadd.s32 $0x400, v0;
	[tilespmem:$0x4E70] =	vst v63  }
0x12e: {  	s29 =	simm.s32 $0x4D80;
	s16 =	sadd.s32 s16, s20;
	[tilespmem:$0x4EF0] =	vst v0  }
0x12f: {  	[tilespmem:s30], [sflag:$0x5] =	stream.indirect.gather [spmem:s3], $0x80, s29, s21, $0xb8;
	[tilespmem:$0x1CF00] =	vst v63  }
0x130: {  	s16 =	sshrl.u32 s16, $0x3  }
0x131: {  	[tilespmem:s2], [sflag:$0x6] =	stream.indirect.gather [spmem:s3], $0x80, s31, s21, $0xb8;
	[tilespmem:$0x1CF00] =	vst v63  }
0x132: {  	s16 =	smul.u32 $0x180, s16  }
0x133: {  	[tilespmem:s4], [sflag:$0x7] =	stream.indirect.gather [spmem:s3], $0x80, s0, s21, $0xb8;
	[tilespmem:$0x1CF00] =	vst v63  }
0x134: {  	_ =	swait.ge [sflag:s11], $0x4000  }
0x135: {  	s16 =	simm.s32 @p2 $0x0;
	[sflag:s11] =	ssyncset.done $0x0  }
0x136: {  	s20 =	sadd.s32 s1, s16;
	[sflag:s11] =	ssyncadd.s32 $0xFFFFC000  }
0x137: {  	[hbm4b:s20+s5] =	stream.strided.scatter [tilespmem:s30], [sflag:$0x9], $0x4000, s6, s5, $0x38;
	[tilespmem:$0x1CF00] =	vst v63  }
0x138: {  	_ =	swait.ge [sflag:s12], $0x4000  }
0x139: {  	[sflag:s12] =	ssyncset.done $0x0  }
0x13a: {  	p1 =	sne.s32 s19, $0x2C;
	s20 =	sadd.s32 s16, s7;
	[sflag:s12] =	ssyncadd.s32 $0xFFFFC000  }
0x13b: {  	[hbm4b:s20+s5] =	stream.strided.scatter [tilespmem:s2], [sflag:$0x9], $0x4000, s6, s5, $0x38;
	[tilespmem:$0x1CF00] =	vst v63  }
.Ltmp0:
0x13c: {  	_ = 	snop;
	(pc) =	sbr.rel @p1 .LBB2_2-.Ltmp0, $4  }
0x13d: {  	_ =	swait.ge [sflag:s13], $0x4000  }
0x13e: {  	s19 =	sadd.s32 $0x2, s19;
	[sflag:s13] =	ssyncset.done $0x0  }
0x13f: {  	s17 =	sadd.s32 $0x100, s17;
	s16 =	sadd.s32 s16, s9;
	[sflag:s13] =	ssyncadd.s32 $0xFFFFC000  }
0x140: {  	[hbm4b:s16+s5] =	stream.strided.scatter [tilespmem:s4], [sflag:$0x9], $0x4000, s6, s5, $0x38;
	[tilespmem:$0x1CF00] =	vst v63  }
0x141: {  	_ =	swait.ge [sflag:s14], $0x4000  }
0x142: {  	[sflag:s14] =	ssyncset.done $0x0  }
0x143: {  	[sflag:s14] =	ssyncadd.s32 $0xFFFFC000  }
0x144: {  	_ =	swait.ge [sflag:s14], $0x4000  }
0x145: {  	[sflag:s14] =	ssyncset.done $0x0  }
0x146: {  	[sflag:s14] =	ssyncadd.s32 $0xFFFFC000  }
0x147: {  	_ =	swait.ge [sflag:s14], $0x4000  }
0x148: {  	[sflag:s14] =	ssyncset.done $0x0  }
0x149: {  	[sflag:s14] =	ssyncadd.s32 $0xFFFFC000  }
0x14a: {  	v0 =	vld [tilespmem:$0x4800]  }
0x14b: {  	v1 =	vld [tilespmem:$0x4810]  }
0x14c: {  	v55 =	vld [tilespmem:$0x4820]  }
0x14d: {  	v58 =	vld [tilespmem:$0x4830];
	_ =	sdelay $0x1  }
0x14e: {  	v12 =	vld [tilespmem:$0x4840];
	v2 =	vshrl.u32 v0, $0x18;
	v3 =	vshrl.u32 v0, $0x6;
	v4 =	vshrl.u32 v0, $0xE  }
0x14f: {  	v23 =	vld [tilespmem:$0x4850];
	v0 =	vshll.u32 v0, $0x2;
	v5 =	vshrl.u32 v1, $0x18;
	v6 =	vshrl.u32 v1, $0x6  }
0x150: {  	v33 =	vld [tilespmem:$0x4860];
	v7 =	vshrl.u32 v1, $0xE;
	v1 =	vshll.u32 v1, $0x2;
	v8 =	vshrl.u32 v55, $0x18  }
0x151: {  	v9 =	vshrl.u32 v55, $0x6;
	v10 =	vshrl.u32 v55, $0xE;
	v13 =	vshrl.u32 v58, $0x18  }
0x152: {  	v14 =	vshrl.u32 v58, $0x6;
	v15 =	vshrl.u32 v58, $0xE;
	v16 =	vshll.u32 v58, $0x2  }
0x153: {  	v24 =	vshrl.u32 v12, $0x18;
	v25 =	vshrl.u32 v12, $0x6;
	v26 =	vshrl.u32 v12, $0xE  }
0x154: {  	v27 =	vshll.u32 v12, $0x2;
	v34 =	vshrl.u32 v23, $0x18;
	v35 =	vshrl.u32 v23, $0x6  }
0x155: {  	v36 =	vshrl.u32 v23, $0xE;
	v37 =	vshll.u32 v23, $0x2;
	v46 =	vshrl.u32 v33, $0x18  }
0x156: {  	v47 =	vshrl.u32 v33, $0x6;
	v48 =	vshrl.u32 v33, $0xE;
	v0 =	vand.u32 $0x3FC, v0  }
0x157: {  	v3 =	vand.u32 $0x3FC, v3;
	v1 =	vand.u32 $0x3FC, v1;
	v0 =	vadd.s32 v2, v0  }
0x158: {  	v4 =	vand.u32 $0x3FC, v4;
	v3 =	vadd.s32 v2, v3;
	v1 =	vadd.s32 v5, v1;
	[tilespmem:$0x4C00] =	vst v0  }
0x159: {  	v6 =	vand.u32 $0x3FC, v6;
	v4 =	vadd.s32 v2, v4;
	v53 =	vadd.s32 $0x200, v3;
	[tilespmem:$0x4C10] =	vst v1  }
0x15a: {  	v7 =	vand.u32 $0x3FC, v7;
	v6 =	vadd.s32 v5, v6;
	v54 =	vadd.s32 $0x400, v4;
	[tilespmem:$0x4C80] =	vst v53  }
0x15b: {  	v9 =	vand.u32 $0x3FC, v9;
	v7 =	vadd.s32 v5, v7;
	v56 =	vadd.s32 $0x200, v6;
	[tilespmem:$0x4D00] =	vst v54  }
0x15c: {  	v10 =	vand.u32 $0x3FC, v10;
	v60 =	vadd.s32 v8, v9;
	v57 =	vadd.s32 $0x400, v7;
	[tilespmem:$0x4C90] =	vst v56  }
0x15d: {  	v17 =	vand.u32 $0x3FC, v14;
	v61 =	vadd.s32 v8, v10;
	v62 =	vadd.s32 $0x200, v60;
	[tilespmem:$0x4D10] =	vst v57  }
0x15e: {  	v18 =	vand.u32 $0x3FC, v15;
	v19 =	vadd.s32 v13, v17;
	v63 =	vadd.s32 $0x400, v61;
	[tilespmem:$0x4CA0] =	vst v62  }
0x15f: {  	v28 =	vand.u32 $0x3FC, v26;
	v20 =	vadd.s32 v13, v18;
	v21 =	vadd.s32 $0x200, v19;
	[tilespmem:$0x4D20] =	vst v63  }
0x160: {  	v38 =	vand.u32 $0x3FC, v35;
	v30 =	vadd.s32 v24, v28;
	v22 =	vadd.s32 $0x400, v20;
	[tilespmem:$0x4CB0] =	vst v21  }
0x161: {  	v39 =	vand.u32 $0x3FC, v36;
	v41 =	vadd.s32 v34, v38;
	v32 =	vadd.s32 $0x400, v30;
	[tilespmem:$0x4D30] =	vst v22  }
0x162: {  	v49 =	vshll.u32 v33, $0x2;
	v42 =	vadd.s32 v34, v39;
	v43 =	vadd.s32 $0x200, v41;
	[tilespmem:$0x4D40] =	vst v32  }
0x163: {  	v45 =	vld [tilespmem:$0x4870];
	v4 =	vshll.u32 v55, $0x2;
	v1 =	vand.u32 $0x3FC, v16;
	v44 =	vadd.s32 $0x400, v42;
	[tilespmem:$0x4CD0] =	vst v43  }
0x164: {  	v7 =	vand.u32 $0x3FC, v25;
	v59 =	vand.u32 $0x3FC, v4;
	v1 =	vadd.s32 v13, v1;
	[tilespmem:$0x4D50] =	vst v44  }
0x165: {  	v50 =	vand.u32 $0x3FC, v47;
	v29 =	vadd.s32 v24, v7;
	v0 =	vadd.s32 v8, v59;
	[tilespmem:$0x4C30] =	vst v1  }
0x166: {  	v51 =	vand.u32 $0x3FC, v48;
	v52 =	vadd.s32 v46, v50;
	v31 =	vadd.s32 $0x200, v29;
	[tilespmem:$0x4C20] =	vst v0  }
0x167: {  	v40 =	vand.u32 $0x3FC, v37;
	v53 =	vadd.s32 v46, v51;
	v1 =	vadd.s32 $0x200, v52;
	[tilespmem:$0x4CC0] =	vst v31  }
0x168: {  	v2 =	vand.u32 $0x3FC, v27;
	v55 =	vshrl.u32 v45, $0x18;
	v54 =	vadd.s32 $0x400, v53;
	[tilespmem:$0x4CE0] =	vst v1  }
0x169: {  	v60 =	vshrl.u32 v45, $0xE;
	v56 =	vshll.u32 v45, $0x2;
	v0 =	vadd.s32 v24, v2;
	[tilespmem:$0x4D60] =	vst v54  }
0x16a: {  	v57 =	vshrl.u32 v45, $0x6;
	v58 =	vand.u32 $0x3FC, v56;
	[tilespmem:$0x4C40] =	vst v0;
	v0 =	vadd.s32 v34, v40  }
0x16b: {  	v59 =	vand.u32 $0x3FC, v57;
	v1 =	vadd.s32 v55, v58;
	[tilespmem:$0x4C50] =	vst v0;
	v0 =	vand.u32 $0x3FC, v49  }
0x16c: {  	v62 =	vand.u32 $0x3FC, v60;
	v61 =	vadd.s32 v55, v59;
	[tilespmem:$0x4C70] =	vst v1;
	v0 =	vadd.s32 v46, v0  }
0x16d: {  	v63 =	vadd.s32 $0x200, v61;
	[tilespmem:$0x4C60] =	vst v0;
	v0 =	vadd.s32 v55, v62  }
0x16e: {  	[tilespmem:$0x4CF0] =	vst v63;
	v0 =	vadd.s32 $0x400, v0  }
0x16f: {  	[tilespmem:$0x4D70] =	vst v0  }
0x170: {  	[tilespmem:s23], [sflag:$0x2] =	stream.indirect.gather [spmem:s3], $0x80, s22, s21, $0xb8;
	[tilespmem:$0x1CF00] =	vst v63  }
0x171: {  	_ = 	snop  }
0x172: {  	[tilespmem:s25], [sflag:$0x3] =	stream.indirect.gather [spmem:s3], $0x80, s24, s21, $0xb8;
	[tilespmem:$0x1CF00] =	vst v63  }
0x173: {  	_ = 	snop  }
0x174: {  	[tilespmem:s28], [sflag:$0x4] =	stream.indirect.gather [spmem:s3], $0x80, s26, s21, $0xb8;
	[tilespmem:$0x1CF00] =	vst v63  }
0x175: {  	_ =	swait.ge [sflag:s18], $0x4000  }
0x176: {  	[sflag:s18] =	ssyncset.done $0x0  }
0x177: {  	s16 =	rddreg [dreg:$0xd];
	[sflag:s18] =	ssyncadd.s32 $0xFFFFC000  }
0x178: {  	[hbm4b:s16+s5] =	stream.strided.scatter [tilespmem:s23], [sflag:$0x8], $0x4000, s6, s5, $0x38;
	[tilespmem:$0x1CF00] =	vst v63  }
0x179: {  	_ =	swait.ge [sflag:s8], $0x4000  }
0x17a: {  	[sflag:s8] =	ssyncset.done $0x0  }
0x17b: {  	s17 =	rddreg [dreg:$0xe];
	[sflag:s8] =	ssyncadd.s32 $0xFFFFC000  }
0x17c: {  	[hbm4b:s17+s5] =	stream.strided.scatter [tilespmem:s25], [sflag:$0x8], $0x4000, s6, s5, $0x38;
	[tilespmem:$0x1CF00] =	vst v63  }
0x17d: {  	_ =	swait.ge [sflag:s10], $0x4000  }
0x17e: {  	[sflag:s10] =	ssyncset.done $0x0  }
0x17f: {  	s19 =	rddreg [dreg:$0xf];
	[sflag:s10] =	ssyncadd.s32 $0xFFFFC000  }
0x180: {  	[hbm4b:s19+s5] =	stream.strided.scatter [tilespmem:s28], [sflag:$0x8], $0x4000, s6, s5, $0x38;
	[tilespmem:$0x1CF00] =	vst v63  }
0x181: {  	_ =	swait.ge [sflag:s15], $0x4000  }
0x182: {  	[sflag:s15] =	ssyncset.done $0x0  }
0x183: {  	[sflag:s15] =	ssyncadd.s32 $0xFFFFC000  }
0x184: {  	_ =	swait.ge [sflag:s15], $0x4000  }
0x185: {  	[sflag:s15] =	ssyncset.done $0x0  }
0x186: {  	[sflag:s15] =	ssyncadd.s32 $0xFFFFC000  }
0x187: {  	_ =	swait.ge [sflag:s15], $0x4000  }
0x188: {  	[sflag:s15] =	ssyncset.done $0x0  }
0x189: {  	[sflag:s15] =	ssyncadd.s32 $0xFFFFC000  }
0x18a: {  	_ =	swait.ge [sflag:s14], $0x4000  }
0x18b: {  	[sflag:s14] =	ssyncset.done $0x0  }
0x18c: {  	[sflag:s14] =	ssyncadd.s32 $0xFFFFC000  }
0x18d: {  	_ =	swait.ge [sflag:s14], $0x4000  }
0x18e: {  	[sflag:s14] =	ssyncset.done $0x0  }
0x18f: {  	[sflag:s14] =	ssyncadd.s32 $0xFFFFC000  }
0x190: {  	_ =	swait.ge [sflag:s14], $0x4000  }
0x191: {  	s17 =	rddreg [dreg:$0x12]  }
0x192: {  	s20 =	rddreg [dreg:$0x10];
	s17 =	sadd.s32 $0x1, s17  }
0x193: {  	p1 =	sne.s32 s17, s20  }
.Ltmp1:
0x194: {  	_ = 	snop;
	(pc) =	sbr.rel @p1 .LBB2_1-.Ltmp1, $3  }
0x195: {  	_ =	sdelay $0x1  }
0x196: {  	[sflag:s14] =	ssyncset.done $0x0  }
0x197: {  	[sflag:s14] =	ssyncadd.s32 $0xFFFFC000  }
0x198: {  	_ =	sfence.sel $0x180000  }
0x199: {  	[bflag:$0x0] =	sbarrier.arrive $0xFFFF  }
0x19a: {  	_ =	strace $0x90000047  }
0x19b: {  	[bflag:$0x2] =	sbarrier.arrive $0xFFFF  }
0x19c: {  	s0 =	rddreg [dreg:$0x4]  }
0x19d: {  	s0 =	sadd.s32 @!p0 $0x100000, s0  }
0x19e: {  	[sflag:s0] =	ssyncadd.tile.s32 @!p0 $0x1;
	_ =	shalt  }
.Lfunc_end2:
_tile_overlayer_lowered:
.L_overlay_start_2:
0x19f: {  	(tag) =	ssettag $0x2  }
0x1a0: {  	s0 =	rddreg [dreg:$0x0];
	s2 =	stileid.u32  }
0x1a1: {  	s1 =	rddreg [dreg:$0x1];
	p0 =	sne.s32 s2, $0x0  }
0x1a2: {  	s3 =	rddreg [dreg:$0x2];
	[bflag:$0x3] =	sbarrier.arrive $0xFFFF;
	s2 =	simm.s32 @!p0 $0x1C0A  }
0x1a3: {  	[timem:s3], [sflag:s2] =	dma.local @!p0 [hbm:s0], s1  }
0x1a4: {  	s0 =	simm.s32 @!p0 $0xA  }
0x1a5: {  	_ =	swait.ge @!p0 [sflag:s0], s1  }
0x1a6: {  	s1 =	ssub.s32 @!p0 $0x0, s1;
	[sflag:s0] =	ssyncset.done @!p0 $0x0  }
0x1a7: {  	[sflag:s0] =	ssyncadd.s32 @!p0 s1  }
0x1a8: {  	[bflag:$0x3] =	sbarrier.arrive $0xFFFF  }
0x1a9: {  	_ =	shalt  }

</sc_bundles>
